<compile_context>
chip_gen: v7x
topology: tpu7x:2x2x1
jax: 0.10.2.dev20260603
libtpu: 0.0.44.dev20260713+nightly
codegen_flags: <defaults>
</compile_context>

<pallas_src>
import functools

import jax
import jax.numpy as jnp
from jax import lax
from jax.experimental import pallas as pl
from jax.experimental.pallas import tpu as pltpu
from jax.experimental.pallas import tpu_sc as plsc

_TOPK = 8
_BLK = 128
_BT = 128
_NC = 2
_NS = 16
_NW = _NC * _NS


def _softplus(v):
    return jnp.maximum(v, 0.0) + jnp.log(1.0 + jnp.exp(-jnp.abs(v)))


def _gelu_exact(v):
    return 0.5 * v * (1.0 + jax.lax.erf(v * 0.7071067811865476))


def _router_body(x_ref, noise_ref, wg_ref, bg_ref, wn_ref, bn_ref,
                 pos8_ref, gate8_ref, counts_ref, cnt_ref, off_ref,
                 call_ref):
    p = pl.program_id(0)
    b = pl.program_id(1)
    nb = pl.num_programs(1)

    @pl.when(jnp.logical_and(p == 0, b == 0))
    def _():
        cnt_ref[...] = jnp.zeros_like(cnt_ref)
        off_ref[...] = jnp.zeros_like(off_ref)

    xv = x_ref[...]
    logits = jnp.dot(xv, wg_ref[...], preferred_element_type=jnp.float32)
    logits = logits + bg_ref[...]
    nl = jnp.dot(xv, wn_ref[...], preferred_element_type=jnp.float32)
    nl = nl + bn_ref[...]
    noisy = logits + noise_ref[...] * _softplus(nl)

    ncols = noisy.shape[-1]
    colid = jax.lax.broadcasted_iota(jnp.int32, noisy.shape, 1)

    @pl.when(jnp.logical_and(p == 1, b == 0))
    def _():
        cntv = cnt_ref[0:1, :]
        upper = (jax.lax.broadcasted_iota(jnp.int32, (ncols, ncols), 0) <
                 jax.lax.broadcasted_iota(jnp.int32, (ncols, ncols), 1)
                 ).astype(jnp.float32)
        off_ref[0:1, :] = jnp.dot(cntv, upper,
                                  precision=jax.lax.Precision.HIGHEST,
                                  preferred_element_type=jnp.float32)

    posd = call_ref[pl.ds(b * _BT, _BT), :] + off_ref[0:1, :]

    work = noisy
    sel = jnp.zeros(noisy.shape, dtype=jnp.bool_)
    vals = []
    poss = []
    for _ in range(_TOPK):
        m = jnp.max(work, axis=-1, keepdims=True)
        ismax = work == m
        first = jnp.min(jnp.where(ismax, colid, ncols), axis=-1,
                        keepdims=True)
        pick = colid == first
        vals.append(m)
        poss.append(jnp.sum(jnp.where(pick, posd, 0.0), axis=-1,
                            keepdims=True))
        sel = jnp.logical_or(sel, pick)
        work = jnp.where(pick, -jnp.inf, work)

    mx = vals[0]
    exps = [jnp.exp(v - mx) for v in vals]
    denom = exps[0]
    for v in exps[1:]:
        denom = denom + v
    gate8 = jnp.concatenate([v / denom for v in exps], axis=1)
    pos8 = jnp.concatenate(poss, axis=1)

    pos8_ref[...] = pos8.astype(jnp.int32)
    gate8_ref[...] = gate8

    @pl.when(p == 0)
    def _():
        mask_f = sel.astype(jnp.float32)
        nrows = mask_f.shape[0]
        tril = (jax.lax.broadcasted_iota(jnp.int32, (nrows, nrows), 0) >
                jax.lax.broadcasted_iota(jnp.int32, (nrows, nrows), 1)
                ).astype(jnp.float32)
        call_ref[pl.ds(b * _BT, _BT), :] = (
            jnp.dot(tril, mask_f, precision=jax.lax.Precision.HIGHEST,
                    preferred_element_type=jnp.float32)
            + cnt_ref[0:1, :])
        newcnt = cnt_ref[0:1, :] + jnp.sum(mask_f, axis=0, keepdims=True)
        cnt_ref[0:1, :] = newcnt

        @pl.when(b == nb - 1)
        def _():
            counts_ref[...] = newcnt.astype(jnp.int32)


def _run_router(x2, noise2, Wg, bg, Wn, bn):
    T, D = x2.shape
    E = Wg.shape[1]
    nb = T // _BT
    return pl.pallas_call(
        _router_body,
        grid=(2, nb),
        in_specs=[
            pl.BlockSpec((_BT, D), lambda p, b: (b, 0)),
            pl.BlockSpec((_BT, E), lambda p, b: (b, 0)),
            pl.BlockSpec((D, E), lambda p, b: (0, 0)),
            pl.BlockSpec((1, E), lambda p, b: (0, 0)),
            pl.BlockSpec((D, E), lambda p, b: (0, 0)),
            pl.BlockSpec((1, E), lambda p, b: (0, 0)),
        ],
        out_specs=[
            pl.BlockSpec((_BT, _TOPK), lambda p, b: (b * p, 0)),
            pl.BlockSpec((_BT, _TOPK), lambda p, b: (b * p, 0)),
            pl.BlockSpec((1, E), lambda p, b: (0, 0)),
        ],
        out_shape=[
            jax.ShapeDtypeStruct((T, _TOPK), jnp.int32),
            jax.ShapeDtypeStruct((T, _TOPK), jnp.float32),
            jax.ShapeDtypeStruct((1, E), jnp.int32),
        ],
        scratch_shapes=[
            pltpu.VMEM((8, E), jnp.float32),
            pltpu.VMEM((8, E), jnp.float32),
            pltpu.VMEM((T, E), jnp.float32),
        ],
        compiler_params=pltpu.CompilerParams(
            dimension_semantics=("arbitrary", "arbitrary")),
    )(x2, noise2, Wg, bg.reshape(1, E), Wn, bn.reshape(1, E))


def _sc_dispatch(x2, posw):
    T, D = x2.shape
    A = T * _TOPK
    tw = T // _NW
    mesh = plsc.VectorSubcoreMesh(core_axis_name="c", subcore_axis_name="s")

    @functools.partial(
        pl.kernel,
        out_type=jax.ShapeDtypeStruct((A, D), jnp.float32),
        mesh=mesh,
        scratch_types=[
            pltpu.VMEM((_TOPK, tw), jnp.int32),
            pltpu.VMEM((tw, D), jnp.float32),
            pltpu.SemaphoreType.DMA,
        ],
    )
    def k(x_hbm, posw_hbm, xs_hbm, pos_v, rows_v, sem):
        wid = lax.axis_index("s") * _NC + lax.axis_index("c")
        base = wid * tw
        pltpu.sync_copy(posw_hbm.at[wid], pos_v)
        pltpu.sync_copy(x_hbm.at[pl.ds(base, tw)], rows_v)
        handles = [
            pltpu.async_copy(rows_v, xs_hbm.at[pos_v.at[kk]], sem)
            for kk in range(_TOPK)
        ]
        for h in handles:
            h.wait()

    return k(x2, posw)


def _gmm_body(em_ref, pm_ref, rs_ref, re_ref, xs_ref, w1_ref, b1_ref,
              w2_ref, b2_ref, w3_ref, b3_ref, wl_ref, bl_ref, eos_ref):
    i = pl.program_id(0)
    rs = rs_ref[i]
    re = re_ref[i]

    @pl.when(rs < re)
    def _():
        rowid = pm_ref[i] * _BLK + jax.lax.broadcasted_iota(
            jnp.int32, (_BLK, 1), 0)
        valid = jnp.logical_and(rowid >= rs, rowid < re)
        h = jnp.dot(xs_ref[...], w1_ref[0],
                    preferred_element_type=jnp.float32)
        h = _gelu_exact(h + b1_ref[0])
        h = jnp.dot(h, w2_ref[0], preferred_element_type=jnp.float32)
        h = _gelu_exact(h + b2_ref[0])
        h = jnp.dot(h, w3_ref[0], preferred_element_type=jnp.float32)
        h = h + b3_ref[0]
        eo = jnp.dot(h, wl_ref[0], preferred_element_type=jnp.float32)
        eo = eo + bl_ref[0]
        eos_ref[...] = jnp.where(valid, eo, eos_ref[...])


def _run_gmm(em, pm, rs, re, xs, W1, b1, W2, b2, W3, b3, Wl, bl, nlog):
    A, D = xs.shape
    E, _, H = W1.shape
    K2 = W2.shape[2]
    BOT = W3.shape[2]
    OUT = Wl.shape[2]
    grid_spec = pltpu.PrefetchScalarGridSpec(
        num_scalar_prefetch=4,
        grid=(nlog,),
        in_specs=[
            pl.BlockSpec((_BLK, D), lambda i, em, pm, rs, re: (pm[i], 0)),
            pl.BlockSpec((1, D, H), lambda i, em, pm, rs, re: (em[i], 0, 0)),
            pl.BlockSpec((1, 1, H), lambda i, em, pm, rs, re: (em[i], 0, 0)),
            pl.BlockSpec((1, H, K2), lambda i, em, pm, rs, re: (em[i], 0, 0)),
            pl.BlockSpec((1, 1, K2), lambda i, em, pm, rs, re: (em[i], 0, 0)),
            pl.BlockSpec((1, K2, BOT),
                         lambda i, em, pm, rs, re: (em[i], 0, 0)),
            pl.BlockSpec((1, 1, BOT),
                         lambda i, em, pm, rs, re: (em[i], 0, 0)),
            pl.BlockSpec((1, BOT, OUT),
                         lambda i, em, pm, rs, re: (em[i], 0, 0)),
            pl.BlockSpec((1, 1, OUT),
                         lambda i, em, pm, rs, re: (em[i], 0, 0)),
        ],
        out_specs=pl.BlockSpec((_BLK, OUT),
                               lambda i, em, pm, rs, re: (pm[i], 0)),
    )
    return pl.pallas_call(
        _gmm_body,
        grid_spec=grid_spec,
        out_shape=jax.ShapeDtypeStruct((A, OUT), jnp.float32),
        compiler_params=pltpu.CompilerParams(
            dimension_semantics=("arbitrary",)),
    )(em, pm, rs, re, xs, W1, b1.reshape(E, 1, H), W2,
      b2.reshape(E, 1, K2), W3, b3.reshape(E, 1, BOT), Wl,
      bl.reshape(E, 1, OUT))


def _sc_combine(eos, posw):
    A, D = eos.shape
    T = A // _TOPK
    tw = T // _NW
    mesh = plsc.VectorSubcoreMesh(core_axis_name="c", subcore_axis_name="s")

    @functools.partial(
        pl.kernel,
        out_type=jax.ShapeDtypeStruct((_TOPK, T, D), jnp.float32),
        mesh=mesh,
        scratch_types=[
            pltpu.VMEM((_TOPK, tw), jnp.int32),
            pltpu.VMEM((tw, D), jnp.float32),
            pltpu.SemaphoreType.DMA,
        ],
    )
    def k(eos_hbm, posw_hbm, eok_hbm, pos_v, buf_v, sem):
        wid = lax.axis_index("s") * _NC + lax.axis_index("c")
        base = wid * tw
        pltpu.sync_copy(posw_hbm.at[wid], pos_v)
        for kk in range(_TOPK):
            pltpu.async_copy(eos_hbm.at[pos_v.at[kk]], buf_v, sem).wait()
            pltpu.sync_copy(buf_v, eok_hbm.at[kk, pl.ds(base, tw)])

    return k(eos, posw)


def _combine_body(eok_ref, g8_ref, gamma_ref, beta_ref, out_ref):
    g8 = g8_ref[...]
    acc = eok_ref[0] * g8[:, 0:1]
    for kk in range(1, _TOPK):
        acc = acc + eok_ref[kk] * g8[:, kk:kk + 1]
    mu = jnp.mean(acc, axis=-1, keepdims=True)
    c = acc - mu
    var = jnp.mean(c * c, axis=-1, keepdims=True)
    out_ref[...] = c * jax.lax.rsqrt(var + 1e-5) * gamma_ref[...] \
        + beta_ref[...]


def _run_combine(eok, gate8, gamma, beta):
    _, T, D = eok.shape
    nb = T // _BT
    return pl.pallas_call(
        _combine_body,
        grid=(nb,),
        in_specs=[
            pl.BlockSpec((_TOPK, _BT, D), lambda b: (0, b, 0)),
            pl.BlockSpec((_BT, _TOPK), lambda b: (b, 0)),
            pl.BlockSpec((1, D), lambda b: (0, 0)),
            pl.BlockSpec((1, D), lambda b: (0, 0)),
        ],
        out_specs=pl.BlockSpec((_BT, D), lambda b: (b, 0)),
        out_shape=jax.ShapeDtypeStruct((T, D), jnp.float32),
        compiler_params=pltpu.CompilerParams(
            dimension_semantics=("arbitrary",)),
    )(eok, gate8, gamma.reshape(1, D), beta.reshape(1, D))


def _block_metadata(counts, A, E):
    np_ = A // _BLK
    nlog = np_ + E - 1
    ends = jnp.cumsum(counts)
    starts = ends - counts
    first = starts // _BLK
    last = jnp.where(counts > 0, (ends - 1) // _BLK, first)
    nb = jnp.where(counts > 0, last - first + 1, 0)
    cnb = jnp.cumsum(nb)
    j = jnp.arange(nlog, dtype=jnp.int32)
    e_j = jnp.searchsorted(cnb, j, side="right").astype(jnp.int32)
    valid = e_j < E
    e_c = jnp.minimum(e_j, E - 1)
    cnb_ex = jnp.concatenate([jnp.zeros((1,), cnb.dtype), cnb[:-1]])
    local = j - cnb_ex[e_c]
    phys = jnp.where(valid, first[e_c] + local, np_ - 1).astype(jnp.int32)
    rs = jnp.where(valid, jnp.maximum(starts[e_c], phys * _BLK),
                   1).astype(jnp.int32)
    re = jnp.where(valid, jnp.minimum(ends[e_c], (phys + 1) * _BLK),
                   0).astype(jnp.int32)
    return e_c.astype(jnp.int32), phys, rs, re, nlog


def kernel(x, noise, Wg, bg, Wn, bn, W1, b1, W2, b2, W3, b3, Wl, bl, gamma,
           beta):
    B, N, D = x.shape
    E = Wg.shape[1]
    OUT = Wl.shape[2]
    T = B * N
    A = T * _TOPK
    x2 = x.reshape(T, D)
    noise2 = noise.reshape(T, E)

    pos8, gate8, counts2 = _run_router(x2, noise2, Wg, bg, Wn, bn)
    posw = pos8.T.reshape(_TOPK, _NW, T // _NW).transpose(1, 0, 2)

    xs = _sc_dispatch(x2, posw)
    em, pm, rs, re, nlog = _block_metadata(counts2[0], A, E)
    eos = _run_gmm(em, pm, rs, re, xs, W1, b1, W2, b2, W3, b3, Wl, bl, nlog)
    eok = _sc_combine(eos, posw)
    out = _run_combine(eok, gate8, gamma, beta)
    return out.reshape(B, N, OUT)

# --- scband reference (transcript-rebuilt; emitter-appended) ---
"""Pipeline reference for scband-moedecoder-1108101562790 (READ-ONLY COPY).

The authoritative reference and input builder live on the scoring server;
editing this copy changes nothing except your own understanding.
"""

import jax, jax.numpy as jnp
import numpy as np

E = 64
TOP_K = 8


def _xavier(k, shape):
    fan_in, fan_out = shape[-2], shape[-1]
    lim = float(np.sqrt(6.0 / (fan_in + fan_out)))
    return jax.random.uniform(k, shape, jnp.float32, -lim, lim)


def setup_inputs(seed: int = 0):
    key = jax.random.key(seed)
    ks = jax.random.split(key, 12)
    B, N, D = 1, 2048, 768
    H, BOT, OUT = 1024, 256, 768
    x = jax.random.normal(ks[0], (B, N, D), dtype=jnp.float32)
    noise = jax.random.normal(ks[1], (B, N, E), dtype=jnp.float32)
    Wg = _xavier(ks[2], (D, E)); bg = jnp.zeros((E,), jnp.float32)
    Wn = _xavier(ks[3], (D, E)); bn = jnp.zeros((E,), jnp.float32)
    W1 = _xavier(ks[4], (E, D, H)); b1 = jnp.zeros((E, H), jnp.float32)
    W2 = _xavier(ks[5], (E, H, H)); b2 = jnp.zeros((E, H), jnp.float32)
    W3 = _xavier(ks[6], (E, H, BOT)); b3 = jnp.zeros((E, BOT), jnp.float32)
    Wl = _xavier(ks[7], (E, BOT, OUT)); bl = jnp.zeros((E, OUT), jnp.float32)
    gamma = jnp.ones((OUT,), jnp.float32)
    beta = jnp.zeros((OUT,), jnp.float32)
    return {"x": x, "noise": noise, "Wg": Wg, "bg": bg, "Wn": Wn, "bn": bn,
            "W1": W1, "b1": b1, "W2": W2, "b2": b2, "W3": W3, "b3": b3,
            "Wl": Wl, "bl": bl, "gamma": gamma, "beta": beta}


def reference(x, noise, Wg, bg, Wn, bn, W1, b1, W2, b2, W3, b3, Wl, bl, gamma, beta):
    B, N, D = x.shape
    # NoisyTopkRouter
    logits = jnp.einsum('bnd,de->bne', x, Wg) + bg
    noise_logits = jnp.einsum('bnd,de->bne', x, Wn) + bn
    noisy = logits + noise * jax.nn.softplus(noise_logits)
    top_v, top_i = jax.lax.top_k(noisy, TOP_K)
    sparse = jnp.full_like(noisy, -jnp.inf)
    bi = jnp.arange(B)[:, None, None]
    ni = jnp.arange(N)[None, :, None]
    sparse = sparse.at[bi, ni, top_i].set(top_v)
    gates = jax.nn.softmax(sparse, axis=-1)  # exactly 0 for non-top-k experts
    # Experts: dense-equivalent formulation. Since gate weights are exactly 0
    # for unselected experts, sum_i gate_i * Expert_i(x) equals the torch
    # masked-dispatch loop bit-for-bit in math.
    T = B * N
    fx = x.reshape(T, D)
    fg = gates.reshape(T, E)
    h = jax.nn.gelu(jnp.einsum('td,edh->eth', fx, W1) + b1[:, None, :], approximate=False)
    h = jax.nn.gelu(jnp.einsum('eth,ehk->etk', h, W2) + b2[:, None, :], approximate=False)
    h = jnp.einsum('etk,ekb->etb', h, W3) + b3[:, None, :]
    eo = jnp.einsum('etb,ebo->eto', h, Wl) + bl[:, None, :]
    mixed = jnp.einsum('eto,te->to', eo, fg)
    out = mixed.reshape(B, N, -1)
    # decoder_norm (LayerNorm, eps=1e-5)
    mu = jnp.mean(out, axis=-1, keepdims=True)
    var = jnp.var(out, axis=-1, keepdims=True)
    out = (out - mu) / jnp.sqrt(var + 1e-5) * gamma + beta
    return out

if __name__ == "__main__":
    import jax
    _d = setup_inputs()
    print(jax.jit(kernel)(*tuple(_d.values())))

</pallas_src>

<mosaic_0001>
#map = affine_map<(d0, d1) -> (0, 0)>
#map1 = affine_map<(d0, d1) -> (0, 0, 0)>
module attributes {stable_mosaic.version = 14 : i64} {
  func.func @k(%arg0: i32, %arg1: i32, %arg2: memref<2048x768xf32, #tpu.memory_space<hbm>>, %arg3: memref<32x8x64xi32, #tpu.memory_space<hbm>>, %arg4: memref<16384x768xf32, #tpu.memory_space<hbm>>, %arg5: memref<8x64xi32, #tpu.memory_space<vmem>>, %arg6: memref<64x768xf32, #tpu.memory_space<vmem>>, %arg7: memref<!tpu.dma_semaphore, #tpu.memory_space<semaphore_mem>>) attributes {dimension_semantics = [#tpu.dimension_semantics<core_parallel>, #tpu.dimension_semantics<subcore_parallel>], iteration_bounds = array<i64: 2, 16>, scalar_prefetch = 0 : i64, scratch_operands = 3 : i64, tpu.core_type = #tpu.core_type<sc_vector_subcore>, window_params = [{transform_indices = #map}, {transform_indices = #map1}, {transform_indices = #map}]} {
    %mul3A = arith.constant 2 : i32
    %mul3A_0 = arith.muli %arg1, %mul3A : i32
    %add3A = arith.addi %mul3A_0, %arg0 : i32
    %mul3A_1 = arith.constant 64 : i32
    %mul3A_2 = arith.muli %add3A, %mul3A_1 : i32
    "tpu.region"() ({
      %run_scoped3A = tpu.sem_alloc : memref<!tpu.dma_semaphore, #tpu.memory_space<semaphore_mem>>
      %dma_start3A_113 = arith.constant 0 : i32
      %dma_start3A_114 = arith.constant 0 : i32
      %dma_start3A_115 = tpu.memref_slice %arg3[%add3A, %dma_start3A_113, %dma_start3A_114] : memref<32x8x64xi32, #tpu.memory_space<hbm>> -> memref<1x8x64xi32, #tpu.memory_space<hbm>>
      %dma_start3A_116 = tpu.memref_squeeze %dma_start3A_115 : memref<1x8x64xi32, #tpu.memory_space<hbm>> -> memref<8x64xi32, #tpu.memory_space<hbm>>
      %dma_start3A_117 = arith.constant 0 : i32
      %dma_start3A_118 = arith.constant 0 : i32
      %dma_start3A_119 = tpu.memref_slice %arg3[%add3A, %dma_start3A_117, %dma_start3A_118] : memref<32x8x64xi32, #tpu.memory_space<hbm>> -> memref<1x8x64xi32, #tpu.memory_space<hbm>>
      %dma_start3A_120 = tpu.memref_squeeze %dma_start3A_119 : memref<1x8x64xi32, #tpu.memory_space<hbm>> -> memref<8x64xi32, #tpu.memory_space<hbm>>
      tpu.enqueue_dma source(%dma_start3A_120 : memref<8x64xi32, #tpu.memory_space<hbm>>) target(%arg5 : memref<8x64xi32, #tpu.memory_space<vmem>>) target_semaphore(%run_scoped3A : memref<!tpu.dma_semaphore, #tpu.memory_space<semaphore_mem>>)
      %dma_wait3A_121 = arith.constant 0 : i32
      %dma_wait3A_122 = arith.constant 0 : i32
      %dma_wait3A_123 = tpu.memref_slice %arg3[%add3A, %dma_wait3A_121, %dma_wait3A_122] : memref<32x8x64xi32, #tpu.memory_space<hbm>> -> memref<1x8x64xi32, #tpu.memory_space<hbm>>
      %dma_wait3A_124 = tpu.memref_squeeze %dma_wait3A_123 : memref<1x8x64xi32, #tpu.memory_space<hbm>> -> memref<8x64xi32, #tpu.memory_space<hbm>>
      %dma_wait3A_125 = arith.constant 0 : i32
      %dma_wait3A_126 = arith.constant 0 : i32
      %dma_wait3A_127 = tpu.memref_slice %arg3[%add3A, %dma_wait3A_125, %dma_wait3A_126] : memref<32x8x64xi32, #tpu.memory_space<hbm>> -> memref<1x8x64xi32, #tpu.memory_space<hbm>>
      %dma_wait3A_128 = tpu.memref_squeeze %dma_wait3A_127 : memref<1x8x64xi32, #tpu.memory_space<hbm>> -> memref<8x64xi32, #tpu.memory_space<hbm>>
      tpu.wait_dma2 semaphore(%run_scoped3A : memref<!tpu.dma_semaphore, #tpu.memory_space<semaphore_mem>>) src(%dma_wait3A_128 : memref<8x64xi32, #tpu.memory_space<hbm>>) dst(%arg5 : memref<8x64xi32, #tpu.memory_space<vmem>>)
      tpu.yield
    }) : () -> ()
    "tpu.region"() ({
      %run_scoped3A = tpu.sem_alloc : memref<!tpu.dma_semaphore, #tpu.memory_space<semaphore_mem>>
      %dma_start3A_113 = arith.constant 0 : i32
      %dma_start3A_114 = tpu.memref_slice %arg2[%mul3A_2, %dma_start3A_113] : memref<2048x768xf32, #tpu.memory_space<hbm>> -> memref<64x768xf32, #tpu.memory_space<hbm>>
      %dma_start3A_115 = arith.constant 0 : i32
      %dma_start3A_116 = tpu.memref_slice %arg2[%mul3A_2, %dma_start3A_115] : memref<2048x768xf32, #tpu.memory_space<hbm>> -> memref<64x768xf32, #tpu.memory_space<hbm>>
      tpu.enqueue_dma source(%dma_start3A_116 : memref<64x768xf32, #tpu.memory_space<hbm>>) target(%arg6 : memref<64x768xf32, #tpu.memory_space<vmem>>) target_semaphore(%run_scoped3A : memref<!tpu.dma_semaphore, #tpu.memory_space<semaphore_mem>>)
      %dma_wait3A_117 = arith.constant 0 : i32
      %dma_wait3A_118 = tpu.memref_slice %arg2[%mul3A_2, %dma_wait3A_117] : memref<2048x768xf32, #tpu.memory_space<hbm>> -> memref<64x768xf32, #tpu.memory_space<hbm>>
      %dma_wait3A_119 = arith.constant 0 : i32
      %dma_wait3A_120 = tpu.memref_slice %arg2[%mul3A_2, %dma_wait3A_119] : memref<2048x768xf32, #tpu.memory_space<hbm>> -> memref<64x768xf32, #tpu.memory_space<hbm>>
      tpu.wait_dma2 semaphore(%run_scoped3A : memref<!tpu.dma_semaphore, #tpu.memory_space<semaphore_mem>>) src(%dma_wait3A_120 : memref<64x768xf32, #tpu.memory_space<hbm>>) dst(%arg6 : memref<64x768xf32, #tpu.memory_space<vmem>>)
      tpu.yield
    }) : () -> ()
    %dma_start3A = arith.constant 0 : i32
    %dma_start3A_3 = arith.constant 0 : i32
    %dma_start3A_4 = tpu.memref_slice %arg5[%dma_start3A, %dma_start3A_3] : memref<8x64xi32, #tpu.memory_space<vmem>> -> memref<1x64xi32, #tpu.memory_space<vmem>>
    %dma_start3A_5 = tpu.memref_squeeze %dma_start3A_4 : memref<1x64xi32, #tpu.memory_space<vmem>> -> memref<64xi32, #tpu.memory_space<vmem>>
    %dma_start3A_6 = arith.constant 0 : i32
    %dma_start3A_7 = arith.constant 0 : i32
    %dma_start3A_8 = tpu.memref_slice %arg4[%dma_start3A_6, %dma_start3A_7] : memref<16384x768xf32, #tpu.memory_space<hbm>> -> memref<16384x768xf32, #tpu.memory_space<hbm>>
    tpu.enqueue_indirect_dma source(%arg6 : memref<64x768xf32, #tpu.memory_space<vmem>>) target(%dma_start3A_8 : memref<16384x768xf32, #tpu.memory_space<hbm>>) offsets(%dma_start3A_5 : memref<64xi32, #tpu.memory_space<vmem>>) semaphore(%arg7 : memref<!tpu.dma_semaphore, #tpu.memory_space<semaphore_mem>>)
    %dma_start3A_9 = arith.constant 1 : i32
    %dma_start3A_10 = arith.constant 0 : i32
    %dma_start3A_11 = tpu.memref_slice %arg5[%dma_start3A_9, %dma_start3A_10] : memref<8x64xi32, #tpu.memory_space<vmem>> -> memref<1x64xi32, #tpu.memory_space<vmem>>
    %dma_start3A_12 = tpu.memref_squeeze %dma_start3A_11 : memref<1x64xi32, #tpu.memory_space<vmem>> -> memref<64xi32, #tpu.memory_space<vmem>>
    %dma_start3A_13 = arith.constant 0 : i32
    %dma_start3A_14 = arith.constant 0 : i32
    %dma_start3A_15 = tpu.memref_slice %arg4[%dma_start3A_13, %dma_start3A_14] : memref<16384x768xf32, #tpu.memory_space<hbm>> -> memref<16384x768xf32, #tpu.memory_space<hbm>>
    tpu.enqueue_indirect_dma source(%arg6 : memref<64x768xf32, #tpu.memory_space<vmem>>) target(%dma_start3A_15 : memref<16384x768xf32, #tpu.memory_space<hbm>>) offsets(%dma_start3A_12 : memref<64xi32, #tpu.memory_space<vmem>>) semaphore(%arg7 : memref<!tpu.dma_semaphore, #tpu.memory_space<semaphore_mem>>)
    %dma_start3A_16 = arith.constant 2 : i32
    %dma_start3A_17 = arith.constant 0 : i32
    %dma_start3A_18 = tpu.memref_slice %arg5[%dma_start3A_16, %dma_start3A_17] : memref<8x64xi32, #tpu.memory_space<vmem>> -> memref<1x64xi32, #tpu.memory_space<vmem>>
    %dma_start3A_19 = tpu.memref_squeeze %dma_start3A_18 : memref<1x64xi32, #tpu.memory_space<vmem>> -> memref<64xi32, #tpu.memory_space<vmem>>
    %dma_start3A_20 = arith.constant 0 : i32
    %dma_start3A_21 = arith.constant 0 : i32
    %dma_start3A_22 = tpu.memref_slice %arg4[%dma_start3A_20, %dma_start3A_21] : memref<16384x768xf32, #tpu.memory_space<hbm>> -> memref<16384x768xf32, #tpu.memory_space<hbm>>
    tpu.enqueue_indirect_dma source(%arg6 : memref<64x768xf32, #tpu.memory_space<vmem>>) target(%dma_start3A_22 : memref<16384x768xf32, #tpu.memory_space<hbm>>) offsets(%dma_start3A_19 : memref<64xi32, #tpu.memory_space<vmem>>) semaphore(%arg7 : memref<!tpu.dma_semaphore, #tpu.memory_space<semaphore_mem>>)
    %dma_start3A_23 = arith.constant 3 : i32
    %dma_start3A_24 = arith.constant 0 : i32
    %dma_start3A_25 = tpu.memref_slice %arg5[%dma_start3A_23, %dma_start3A_24] : memref<8x64xi32, #tpu.memory_space<vmem>> -> memref<1x64xi32, #tpu.memory_space<vmem>>
    %dma_start3A_26 = tpu.memref_squeeze %dma_start3A_25 : memref<1x64xi32, #tpu.memory_space<vmem>> -> memref<64xi32, #tpu.memory_space<vmem>>
    %dma_start3A_27 = arith.constant 0 : i32
    %dma_start3A_28 = arith.constant 0 : i32
    %dma_start3A_29 = tpu.memref_slice %arg4[%dma_start3A_27, %dma_start3A_28] : memref<16384x768xf32, #tpu.memory_space<hbm>> -> memref<16384x768xf32, #tpu.memory_space<hbm>>
    tpu.enqueue_indirect_dma source(%arg6 : memref<64x768xf32, #tpu.memory_space<vmem>>) target(%dma_start3A_29 : memref<16384x768xf32, #tpu.memory_space<hbm>>) offsets(%dma_start3A_26 : memref<64xi32, #tpu.memory_space<vmem>>) semaphore(%arg7 : memref<!tpu.dma_semaphore, #tpu.memory_space<semaphore_mem>>)
    %dma_start3A_30 = arith.constant 4 : i32
    %dma_start3A_31 = arith.constant 0 : i32
    %dma_start3A_32 = tpu.memref_slice %arg5[%dma_start3A_30, %dma_start3A_31] : memref<8x64xi32, #tpu.memory_space<vmem>> -> memref<1x64xi32, #tpu.memory_space<vmem>>
    %dma_start3A_33 = tpu.memref_squeeze %dma_start3A_32 : memref<1x64xi32, #tpu.memory_space<vmem>> -> memref<64xi32, #tpu.memory_space<vmem>>
    %dma_start3A_34 = arith.constant 0 : i32
    %dma_start3A_35 = arith.constant 0 : i32
    %dma_start3A_36 = tpu.memref_slice %arg4[%dma_start3A_34, %dma_start3A_35] : memref<16384x768xf32, #tpu.memory_space<hbm>> -> memref<16384x768xf32, #tpu.memory_space<hbm>>
    tpu.enqueue_indirect_dma source(%arg6 : memref<64x768xf32, #tpu.memory_space<vmem>>) target(%dma_start3A_36 : memref<16384x768xf32, #tpu.memory_space<hbm>>) offsets(%dma_start3A_33 : memref<64xi32, #tpu.memory_space<vmem>>) semaphore(%arg7 : memref<!tpu.dma_semaphore, #tpu.memory_space<semaphore_mem>>)
    %dma_start3A_37 = arith.constant 5 : i32
    %dma_start3A_38 = arith.constant 0 : i32
    %dma_start3A_39 = tpu.memref_slice %arg5[%dma_start3A_37, %dma_start3A_38] : memref<8x64xi32, #tpu.memory_space<vmem>> -> memref<1x64xi32, #tpu.memory_space<vmem>>
    %dma_start3A_40 = tpu.memref_squeeze %dma_start3A_39 : memref<1x64xi32, #tpu.memory_space<vmem>> -> memref<64xi32, #tpu.memory_space<vmem>>
    %dma_start3A_41 = arith.constant 0 : i32
    %dma_start3A_42 = arith.constant 0 : i32
    %dma_start3A_43 = tpu.memref_slice %arg4[%dma_start3A_41, %dma_start3A_42] : memref<16384x768xf32, #tpu.memory_space<hbm>> -> memref<16384x768xf32, #tpu.memory_space<hbm>>
    tpu.enqueue_indirect_dma source(%arg6 : memref<64x768xf32, #tpu.memory_space<vmem>>) target(%dma_start3A_43 : memref<16384x768xf32, #tpu.memory_space<hbm>>) offsets(%dma_start3A_40 : memref<64xi32, #tpu.memory_space<vmem>>) semaphore(%arg7 : memref<!tpu.dma_semaphore, #tpu.memory_space<semaphore_mem>>)
    %dma_start3A_44 = arith.constant 6 : i32
    %dma_start3A_45 = arith.constant 0 : i32
    %dma_start3A_46 = tpu.memref_slice %arg5[%dma_start3A_44, %dma_start3A_45] : memref<8x64xi32, #tpu.memory_space<vmem>> -> memref<1x64xi32, #tpu.memory_space<vmem>>
    %dma_start3A_47 = tpu.memref_squeeze %dma_start3A_46 : memref<1x64xi32, #tpu.memory_space<vmem>> -> memref<64xi32, #tpu.memory_space<vmem>>
    %dma_start3A_48 = arith.constant 0 : i32
    %dma_start3A_49 = arith.constant 0 : i32
    %dma_start3A_50 = tpu.memref_slice %arg4[%dma_start3A_48, %dma_start3A_49] : memref<16384x768xf32, #tpu.memory_space<hbm>> -> memref<16384x768xf32, #tpu.memory_space<hbm>>
    tpu.enqueue_indirect_dma source(%arg6 : memref<64x768xf32, #tpu.memory_space<vmem>>) target(%dma_start3A_50 : memref<16384x768xf32, #tpu.memory_space<hbm>>) offsets(%dma_start3A_47 : memref<64xi32, #tpu.memory_space<vmem>>) semaphore(%arg7 : memref<!tpu.dma_semaphore, #tpu.memory_space<semaphore_mem>>)
    %dma_start3A_51 = arith.constant 7 : i32
    %dma_start3A_52 = arith.constant 0 : i32
    %dma_start3A_53 = tpu.memref_slice %arg5[%dma_start3A_51, %dma_start3A_52] : memref<8x64xi32, #tpu.memory_space<vmem>> -> memref<1x64xi32, #tpu.memory_space<vmem>>
    %dma_start3A_54 = tpu.memref_squeeze %dma_start3A_53 : memref<1x64xi32, #tpu.memory_space<vmem>> -> memref<64xi32, #tpu.memory_space<vmem>>
    %dma_start3A_55 = arith.constant 0 : i32
    %dma_start3A_56 = arith.constant 0 : i32
    %dma_start3A_57 = tpu.memref_slice %arg4[%dma_start3A_55, %dma_start3A_56] : memref<16384x768xf32, #tpu.memory_space<hbm>> -> memref<16384x768xf32, #tpu.memory_space<hbm>>
    tpu.enqueue_indirect_dma source(%arg6 : memref<64x768xf32, #tpu.memory_space<vmem>>) target(%dma_start3A_57 : memref<16384x768xf32, #tpu.memory_space<hbm>>) offsets(%dma_start3A_54 : memref<64xi32, #tpu.memory_space<vmem>>) semaphore(%arg7 : memref<!tpu.dma_semaphore, #tpu.memory_space<semaphore_mem>>)
    %dma_wait3A = arith.constant 0 : i32
    %dma_wait3A_58 = arith.constant 0 : i32
    %dma_wait3A_59 = tpu.memref_slice %arg5[%dma_wait3A, %dma_wait3A_58] : memref<8x64xi32, #tpu.memory_space<vmem>> -> memref<1x64xi32, #tpu.memory_space<vmem>>
    %dma_wait3A_60 = tpu.memref_squeeze %dma_wait3A_59 : memref<1x64xi32, #tpu.memory_space<vmem>> -> memref<64xi32, #tpu.memory_space<vmem>>
    %dma_wait3A_61 = arith.constant 0 : i32
    %dma_wait3A_62 = arith.constant 0 : i32
    %dma_wait3A_63 = tpu.memref_slice %arg4[%dma_wait3A_61, %dma_wait3A_62] : memref<16384x768xf32, #tpu.memory_space<hbm>> -> memref<16384x768xf32, #tpu.memory_space<hbm>>
    tpu.wait_indirect_dma semaphore(%arg7 : memref<!tpu.dma_semaphore, #tpu.memory_space<semaphore_mem>>) src(%arg6 : memref<64x768xf32, #tpu.memory_space<vmem>>) dst(%dma_wait3A_63 : memref<16384x768xf32, #tpu.memory_space<hbm>>)
    %dma_wait3A_64 = arith.constant 1 : i32
    %dma_wait3A_65 = arith.constant 0 : i32
    %dma_wait3A_66 = tpu.memref_slice %arg5[%dma_wait3A_64, %dma_wait3A_65] : memref<8x64xi32, #tpu.memory_space<vmem>> -> memref<1x64xi32, #tpu.memory_space<vmem>>
    %dma_wait3A_67 = tpu.memref_squeeze %dma_wait3A_66 : memref<1x64xi32, #tpu.memory_space<vmem>> -> memref<64xi32, #tpu.memory_space<vmem>>
    %dma_wait3A_68 = arith.constant 0 : i32
    %dma_wait3A_69 = arith.constant 0 : i32
    %dma_wait3A_70 = tpu.memref_slice %arg4[%dma_wait3A_68, %dma_wait3A_69] : memref<16384x768xf32, #tpu.memory_space<hbm>> -> memref<16384x768xf32, #tpu.memory_space<hbm>>
    tpu.wait_indirect_dma semaphore(%arg7 : memref<!tpu.dma_semaphore, #tpu.memory_space<semaphore_mem>>) src(%arg6 : memref<64x768xf32, #tpu.memory_space<vmem>>) dst(%dma_wait3A_70 : memref<16384x768xf32, #tpu.memory_space<hbm>>)
    %dma_wait3A_71 = arith.constant 2 : i32
    %dma_wait3A_72 = arith.constant 0 : i32
    %dma_wait3A_73 = tpu.memref_slice %arg5[%dma_wait3A_71, %dma_wait3A_72] : memref<8x64xi32, #tpu.memory_space<vmem>> -> memref<1x64xi32, #tpu.memory_space<vmem>>
    %dma_wait3A_74 = tpu.memref_squeeze %dma_wait3A_73 : memref<1x64xi32, #tpu.memory_space<vmem>> -> memref<64xi32, #tpu.memory_space<vmem>>
    %dma_wait3A_75 = arith.constant 0 : i32
    %dma_wait3A_76 = arith.constant 0 : i32
    %dma_wait3A_77 = tpu.memref_slice %arg4[%dma_wait3A_75, %dma_wait3A_76] : memref<16384x768xf32, #tpu.memory_space<hbm>> -> memref<16384x768xf32, #tpu.memory_space<hbm>>
    tpu.wait_indirect_dma semaphore(%arg7 : memref<!tpu.dma_semaphore, #tpu.memory_space<semaphore_mem>>) src(%arg6 : memref<64x768xf32, #tpu.memory_space<vmem>>) dst(%dma_wait3A_77 : memref<16384x768xf32, #tpu.memory_space<hbm>>)
    %dma_wait3A_78 = arith.constant 3 : i32
    %dma_wait3A_79 = arith.constant 0 : i32
    %dma_wait3A_80 = tpu.memref_slice %arg5[%dma_wait3A_78, %dma_wait3A_79] : memref<8x64xi32, #tpu.memory_space<vmem>> -> memref<1x64xi32, #tpu.memory_space<vmem>>
    %dma_wait3A_81 = tpu.memref_squeeze %dma_wait3A_80 : memref<1x64xi32, #tpu.memory_space<vmem>> -> memref<64xi32, #tpu.memory_space<vmem>>
    %dma_wait3A_82 = arith.constant 0 : i32
    %dma_wait3A_83 = arith.constant 0 : i32
    %dma_wait3A_84 = tpu.memref_slice %arg4[%dma_wait3A_82, %dma_wait3A_83] : memref<16384x768xf32, #tpu.memory_space<hbm>> -> memref<16384x768xf32, #tpu.memory_space<hbm>>
    tpu.wait_indirect_dma semaphore(%arg7 : memref<!tpu.dma_semaphore, #tpu.memory_space<semaphore_mem>>) src(%arg6 : memref<64x768xf32, #tpu.memory_space<vmem>>) dst(%dma_wait3A_84 : memref<16384x768xf32, #tpu.memory_space<hbm>>)
    %dma_wait3A_85 = arith.constant 4 : i32
    %dma_wait3A_86 = arith.constant 0 : i32
    %dma_wait3A_87 = tpu.memref_slice %arg5[%dma_wait3A_85, %dma_wait3A_86] : memref<8x64xi32, #tpu.memory_space<vmem>> -> memref<1x64xi32, #tpu.memory_space<vmem>>
    %dma_wait3A_88 = tpu.memref_squeeze %dma_wait3A_87 : memref<1x64xi32, #tpu.memory_space<vmem>> -> memref<64xi32, #tpu.memory_space<vmem>>
    %dma_wait3A_89 = arith.constant 0 : i32
    %dma_wait3A_90 = arith.constant 0 : i32
    %dma_wait3A_91 = tpu.memref_slice %arg4[%dma_wait3A_89, %dma_wait3A_90] : memref<16384x768xf32, #tpu.memory_space<hbm>> -> memref<16384x768xf32, #tpu.memory_space<hbm>>
    tpu.wait_indirect_dma semaphore(%arg7 : memref<!tpu.dma_semaphore, #tpu.memory_space<semaphore_mem>>) src(%arg6 : memref<64x768xf32, #tpu.memory_space<vmem>>) dst(%dma_wait3A_91 : memref<16384x768xf32, #tpu.memory_space<hbm>>)
    %dma_wait3A_92 = arith.constant 5 : i32
    %dma_wait3A_93 = arith.constant 0 : i32
    %dma_wait3A_94 = tpu.memref_slice %arg5[%dma_wait3A_92, %dma_wait3A_93] : memref<8x64xi32, #tpu.memory_space<vmem>> -> memref<1x64xi32, #tpu.memory_space<vmem>>
    %dma_wait3A_95 = tpu.memref_squeeze %dma_wait3A_94 : memref<1x64xi32, #tpu.memory_space<vmem>> -> memref<64xi32, #tpu.memory_space<vmem>>
    %dma_wait3A_96 = arith.constant 0 : i32
    %dma_wait3A_97 = arith.constant 0 : i32
    %dma_wait3A_98 = tpu.memref_slice %arg4[%dma_wait3A_96, %dma_wait3A_97] : memref<16384x768xf32, #tpu.memory_space<hbm>> -> memref<16384x768xf32, #tpu.memory_space<hbm>>
    tpu.wait_indirect_dma semaphore(%arg7 : memref<!tpu.dma_semaphore, #tpu.memory_space<semaphore_mem>>) src(%arg6 : memref<64x768xf32, #tpu.memory_space<vmem>>) dst(%dma_wait3A_98 : memref<16384x768xf32, #tpu.memory_space<hbm>>)
    %dma_wait3A_99 = arith.constant 6 : i32
    %dma_wait3A_100 = arith.constant 0 : i32
    %dma_wait3A_101 = tpu.memref_slice %arg5[%dma_wait3A_99, %dma_wait3A_100] : memref<8x64xi32, #tpu.memory_space<vmem>> -> memref<1x64xi32, #tpu.memory_space<vmem>>
    %dma_wait3A_102 = tpu.memref_squeeze %dma_wait3A_101 : memref<1x64xi32, #tpu.memory_space<vmem>> -> memref<64xi32, #tpu.memory_space<vmem>>
    %dma_wait3A_103 = arith.constant 0 : i32
    %dma_wait3A_104 = arith.constant 0 : i32
    %dma_wait3A_105 = tpu.memref_slice %arg4[%dma_wait3A_103, %dma_wait3A_104] : memref<16384x768xf32, #tpu.memory_space<hbm>> -> memref<16384x768xf32, #tpu.memory_space<hbm>>
    tpu.wait_indirect_dma semaphore(%arg7 : memref<!tpu.dma_semaphore, #tpu.memory_space<semaphore_mem>>) src(%arg6 : memref<64x768xf32, #tpu.memory_space<vmem>>) dst(%dma_wait3A_105 : memref<16384x768xf32, #tpu.memory_space<hbm>>)
    %dma_wait3A_106 = arith.constant 7 : i32
    %dma_wait3A_107 = arith.constant 0 : i32
    %dma_wait3A_108 = tpu.memref_slice %arg5[%dma_wait3A_106, %dma_wait3A_107] : memref<8x64xi32, #tpu.memory_space<vmem>> -> memref<1x64xi32, #tpu.memory_space<vmem>>
    %dma_wait3A_109 = tpu.memref_squeeze %dma_wait3A_108 : memref<1x64xi32, #tpu.memory_space<vmem>> -> memref<64xi32, #tpu.memory_space<vmem>>
    %dma_wait3A_110 = arith.constant 0 : i32
    %dma_wait3A_111 = arith.constant 0 : i32
    %dma_wait3A_112 = tpu.memref_slice %arg4[%dma_wait3A_110, %dma_wait3A_111] : memref<16384x768xf32, #tpu.memory_space<hbm>> -> memref<16384x768xf32, #tpu.memory_space<hbm>>
    tpu.wait_indirect_dma semaphore(%arg7 : memref<!tpu.dma_semaphore, #tpu.memory_space<semaphore_mem>>) src(%arg6 : memref<64x768xf32, #tpu.memory_space<vmem>>) dst(%dma_wait3A_112 : memref<16384x768xf32, #tpu.memory_space<hbm>>)
    return
  }
}

#map = affine_map<(d0, d1) -> (0, 0)>
#map1 = affine_map<(d0, d1) -> (0, 0, 0)>
module attributes {stable_mosaic.version = 14 : i64} {
  func.func @k(%arg0: i32, %arg1: i32, %arg2: memref<16384x768xf32, #tpu.memory_space<hbm>>, %arg3: memref<32x8x64xi32, #tpu.memory_space<hbm>>, %arg4: memref<8x2048x768xf32, #tpu.memory_space<hbm>>, %arg5: memref<8x64xi32, #tpu.memory_space<vmem>>, %arg6: memref<64x768xf32, #tpu.memory_space<vmem>>, %arg7: memref<!tpu.dma_semaphore, #tpu.memory_space<semaphore_mem>>) attributes {dimension_semantics = [#tpu.dimension_semantics<core_parallel>, #tpu.dimension_semantics<subcore_parallel>], iteration_bounds = array<i64: 2, 16>, scalar_prefetch = 0 : i64, scratch_operands = 3 : i64, tpu.core_type = #tpu.core_type<sc_vector_subcore>, window_params = [{transform_indices = #map}, {transform_indices = #map1}, {transform_indices = #map1}]} {
    %mul3A = arith.constant 2 : i32
    %mul3A_0 = arith.muli %arg1, %mul3A : i32
    %add3A = arith.addi %mul3A_0, %arg0 : i32
    %mul3A_1 = arith.constant 64 : i32
    %mul3A_2 = arith.muli %add3A, %mul3A_1 : i32
    "tpu.region"() ({
      %run_scoped3A_120 = tpu.sem_alloc : memref<!tpu.dma_semaphore, #tpu.memory_space<semaphore_mem>>
      %dma_start3A_121 = arith.constant 0 : i32
      %dma_start3A_122 = arith.constant 0 : i32
      %dma_start3A_123 = tpu.memref_slice %arg3[%add3A, %dma_start3A_121, %dma_start3A_122] : memref<32x8x64xi32, #tpu.memory_space<hbm>> -> memref<1x8x64xi32, #tpu.memory_space<hbm>>
      %dma_start3A_124 = tpu.memref_squeeze %dma_start3A_123 : memref<1x8x64xi32, #tpu.memory_space<hbm>> -> memref<8x64xi32, #tpu.memory_space<hbm>>
      %dma_start3A_125 = arith.constant 0 : i32
      %dma_start3A_126 = arith.constant 0 : i32
      %dma_start3A_127 = tpu.memref_slice %arg3[%add3A, %dma_start3A_125, %dma_start3A_126] : memref<32x8x64xi32, #tpu.memory_space<hbm>> -> memref<1x8x64xi32, #tpu.memory_space<hbm>>
      %dma_start3A_128 = tpu.memref_squeeze %dma_start3A_127 : memref<1x8x64xi32, #tpu.memory_space<hbm>> -> memref<8x64xi32, #tpu.memory_space<hbm>>
      tpu.enqueue_dma source(%dma_start3A_128 : memref<8x64xi32, #tpu.memory_space<hbm>>) target(%arg5 : memref<8x64xi32, #tpu.memory_space<vmem>>) target_semaphore(%run_scoped3A_120 : memref<!tpu.dma_semaphore, #tpu.memory_space<semaphore_mem>>)
      %dma_wait3A_129 = arith.constant 0 : i32
      %dma_wait3A_130 = arith.constant 0 : i32
      %dma_wait3A_131 = tpu.memref_slice %arg3[%add3A, %dma_wait3A_129, %dma_wait3A_130] : memref<32x8x64xi32, #tpu.memory_space<hbm>> -> memref<1x8x64xi32, #tpu.memory_space<hbm>>
      %dma_wait3A_132 = tpu.memref_squeeze %dma_wait3A_131 : memref<1x8x64xi32, #tpu.memory_space<hbm>> -> memref<8x64xi32, #tpu.memory_space<hbm>>
      %dma_wait3A_133 = arith.constant 0 : i32
      %dma_wait3A_134 = arith.constant 0 : i32
      %dma_wait3A_135 = tpu.memref_slice %arg3[%add3A, %dma_wait3A_133, %dma_wait3A_134] : memref<32x8x64xi32, #tpu.memory_space<hbm>> -> memref<1x8x64xi32, #tpu.memory_space<hbm>>
      %dma_wait3A_136 = tpu.memref_squeeze %dma_wait3A_135 : memref<1x8x64xi32, #tpu.memory_space<hbm>> -> memref<8x64xi32, #tpu.memory_space<hbm>>
      tpu.wait_dma2 semaphore(%run_scoped3A_120 : memref<!tpu.dma_semaphore, #tpu.memory_space<semaphore_mem>>) src(%dma_wait3A_136 : memref<8x64xi32, #tpu.memory_space<hbm>>) dst(%arg5 : memref<8x64xi32, #tpu.memory_space<vmem>>)
      tpu.yield
    }) : () -> ()
    %dma_start3A = arith.constant 0 : i32
    %dma_start3A_3 = arith.constant 0 : i32
    %dma_start3A_4 = tpu.memref_slice %arg5[%dma_start3A, %dma_start3A_3] : memref<8x64xi32, #tpu.memory_space<vmem>> -> memref<1x64xi32, #tpu.memory_space<vmem>>
    %dma_start3A_5 = tpu.memref_squeeze %dma_start3A_4 : memref<1x64xi32, #tpu.memory_space<vmem>> -> memref<64xi32, #tpu.memory_space<vmem>>
    %dma_start3A_6 = arith.constant 0 : i32
    %dma_start3A_7 = arith.constant 0 : i32
    %dma_start3A_8 = tpu.memref_slice %arg2[%dma_start3A_6, %dma_start3A_7] : memref<16384x768xf32, #tpu.memory_space<hbm>> -> memref<16384x768xf32, #tpu.memory_space<hbm>>
    tpu.enqueue_indirect_dma source(%dma_start3A_8 : memref<16384x768xf32, #tpu.memory_space<hbm>>) target(%arg6 : memref<64x768xf32, #tpu.memory_space<vmem>>) offsets(%dma_start3A_5 : memref<64xi32, #tpu.memory_space<vmem>>) semaphore(%arg7 : memref<!tpu.dma_semaphore, #tpu.memory_space<semaphore_mem>>)
    %dma_wait3A = arith.constant 0 : i32
    %dma_wait3A_9 = arith.constant 0 : i32
    %dma_wait3A_10 = tpu.memref_slice %arg5[%dma_wait3A, %dma_wait3A_9] : memref<8x64xi32, #tpu.memory_space<vmem>> -> memref<1x64xi32, #tpu.memory_space<vmem>>
    %dma_wait3A_11 = tpu.memref_squeeze %dma_wait3A_10 : memref<1x64xi32, #tpu.memory_space<vmem>> -> memref<64xi32, #tpu.memory_space<vmem>>
    %dma_wait3A_12 = arith.constant 0 : i32
    %dma_wait3A_13 = arith.constant 0 : i32
    %dma_wait3A_14 = tpu.memref_slice %arg2[%dma_wait3A_12, %dma_wait3A_13] : memref<16384x768xf32, #tpu.memory_space<hbm>> -> memref<16384x768xf32, #tpu.memory_space<hbm>>
    tpu.wait_indirect_dma semaphore(%arg7 : memref<!tpu.dma_semaphore, #tpu.memory_space<semaphore_mem>>) src(%dma_wait3A_14 : memref<16384x768xf32, #tpu.memory_space<hbm>>) dst(%arg6 : memref<64x768xf32, #tpu.memory_space<vmem>>)
    %run_scoped3A = arith.constant 0 : i32
    "tpu.region"() ({
      %run_scoped3A_120 = tpu.sem_alloc : memref<!tpu.dma_semaphore, #tpu.memory_space<semaphore_mem>>
      %dma_start3A_121 = arith.constant 0 : i32
      %dma_start3A_122 = tpu.memref_slice %arg4[%run_scoped3A, %mul3A_2, %dma_start3A_121] : memref<8x2048x768xf32, #tpu.memory_space<hbm>> -> memref<1x64x768xf32, #tpu.memory_space<hbm>>
      %dma_start3A_123 = tpu.memref_squeeze %dma_start3A_122 : memref<1x64x768xf32, #tpu.memory_space<hbm>> -> memref<64x768xf32, #tpu.memory_space<hbm>>
      %dma_start3A_124 = arith.constant 0 : i32
      %dma_start3A_125 = tpu.memref_slice %arg4[%run_scoped3A, %mul3A_2, %dma_start3A_124] : memref<8x2048x768xf32, #tpu.memory_space<hbm>> -> memref<1x64x768xf32, #tpu.memory_space<hbm>>
      %dma_start3A_126 = tpu.memref_squeeze %dma_start3A_125 : memref<1x64x768xf32, #tpu.memory_space<hbm>> -> memref<64x768xf32, #tpu.memory_space<hbm>>
      tpu.enqueue_dma source(%arg6 : memref<64x768xf32, #tpu.memory_space<vmem>>) target(%dma_start3A_126 : memref<64x768xf32, #tpu.memory_space<hbm>>) target_semaphore(%run_scoped3A_120 : memref<!tpu.dma_semaphore, #tpu.memory_space<semaphore_mem>>)
      %dma_wait3A_127 = arith.constant 0 : i32
      %dma_wait3A_128 = tpu.memref_slice %arg4[%run_scoped3A, %mul3A_2, %dma_wait3A_127] : memref<8x2048x768xf32, #tpu.memory_space<hbm>> -> memref<1x64x768xf32, #tpu.memory_space<hbm>>
      %dma_wait3A_129 = tpu.memref_squeeze %dma_wait3A_128 : memref<1x64x768xf32, #tpu.memory_space<hbm>> -> memref<64x768xf32, #tpu.memory_space<hbm>>
      %dma_wait3A_130 = arith.constant 0 : i32
      %dma_wait3A_131 = tpu.memref_slice %arg4[%run_scoped3A, %mul3A_2, %dma_wait3A_130] : memref<8x2048x768xf32, #tpu.memory_space<hbm>> -> memref<1x64x768xf32, #tpu.memory_space<hbm>>
      %dma_wait3A_132 = tpu.memref_squeeze %dma_wait3A_131 : memref<1x64x768xf32, #tpu.memory_space<hbm>> -> memref<64x768xf32, #tpu.memory_space<hbm>>
      tpu.wait_dma2 semaphore(%run_scoped3A_120 : memref<!tpu.dma_semaphore, #tpu.memory_space<semaphore_mem>>) src(%arg6 : memref<64x768xf32, #tpu.memory_space<vmem>>) dst(%dma_wait3A_132 : memref<64x768xf32, #tpu.memory_space<hbm>>)
      tpu.yield
    }) : () -> ()
    %dma_start3A_15 = arith.constant 1 : i32
    %dma_start3A_16 = arith.constant 0 : i32
    %dma_start3A_17 = tpu.memref_slice %arg5[%dma_start3A_15, %dma_start3A_16] : memref<8x64xi32, #tpu.memory_space<vmem>> -> memref<1x64xi32, #tpu.memory_space<vmem>>
    %dma_start3A_18 = tpu.memref_squeeze %dma_start3A_17 : memref<1x64xi32, #tpu.memory_space<vmem>> -> memref<64xi32, #tpu.memory_space<vmem>>
    %dma_start3A_19 = arith.constant 0 : i32
    %dma_start3A_20 = arith.constant 0 : i32
    %dma_start3A_21 = tpu.memref_slice %arg2[%dma_start3A_19, %dma_start3A_20] : memref<16384x768xf32, #tpu.memory_space<hbm>> -> memref<16384x768xf32, #tpu.memory_space<hbm>>
    tpu.enqueue_indirect_dma source(%dma_start3A_21 : memref<16384x768xf32, #tpu.memory_space<hbm>>) target(%arg6 : memref<64x768xf32, #tpu.memory_space<vmem>>) offsets(%dma_start3A_18 : memref<64xi32, #tpu.memory_space<vmem>>) semaphore(%arg7 : memref<!tpu.dma_semaphore, #tpu.memory_space<semaphore_mem>>)
    %dma_wait3A_22 = arith.constant 1 : i32
    %dma_wait3A_23 = arith.constant 0 : i32
    %dma_wait3A_24 = tpu.memref_slice %arg5[%dma_wait3A_22, %dma_wait3A_23] : memref<8x64xi32, #tpu.memory_space<vmem>> -> memref<1x64xi32, #tpu.memory_space<vmem>>
    %dma_wait3A_25 = tpu.memref_squeeze %dma_wait3A_24 : memref<1x64xi32, #tpu.memory_space<vmem>> -> memref<64xi32, #tpu.memory_space<vmem>>
    %dma_wait3A_26 = arith.constant 0 : i32
    %dma_wait3A_27 = arith.constant 0 : i32
    %dma_wait3A_28 = tpu.memref_slice %arg2[%dma_wait3A_26, %dma_wait3A_27] : memref<16384x768xf32, #tpu.memory_space<hbm>> -> memref<16384x768xf32, #tpu.memory_space<hbm>>
    tpu.wait_indirect_dma semaphore(%arg7 : memref<!tpu.dma_semaphore, #tpu.memory_space<semaphore_mem>>) src(%dma_wait3A_28 : memref<16384x768xf32, #tpu.memory_space<hbm>>) dst(%arg6 : memref<64x768xf32, #tpu.memory_space<vmem>>)
    %run_scoped3A_29 = arith.constant 1 : i32
    "tpu.region"() ({
      %run_scoped3A_120 = tpu.sem_alloc : memref<!tpu.dma_semaphore, #tpu.memory_space<semaphore_mem>>
      %dma_start3A_121 = arith.constant 0 : i32
      %dma_start3A_122 = tpu.memref_slice %arg4[%run_scoped3A_29, %mul3A_2, %dma_start3A_121] : memref<8x2048x768xf32, #tpu.memory_space<hbm>> -> memref<1x64x768xf32, #tpu.memory_space<hbm>>
      %dma_start3A_123 = tpu.memref_squeeze %dma_start3A_122 : memref<1x64x768xf32, #tpu.memory_space<hbm>> -> memref<64x768xf32, #tpu.memory_space<hbm>>
      %dma_start3A_124 = arith.constant 0 : i32
      %dma_start3A_125 = tpu.memref_slice %arg4[%run_scoped3A_29, %mul3A_2, %dma_start3A_124] : memref<8x2048x768xf32, #tpu.memory_space<hbm>> -> memref<1x64x768xf32, #tpu.memory_space<hbm>>
      %dma_start3A_126 = tpu.memref_squeeze %dma_start3A_125 : memref<1x64x768xf32, #tpu.memory_space<hbm>> -> memref<64x768xf32, #tpu.memory_space<hbm>>
      tpu.enqueue_dma source(%arg6 : memref<64x768xf32, #tpu.memory_space<vmem>>) target(%dma_start3A_126 : memref<64x768xf32, #tpu.memory_space<hbm>>) target_semaphore(%run_scoped3A_120 : memref<!tpu.dma_semaphore, #tpu.memory_space<semaphore_mem>>)
      %dma_wait3A_127 = arith.constant 0 : i32
      %dma_wait3A_128 = tpu.memref_slice %arg4[%run_scoped3A_29, %mul3A_2, %dma_wait3A_127] : memref<8x2048x768xf32, #tpu.memory_space<hbm>> -> memref<1x64x768xf32, #tpu.memory_space<hbm>>
      %dma_wait3A_129 = tpu.memref_squeeze %dma_wait3A_128 : memref<1x64x768xf32, #tpu.memory_space<hbm>> -> memref<64x768xf32, #tpu.memory_space<hbm>>
      %dma_wait3A_130 = arith.constant 0 : i32
      %dma_wait3A_131 = tpu.memref_slice %arg4[%run_scoped3A_29, %mul3A_2, %dma_wait3A_130] : memref<8x2048x768xf32, #tpu.memory_space<hbm>> -> memref<1x64x768xf32, #tpu.memory_space<hbm>>
      %dma_wait3A_132 = tpu.memref_squeeze %dma_wait3A_131 : memref<1x64x768xf32, #tpu.memory_space<hbm>> -> memref<64x768xf32, #tpu.memory_space<hbm>>
      tpu.wait_dma2 semaphore(%run_scoped3A_120 : memref<!tpu.dma_semaphore, #tpu.memory_space<semaphore_mem>>) src(%arg6 : memref<64x768xf32, #tpu.memory_space<vmem>>) dst(%dma_wait3A_132 : memref<64x768xf32, #tpu.memory_space<hbm>>)
      tpu.yield
    }) : () -> ()
    %dma_start3A_30 = arith.constant 2 : i32
    %dma_start3A_31 = arith.constant 0 : i32
    %dma_start3A_32 = tpu.memref_slice %arg5[%dma_start3A_30, %dma_start3A_31] : memref<8x64xi32, #tpu.memory_space<vmem>> -> memref<1x64xi32, #tpu.memory_space<vmem>>
    %dma_start3A_33 = tpu.memref_squeeze %dma_start3A_32 : memref<1x64xi32, #tpu.memory_space<vmem>> -> memref<64xi32, #tpu.memory_space<vmem>>
    %dma_start3A_34 = arith.constant 0 : i32
    %dma_start3A_35 = arith.constant 0 : i32
    %dma_start3A_36 = tpu.memref_slice %arg2[%dma_start3A_34, %dma_start3A_35] : memref<16384x768xf32, #tpu.memory_space<hbm>> -> memref<16384x768xf32, #tpu.memory_space<hbm>>
    tpu.enqueue_indirect_dma source(%dma_start3A_36 : memref<16384x768xf32, #tpu.memory_space<hbm>>) target(%arg6 : memref<64x768xf32, #tpu.memory_space<vmem>>) offsets(%dma_start3A_33 : memref<64xi32, #tpu.memory_space<vmem>>) semaphore(%arg7 : memref<!tpu.dma_semaphore, #tpu.memory_space<semaphore_mem>>)
    %dma_wait3A_37 = arith.constant 2 : i32
    %dma_wait3A_38 = arith.constant 0 : i32
    %dma_wait3A_39 = tpu.memref_slice %arg5[%dma_wait3A_37, %dma_wait3A_38] : memref<8x64xi32, #tpu.memory_space<vmem>> -> memref<1x64xi32, #tpu.memory_space<vmem>>
    %dma_wait3A_40 = tpu.memref_squeeze %dma_wait3A_39 : memref<1x64xi32, #tpu.memory_space<vmem>> -> memref<64xi32, #tpu.memory_space<vmem>>
    %dma_wait3A_41 = arith.constant 0 : i32
    %dma_wait3A_42 = arith.constant 0 : i32
    %dma_wait3A_43 = tpu.memref_slice %arg2[%dma_wait3A_41, %dma_wait3A_42] : memref<16384x768xf32, #tpu.memory_space<hbm>> -> memref<16384x768xf32, #tpu.memory_space<hbm>>
    tpu.wait_indirect_dma semaphore(%arg7 : memref<!tpu.dma_semaphore, #tpu.memory_space<semaphore_mem>>) src(%dma_wait3A_43 : memref<16384x768xf32, #tpu.memory_space<hbm>>) dst(%arg6 : memref<64x768xf32, #tpu.memory_space<vmem>>)
    %run_scoped3A_44 = arith.constant 2 : i32
    "tpu.region"() ({
      %run_scoped3A_120 = tpu.sem_alloc : memref<!tpu.dma_semaphore, #tpu.memory_space<semaphore_mem>>
      %dma_start3A_121 = arith.constant 0 : i32
      %dma_start3A_122 = tpu.memref_slice %arg4[%run_scoped3A_44, %mul3A_2, %dma_start3A_121] : memref<8x2048x768xf32, #tpu.memory_space<hbm>> -> memref<1x64x768xf32, #tpu.memory_space<hbm>>
      %dma_start3A_123 = tpu.memref_squeeze %dma_start3A_122 : memref<1x64x768xf32, #tpu.memory_space<hbm>> -> memref<64x768xf32, #tpu.memory_space<hbm>>
      %dma_start3A_124 = arith.constant 0 : i32
      %dma_start3A_125 = tpu.memref_slice %arg4[%run_scoped3A_44, %mul3A_2, %dma_start3A_124] : memref<8x2048x768xf32, #tpu.memory_space<hbm>> -> memref<1x64x768xf32, #tpu.memory_space<hbm>>
      %dma_start3A_126 = tpu.memref_squeeze %dma_start3A_125 : memref<1x64x768xf32, #tpu.memory_space<hbm>> -> memref<64x768xf32, #tpu.memory_space<hbm>>
      tpu.enqueue_dma source(%arg6 : memref<64x768xf32, #tpu.memory_space<vmem>>) target(%dma_start3A_126 : memref<64x768xf32, #tpu.memory_space<hbm>>) target_semaphore(%run_scoped3A_120 : memref<!tpu.dma_semaphore, #tpu.memory_space<semaphore_mem>>)
      %dma_wait3A_127 = arith.constant 0 : i32
      %dma_wait3A_128 = tpu.memref_slice %arg4[%run_scoped3A_44, %mul3A_2, %dma_wait3A_127] : memref<8x2048x768xf32, #tpu.memory_space<hbm>> -> memref<1x64x768xf32, #tpu.memory_space<hbm>>
      %dma_wait3A_129 = tpu.memref_squeeze %dma_wait3A_128 : memref<1x64x768xf32, #tpu.memory_space<hbm>> -> memref<64x768xf32, #tpu.memory_space<hbm>>
      %dma_wait3A_130 = arith.constant 0 : i32
      %dma_wait3A_131 = tpu.memref_slice %arg4[%run_scoped3A_44, %mul3A_2, %dma_wait3A_130] : memref<8x2048x768xf32, #tpu.memory_space<hbm>> -> memref<1x64x768xf32, #tpu.memory_space<hbm>>
      %dma_wait3A_132 = tpu.memref_squeeze %dma_wait3A_131 : memref<1x64x768xf32, #tpu.memory_space<hbm>> -> memref<64x768xf32, #tpu.memory_space<hbm>>
      tpu.wait_dma2 semaphore(%run_scoped3A_120 : memref<!tpu.dma_semaphore, #tpu.memory_space<semaphore_mem>>) src(%arg6 : memref<64x768xf32, #tpu.memory_space<vmem>>) dst(%dma_wait3A_132 : memref<64x768xf32, #tpu.memory_space<hbm>>)
      tpu.yield
    }) : () -> ()
    %dma_start3A_45 = arith.constant 3 : i32
    %dma_start3A_46 = arith.constant 0 : i32
    %dma_start3A_47 = tpu.memref_slice %arg5[%dma_start3A_45, %dma_start3A_46] : memref<8x64xi32, #tpu.memory_space<vmem>> -> memref<1x64xi32, #tpu.memory_space<vmem>>
    %dma_start3A_48 = tpu.memref_squeeze %dma_start3A_47 : memref<1x64xi32, #tpu.memory_space<vmem>> -> memref<64xi32, #tpu.memory_space<vmem>>
    %dma_start3A_49 = arith.constant 0 : i32
    %dma_start3A_50 = arith.constant 0 : i32
    %dma_start3A_51 = tpu.memref_slice %arg2[%dma_start3A_49, %dma_start3A_50] : memref<16384x768xf32, #tpu.memory_space<hbm>> -> memref<16384x768xf32, #tpu.memory_space<hbm>>
    tpu.enqueue_indirect_dma source(%dma_start3A_51 : memref<16384x768xf32, #tpu.memory_space<hbm>>) target(%arg6 : memref<64x768xf32, #tpu.memory_space<vmem>>) offsets(%dma_start3A_48 : memref<64xi32, #tpu.memory_space<vmem>>) semaphore(%arg7 : memref<!tpu.dma_semaphore, #tpu.memory_space<semaphore_mem>>)
    %dma_wait3A_52 = arith.constant 3 : i32
    %dma_wait3A_53 = arith.constant 0 : i32
    %dma_wait3A_54 = tpu.memref_slice %arg5[%dma_wait3A_52, %dma_wait3A_53] : memref<8x64xi32, #tpu.memory_space<vmem>> -> memref<1x64xi32, #tpu.memory_space<vmem>>
    %dma_wait3A_55 = tpu.memref_squeeze %dma_wait3A_54 : memref<1x64xi32, #tpu.memory_space<vmem>> -> memref<64xi32, #tpu.memory_space<vmem>>
    %dma_wait3A_56 = arith.constant 0 : i32
    %dma_wait3A_57 = arith.constant 0 : i32
    %dma_wait3A_58 = tpu.memref_slice %arg2[%dma_wait3A_56, %dma_wait3A_57] : memref<16384x768xf32, #tpu.memory_space<hbm>> -> memref<16384x768xf32, #tpu.memory_space<hbm>>
    tpu.wait_indirect_dma semaphore(%arg7 : memref<!tpu.dma_semaphore, #tpu.memory_space<semaphore_mem>>) src(%dma_wait3A_58 : memref<16384x768xf32, #tpu.memory_space<hbm>>) dst(%arg6 : memref<64x768xf32, #tpu.memory_space<vmem>>)
    %run_scoped3A_59 = arith.constant 3 : i32
    "tpu.region"() ({
      %run_scoped3A_120 = tpu.sem_alloc : memref<!tpu.dma_semaphore, #tpu.memory_space<semaphore_mem>>
      %dma_start3A_121 = arith.constant 0 : i32
      %dma_start3A_122 = tpu.memref_slice %arg4[%run_scoped3A_59, %mul3A_2, %dma_start3A_121] : memref<8x2048x768xf32, #tpu.memory_space<hbm>> -> memref<1x64x768xf32, #tpu.memory_space<hbm>>
      %dma_start3A_123 = tpu.memref_squeeze %dma_start3A_122 : memref<1x64x768xf32, #tpu.memory_space<hbm>> -> memref<64x768xf32, #tpu.memory_space<hbm>>
      %dma_start3A_124 = arith.constant 0 : i32
      %dma_start3A_125 = tpu.memref_slice %arg4[%run_scoped3A_59, %mul3A_2, %dma_start3A_124] : memref<8x2048x768xf32, #tpu.memory_space<hbm>> -> memref<1x64x768xf32, #tpu.memory_space<hbm>>
      %dma_start3A_126 = tpu.memref_squeeze %dma_start3A_125 : memref<1x64x768xf32, #tpu.memory_space<hbm>> -> memref<64x768xf32, #tpu.memory_space<hbm>>
      tpu.enqueue_dma source(%arg6 : memref<64x768xf32, #tpu.memory_space<vmem>>) target(%dma_start3A_126 : memref<64x768xf32, #tpu.memory_space<hbm>>) target_semaphore(%run_scoped3A_120 : memref<!tpu.dma_semaphore, #tpu.memory_space<semaphore_mem>>)
      %dma_wait3A_127 = arith.constant 0 : i32
      %dma_wait3A_128 = tpu.memref_slice %arg4[%run_scoped3A_59, %mul3A_2, %dma_wait3A_127] : memref<8x2048x768xf32, #tpu.memory_space<hbm>> -> memref<1x64x768xf32, #tpu.memory_space<hbm>>
      %dma_wait3A_129 = tpu.memref_squeeze %dma_wait3A_128 : memref<1x64x768xf32, #tpu.memory_space<hbm>> -> memref<64x768xf32, #tpu.memory_space<hbm>>
      %dma_wait3A_130 = arith.constant 0 : i32
      %dma_wait3A_131 = tpu.memref_slice %arg4[%run_scoped3A_59, %mul3A_2, %dma_wait3A_130] : memref<8x2048x768xf32, #tpu.memory_space<hbm>> -> memref<1x64x768xf32, #tpu.memory_space<hbm>>
      %dma_wait3A_132 = tpu.memref_squeeze %dma_wait3A_131 : memref<1x64x768xf32, #tpu.memory_space<hbm>> -> memref<64x768xf32, #tpu.memory_space<hbm>>
      tpu.wait_dma2 semaphore(%run_scoped3A_120 : memref<!tpu.dma_semaphore, #tpu.memory_space<semaphore_mem>>) src(%arg6 : memref<64x768xf32, #tpu.memory_space<vmem>>) dst(%dma_wait3A_132 : memref<64x768xf32, #tpu.memory_space<hbm>>)
      tpu.yield
    }) : () -> ()
    %dma_start3A_60 = arith.constant 4 : i32
    %dma_start3A_61 = arith.constant 0 : i32
    %dma_start3A_62 = tpu.memref_slice %arg5[%dma_start3A_60, %dma_start3A_61] : memref<8x64xi32, #tpu.memory_space<vmem>> -> memref<1x64xi32, #tpu.memory_space<vmem>>
    %dma_start3A_63 = tpu.memref_squeeze %dma_start3A_62 : memref<1x64xi32, #tpu.memory_space<vmem>> -> memref<64xi32, #tpu.memory_space<vmem>>
    %dma_start3A_64 = arith.constant 0 : i32
    %dma_start3A_65 = arith.constant 0 : i32
    %dma_start3A_66 = tpu.memref_slice %arg2[%dma_start3A_64, %dma_start3A_65] : memref<16384x768xf32, #tpu.memory_space<hbm>> -> memref<16384x768xf32, #tpu.memory_space<hbm>>
    tpu.enqueue_indirect_dma source(%dma_start3A_66 : memref<16384x768xf32, #tpu.memory_space<hbm>>) target(%arg6 : memref<64x768xf32, #tpu.memory_space<vmem>>) offsets(%dma_start3A_63 : memref<64xi32, #tpu.memory_space<vmem>>) semaphore(%arg7 : memref<!tpu.dma_semaphore, #tpu.memory_space<semaphore_mem>>)
    %dma_wait3A_67 = arith.constant 4 : i32
    %dma_wait3A_68 = arith.constant 0 : i32
    %dma_wait3A_69 = tpu.memref_slice %arg5[%dma_wait3A_67, %dma_wait3A_68] : memref<8x64xi32, #tpu.memory_space<vmem>> -> memref<1x64xi32, #tpu.memory_space<vmem>>
    %dma_wait3A_70 = tpu.memref_squeeze %dma_wait3A_69 : memref<1x64xi32, #tpu.memory_space<vmem>> -> memref<64xi32, #tpu.memory_space<vmem>>
    %dma_wait3A_71 = arith.constant 0 : i32
    %dma_wait3A_72 = arith.constant 0 : i32
    %dma_wait3A_73 = tpu.memref_slice %arg2[%dma_wait3A_71, %dma_wait3A_72] : memref<16384x768xf32, #tpu.memory_space<hbm>> -> memref<16384x768xf32, #tpu.memory_space<hbm>>
    tpu.wait_indirect_dma semaphore(%arg7 : memref<!tpu.dma_semaphore, #tpu.memory_space<semaphore_mem>>) src(%dma_wait3A_73 : memref<16384x768xf32, #tpu.memory_space<hbm>>) dst(%arg6 : memref<64x768xf32, #tpu.memory_space<vmem>>)
    %run_scoped3A_74 = arith.constant 4 : i32
    "tpu.region"() ({
      %run_scoped3A_120 = tpu.sem_alloc : memref<!tpu.dma_semaphore, #tpu.memory_space<semaphore_mem>>
      %dma_start3A_121 = arith.constant 0 : i32
      %dma_start3A_122 = tpu.memref_slice %arg4[%run_scoped3A_74, %mul3A_2, %dma_start3A_121] : memref<8x2048x768xf32, #tpu.memory_space<hbm>> -> memref<1x64x768xf32, #tpu.memory_space<hbm>>
      %dma_start3A_123 = tpu.memref_squeeze %dma_start3A_122 : memref<1x64x768xf32, #tpu.memory_space<hbm>> -> memref<64x768xf32, #tpu.memory_space<hbm>>
      %dma_start3A_124 = arith.constant 0 : i32
      %dma_start3A_125 = tpu.memref_slice %arg4[%run_scoped3A_74, %mul3A_2, %dma_start3A_124] : memref<8x2048x768xf32, #tpu.memory_space<hbm>> -> memref<1x64x768xf32, #tpu.memory_space<hbm>>
      %dma_start3A_126 = tpu.memref_squeeze %dma_start3A_125 : memref<1x64x768xf32, #tpu.memory_space<hbm>> -> memref<64x768xf32, #tpu.memory_space<hbm>>
      tpu.enqueue_dma source(%arg6 : memref<64x768xf32, #tpu.memory_space<vmem>>) target(%dma_start3A_126 : memref<64x768xf32, #tpu.memory_space<hbm>>) target_semaphore(%run_scoped3A_120 : memref<!tpu.dma_semaphore, #tpu.memory_space<semaphore_mem>>)
      %dma_wait3A_127 = arith.constant 0 : i32
      %dma_wait3A_128 = tpu.memref_slice %arg4[%run_scoped3A_74, %mul3A_2, %dma_wait3A_127] : memref<8x2048x768xf32, #tpu.memory_space<hbm>> -> memref<1x64x768xf32, #tpu.memory_space<hbm>>
      %dma_wait3A_129 = tpu.memref_squeeze %dma_wait3A_128 : memref<1x64x768xf32, #tpu.memory_space<hbm>> -> memref<64x768xf32, #tpu.memory_space<hbm>>
      %dma_wait3A_130 = arith.constant 0 : i32
      %dma_wait3A_131 = tpu.memref_slice %arg4[%run_scoped3A_74, %mul3A_2, %dma_wait3A_130] : memref<8x2048x768xf32, #tpu.memory_space<hbm>> -> memref<1x64x768xf32, #tpu.memory_space<hbm>>
      %dma_wait3A_132 = tpu.memref_squeeze %dma_wait3A_131 : memref<1x64x768xf32, #tpu.memory_space<hbm>> -> memref<64x768xf32, #tpu.memory_space<hbm>>
      tpu.wait_dma2 semaphore(%run_scoped3A_120 : memref<!tpu.dma_semaphore, #tpu.memory_space<semaphore_mem>>) src(%arg6 : memref<64x768xf32, #tpu.memory_space<vmem>>) dst(%dma_wait3A_132 : memref<64x768xf32, #tpu.memory_space<hbm>>)
      tpu.yield
    }) : () -> ()
    %dma_start3A_75 = arith.constant 5 : i32
    %dma_start3A_76 = arith.constant 0 : i32
    %dma_start3A_77 = tpu.memref_slice %arg5[%dma_start3A_75, %dma_start3A_76] : memref<8x64xi32, #tpu.memory_space<vmem>> -> memref<1x64xi32, #tpu.memory_space<vmem>>
    %dma_start3A_78 = tpu.memref_squeeze %dma_start3A_77 : memref<1x64xi32, #tpu.memory_space<vmem>> -> memref<64xi32, #tpu.memory_space<vmem>>
    %dma_start3A_79 = arith.constant 0 : i32
    %dma_start3A_80 = arith.constant 0 : i32
    %dma_start3A_81 = tpu.memref_slice %arg2[%dma_start3A_79, %dma_start3A_80] : memref<16384x768xf32, #tpu.memory_space<hbm>> -> memref<16384x768xf32, #tpu.memory_space<hbm>>
    tpu.enqueue_indirect_dma source(%dma_start3A_81 : memref<16384x768xf32, #tpu.memory_space<hbm>>) target(%arg6 : memref<64x768xf32, #tpu.memory_space<vmem>>) offsets(%dma_start3A_78 : memref<64xi32, #tpu.memory_space<vmem>>) semaphore(%arg7 : memref<!tpu.dma_semaphore, #tpu.memory_space<semaphore_mem>>)
    %dma_wait3A_82 = arith.constant 5 : i32
    %dma_wait3A_83 = arith.constant 0 : i32
    %dma_wait3A_84 = tpu.memref_slice %arg5[%dma_wait3A_82, %dma_wait3A_83] : memref<8x64xi32, #tpu.memory_space<vmem>> -> memref<1x64xi32, #tpu.memory_space<vmem>>
    %dma_wait3A_85 = tpu.memref_squeeze %dma_wait3A_84 : memref<1x64xi32, #tpu.memory_space<vmem>> -> memref<64xi32, #tpu.memory_space<vmem>>
    %dma_wait3A_86 = arith.constant 0 : i32
    %dma_wait3A_87 = arith.constant 0 : i32
    %dma_wait3A_88 = tpu.memref_slice %arg2[%dma_wait3A_86, %dma_wait3A_87] : memref<16384x768xf32, #tpu.memory_space<hbm>> -> memref<16384x768xf32, #tpu.memory_space<hbm>>
    tpu.wait_indirect_dma semaphore(%arg7 : memref<!tpu.dma_semaphore, #tpu.memory_space<semaphore_mem>>) src(%dma_wait3A_88 : memref<16384x768xf32, #tpu.memory_space<hbm>>) dst(%arg6 : memref<64x768xf32, #tpu.memory_space<vmem>>)
    %run_scoped3A_89 = arith.constant 5 : i32
    "tpu.region"() ({
      %run_scoped3A_120 = tpu.sem_alloc : memref<!tpu.dma_semaphore, #tpu.memory_space<semaphore_mem>>
      %dma_start3A_121 = arith.constant 0 : i32
      %dma_start3A_122 = tpu.memref_slice %arg4[%run_scoped3A_89, %mul3A_2, %dma_start3A_121] : memref<8x2048x768xf32, #tpu.memory_space<hbm>> -> memref<1x64x768xf32, #tpu.memory_space<hbm>>
      %dma_start3A_123 = tpu.memref_squeeze %dma_start3A_122 : memref<1x64x768xf32, #tpu.memory_space<hbm>> -> memref<64x768xf32, #tpu.memory_space<hbm>>
      %dma_start3A_124 = arith.constant 0 : i32
      %dma_start3A_125 = tpu.memref_slice %arg4[%run_scoped3A_89, %mul3A_2, %dma_start3A_124] : memref<8x2048x768xf32, #tpu.memory_space<hbm>> -> memref<1x64x768xf32, #tpu.memory_space<hbm>>
      %dma_start3A_126 = tpu.memref_squeeze %dma_start3A_125 : memref<1x64x768xf32, #tpu.memory_space<hbm>> -> memref<64x768xf32, #tpu.memory_space<hbm>>
      tpu.enqueue_dma source(%arg6 : memref<64x768xf32, #tpu.memory_space<vmem>>) target(%dma_start3A_126 : memref<64x768xf32, #tpu.memory_space<hbm>>) target_semaphore(%run_scoped3A_120 : memref<!tpu.dma_semaphore, #tpu.memory_space<semaphore_mem>>)
      %dma_wait3A_127 = arith.constant 0 : i32
      %dma_wait3A_128 = tpu.memref_slice %arg4[%run_scoped3A_89, %mul3A_2, %dma_wait3A_127] : memref<8x2048x768xf32, #tpu.memory_space<hbm>> -> memref<1x64x768xf32, #tpu.memory_space<hbm>>
      %dma_wait3A_129 = tpu.memref_squeeze %dma_wait3A_128 : memref<1x64x768xf32, #tpu.memory_space<hbm>> -> memref<64x768xf32, #tpu.memory_space<hbm>>
      %dma_wait3A_130 = arith.constant 0 : i32
      %dma_wait3A_131 = tpu.memref_slice %arg4[%run_scoped3A_89, %mul3A_2, %dma_wait3A_130] : memref<8x2048x768xf32, #tpu.memory_space<hbm>> -> memref<1x64x768xf32, #tpu.memory_space<hbm>>
      %dma_wait3A_132 = tpu.memref_squeeze %dma_wait3A_131 : memref<1x64x768xf32, #tpu.memory_space<hbm>> -> memref<64x768xf32, #tpu.memory_space<hbm>>
      tpu.wait_dma2 semaphore(%run_scoped3A_120 : memref<!tpu.dma_semaphore, #tpu.memory_space<semaphore_mem>>) src(%arg6 : memref<64x768xf32, #tpu.memory_space<vmem>>) dst(%dma_wait3A_132 : memref<64x768xf32, #tpu.memory_space<hbm>>)
      tpu.yield
    }) : () -> ()
    %dma_start3A_90 = arith.constant 6 : i32
    %dma_start3A_91 = arith.constant 0 : i32
    %dma_start3A_92 = tpu.memref_slice %arg5[%dma_start3A_90, %dma_start3A_91] : memref<8x64xi32, #tpu.memory_space<vmem>> -> memref<1x64xi32, #tpu.memory_space<vmem>>
    %dma_start3A_93 = tpu.memref_squeeze %dma_start3A_92 : memref<1x64xi32, #tpu.memory_space<vmem>> -> memref<64xi32, #tpu.memory_space<vmem>>
    %dma_start3A_94 = arith.constant 0 : i32
    %dma_start3A_95 = arith.constant 0 : i32
    %dma_start3A_96 = tpu.memref_slice %arg2[%dma_start3A_94, %dma_start3A_95] : memref<16384x768xf32, #tpu.memory_space<hbm>> -> memref<16384x768xf32, #tpu.memory_space<hbm>>
    tpu.enqueue_indirect_dma source(%dma_start3A_96 : memref<16384x768xf32, #tpu.memory_space<hbm>>) target(%arg6 : memref<64x768xf32, #tpu.memory_space<vmem>>) offsets(%dma_start3A_93 : memref<64xi32, #tpu.memory_space<vmem>>) semaphore(%arg7 : memref<!tpu.dma_semaphore, #tpu.memory_space<semaphore_mem>>)
    %dma_wait3A_97 = arith.constant 6 : i32
    %dma_wait3A_98 = arith.constant 0 : i32
    %dma_wait3A_99 = tpu.memref_slice %arg5[%dma_wait3A_97, %dma_wait3A_98] : memref<8x64xi32, #tpu.memory_space<vmem>> -> memref<1x64xi32, #tpu.memory_space<vmem>>
    %dma_wait3A_100 = tpu.memref_squeeze %dma_wait3A_99 : memref<1x64xi32, #tpu.memory_space<vmem>> -> memref<64xi32, #tpu.memory_space<vmem>>
    %dma_wait3A_101 = arith.constant 0 : i32
    %dma_wait3A_102 = arith.constant 0 : i32
    %dma_wait3A_103 = tpu.memref_slice %arg2[%dma_wait3A_101, %dma_wait3A_102] : memref<16384x768xf32, #tpu.memory_space<hbm>> -> memref<16384x768xf32, #tpu.memory_space<hbm>>
    tpu.wait_indirect_dma semaphore(%arg7 : memref<!tpu.dma_semaphore, #tpu.memory_space<semaphore_mem>>) src(%dma_wait3A_103 : memref<16384x768xf32, #tpu.memory_space<hbm>>) dst(%arg6 : memref<64x768xf32, #tpu.memory_space<vmem>>)
    %run_scoped3A_104 = arith.constant 6 : i32
    "tpu.region"() ({
      %run_scoped3A_120 = tpu.sem_alloc : memref<!tpu.dma_semaphore, #tpu.memory_space<semaphore_mem>>
      %dma_start3A_121 = arith.constant 0 : i32
      %dma_start3A_122 = tpu.memref_slice %arg4[%run_scoped3A_104, %mul3A_2, %dma_start3A_121] : memref<8x2048x768xf32, #tpu.memory_space<hbm>> -> memref<1x64x768xf32, #tpu.memory_space<hbm>>
      %dma_start3A_123 = tpu.memref_squeeze %dma_start3A_122 : memref<1x64x768xf32, #tpu.memory_space<hbm>> -> memref<64x768xf32, #tpu.memory_space<hbm>>
      %dma_start3A_124 = arith.constant 0 : i32
      %dma_start3A_125 = tpu.memref_slice %arg4[%run_scoped3A_104, %mul3A_2, %dma_start3A_124] : memref<8x2048x768xf32, #tpu.memory_space<hbm>> -> memref<1x64x768xf32, #tpu.memory_space<hbm>>
      %dma_start3A_126 = tpu.memref_squeeze %dma_start3A_125 : memref<1x64x768xf32, #tpu.memory_space<hbm>> -> memref<64x768xf32, #tpu.memory_space<hbm>>
      tpu.enqueue_dma source(%arg6 : memref<64x768xf32, #tpu.memory_space<vmem>>) target(%dma_start3A_126 : memref<64x768xf32, #tpu.memory_space<hbm>>) target_semaphore(%run_scoped3A_120 : memref<!tpu.dma_semaphore, #tpu.memory_space<semaphore_mem>>)
      %dma_wait3A_127 = arith.constant 0 : i32
      %dma_wait3A_128 = tpu.memref_slice %arg4[%run_scoped3A_104, %mul3A_2, %dma_wait3A_127] : memref<8x2048x768xf32, #tpu.memory_space<hbm>> -> memref<1x64x768xf32, #tpu.memory_space<hbm>>
      %dma_wait3A_129 = tpu.memref_squeeze %dma_wait3A_128 : memref<1x64x768xf32, #tpu.memory_space<hbm>> -> memref<64x768xf32, #tpu.memory_space<hbm>>
      %dma_wait3A_130 = arith.constant 0 : i32
      %dma_wait3A_131 = tpu.memref_slice %arg4[%run_scoped3A_104, %mul3A_2, %dma_wait3A_130] : memref<8x2048x768xf32, #tpu.memory_space<hbm>> -> memref<1x64x768xf32, #tpu.memory_space<hbm>>
      %dma_wait3A_132 = tpu.memref_squeeze %dma_wait3A_131 : memref<1x64x768xf32, #tpu.memory_space<hbm>> -> memref<64x768xf32, #tpu.memory_space<hbm>>
      tpu.wait_dma2 semaphore(%run_scoped3A_120 : memref<!tpu.dma_semaphore, #tpu.memory_space<semaphore_mem>>) src(%arg6 : memref<64x768xf32, #tpu.memory_space<vmem>>) dst(%dma_wait3A_132 : memref<64x768xf32, #tpu.memory_space<hbm>>)
      tpu.yield
    }) : () -> ()
    %dma_start3A_105 = arith.constant 7 : i32
    %dma_start3A_106 = arith.constant 0 : i32
    %dma_start3A_107 = tpu.memref_slice %arg5[%dma_start3A_105, %dma_start3A_106] : memref<8x64xi32, #tpu.memory_space<vmem>> -> memref<1x64xi32, #tpu.memory_space<vmem>>
    %dma_start3A_108 = tpu.memref_squeeze %dma_start3A_107 : memref<1x64xi32, #tpu.memory_space<vmem>> -> memref<64xi32, #tpu.memory_space<vmem>>
    %dma_start3A_109 = arith.constant 0 : i32
    %dma_start3A_110 = arith.constant 0 : i32
    %dma_start3A_111 = tpu.memref_slice %arg2[%dma_start3A_109, %dma_start3A_110] : memref<16384x768xf32, #tpu.memory_space<hbm>> -> memref<16384x768xf32, #tpu.memory_space<hbm>>
    tpu.enqueue_indirect_dma source(%dma_start3A_111 : memref<16384x768xf32, #tpu.memory_space<hbm>>) target(%arg6 : memref<64x768xf32, #tpu.memory_space<vmem>>) offsets(%dma_start3A_108 : memref<64xi32, #tpu.memory_space<vmem>>) semaphore(%arg7 : memref<!tpu.dma_semaphore, #tpu.memory_space<semaphore_mem>>)
    %dma_wait3A_112 = arith.constant 7 : i32
    %dma_wait3A_113 = arith.constant 0 : i32
    %dma_wait3A_114 = tpu.memref_slice %arg5[%dma_wait3A_112, %dma_wait3A_113] : memref<8x64xi32, #tpu.memory_space<vmem>> -> memref<1x64xi32, #tpu.memory_space<vmem>>
    %dma_wait3A_115 = tpu.memref_squeeze %dma_wait3A_114 : memref<1x64xi32, #tpu.memory_space<vmem>> -> memref<64xi32, #tpu.memory_space<vmem>>
    %dma_wait3A_116 = arith.constant 0 : i32
    %dma_wait3A_117 = arith.constant 0 : i32
    %dma_wait3A_118 = tpu.memref_slice %arg2[%dma_wait3A_116, %dma_wait3A_117] : memref<16384x768xf32, #tpu.memory_space<hbm>> -> memref<16384x768xf32, #tpu.memory_space<hbm>>
    tpu.wait_indirect_dma semaphore(%arg7 : memref<!tpu.dma_semaphore, #tpu.memory_space<semaphore_mem>>) src(%dma_wait3A_118 : memref<16384x768xf32, #tpu.memory_space<hbm>>) dst(%arg6 : memref<64x768xf32, #tpu.memory_space<vmem>>)
    %run_scoped3A_119 = arith.constant 7 : i32
    "tpu.region"() ({
      %run_scoped3A_120 = tpu.sem_alloc : memref<!tpu.dma_semaphore, #tpu.memory_space<semaphore_mem>>
      %dma_start3A_121 = arith.constant 0 : i32
      %dma_start3A_122 = tpu.memref_slice %arg4[%run_scoped3A_119, %mul3A_2, %dma_start3A_121] : memref<8x2048x768xf32, #tpu.memory_space<hbm>> -> memref<1x64x768xf32, #tpu.memory_space<hbm>>
      %dma_start3A_123 = tpu.memref_squeeze %dma_start3A_122 : memref<1x64x768xf32, #tpu.memory_space<hbm>> -> memref<64x768xf32, #tpu.memory_space<hbm>>
      %dma_start3A_124 = arith.constant 0 : i32
      %dma_start3A_125 = tpu.memref_slice %arg4[%run_scoped3A_119, %mul3A_2, %dma_start3A_124] : memref<8x2048x768xf32, #tpu.memory_space<hbm>> -> memref<1x64x768xf32, #tpu.memory_space<hbm>>
      %dma_start3A_126 = tpu.memref_squeeze %dma_start3A_125 : memref<1x64x768xf32, #tpu.memory_space<hbm>> -> memref<64x768xf32, #tpu.memory_space<hbm>>
      tpu.enqueue_dma source(%arg6 : memref<64x768xf32, #tpu.memory_space<vmem>>) target(%dma_start3A_126 : memref<64x768xf32, #tpu.memory_space<hbm>>) target_semaphore(%run_scoped3A_120 : memref<!tpu.dma_semaphore, #tpu.memory_space<semaphore_mem>>)
      %dma_wait3A_127 = arith.constant 0 : i32
      %dma_wait3A_128 = tpu.memref_slice %arg4[%run_scoped3A_119, %mul3A_2, %dma_wait3A_127] : memref<8x2048x768xf32, #tpu.memory_space<hbm>> -> memref<1x64x768xf32, #tpu.memory_space<hbm>>
      %dma_wait3A_129 = tpu.memref_squeeze %dma_wait3A_128 : memref<1x64x768xf32, #tpu.memory_space<hbm>> -> memref<64x768xf32, #tpu.memory_space<hbm>>
      %dma_wait3A_130 = arith.constant 0 : i32
      %dma_wait3A_131 = tpu.memref_slice %arg4[%run_scoped3A_119, %mul3A_2, %dma_wait3A_130] : memref<8x2048x768xf32, #tpu.memory_space<hbm>> -> memref<1x64x768xf32, #tpu.memory_space<hbm>>
      %dma_wait3A_132 = tpu.memref_squeeze %dma_wait3A_131 : memref<1x64x768xf32, #tpu.memory_space<hbm>> -> memref<64x768xf32, #tpu.memory_space<hbm>>
      tpu.wait_dma2 semaphore(%run_scoped3A_120 : memref<!tpu.dma_semaphore, #tpu.memory_space<semaphore_mem>>) src(%arg6 : memref<64x768xf32, #tpu.memory_space<vmem>>) dst(%dma_wait3A_132 : memref<64x768xf32, #tpu.memory_space<hbm>>)
      tpu.yield
    }) : () -> ()
    return
  }
}

module attributes {stable_mosaic.version = 14 : i64} {
  func.func @_router_body(%arg0: i32, %arg1: i32, %arg2: memref<128x768xf32, #tpu.memory_space<vmem>>, %arg3: memref<128x64xf32, #tpu.memory_space<vmem>>, %arg4: memref<768x64xf32, #tpu.memory_space<vmem>>, %arg5: memref<1x64xf32, #tpu.memory_space<vmem>>, %arg6: memref<768x64xf32, #tpu.memory_space<vmem>>, %arg7: memref<1x64xf32, #tpu.memory_space<vmem>>, %arg8: memref<128x8xi32, #tpu.memory_space<vmem>>, %arg9: memref<128x8xf32, #tpu.memory_space<vmem>>, %arg10: memref<1x64xi32, #tpu.memory_space<vmem>>, %arg11: memref<8x64xf32, #tpu.memory_space<vmem>>, %arg12: memref<8x64xf32, #tpu.memory_space<vmem>>, %arg13: memref<2048x64xf32, #tpu.memory_space<vmem>>) attributes {dimension_semantics = [#tpu.dimension_semantics<arbitrary>, #tpu.dimension_semantics<arbitrary>], iteration_bounds = array<i64: 2, 16>, scalar_prefetch = 0 : i64, scratch_operands = 3 : i64, tpu.core_type = #tpu.core_type<tc>, window_params = [{transform_indices = @transform_0, window_bounds = array<i64: 128, 768>}, {transform_indices = @transform_1, window_bounds = array<i64: 128, 64>}, {pipeline_mode = #tpu.pipeline_mode<synchronous>, transform_indices = @transform_2, window_bounds = array<i64: 768, 64>}, {pipeline_mode = #tpu.pipeline_mode<synchronous>, transform_indices = @transform_3, window_bounds = array<i64: 1, 64>}, {pipeline_mode = #tpu.pipeline_mode<synchronous>, transform_indices = @transform_4, window_bounds = array<i64: 768, 64>}, {pipeline_mode = #tpu.pipeline_mode<synchronous>, transform_indices = @transform_5, window_bounds = array<i64: 1, 64>}, {transform_indices = @transform_6, window_bounds = array<i64: 128, 8>}, {transform_indices = @transform_7, window_bounds = array<i64: 128, 8>}, {pipeline_mode = #tpu.pipeline_mode<synchronous>, transform_indices = @transform_8, window_bounds = array<i64: 1, 64>}]} {
    %eq3A = arith.constant 0 : i32
    %eq3A_0 = arith.cmpi eq, %arg0, %eq3A : i32
    %eq3A_1 = arith.constant 0 : i32
    %eq3A_2 = arith.cmpi eq, %arg1, %eq3A_1 : i32
    %and3A = arith.andi %eq3A_0, %eq3A_2 : i1
    %convert_element_type3A = arith.extui %and3A : i1 to i32
    %cond3A = arith.constant 0 : i32
    %cond3A_3 = arith.cmpi ne, %convert_element_type3A, %cond3A : i32
    scf.if %cond3A_3 {
      %broadcast_in_dim3A_271 = arith.constant 0.000000e+00 : f32
      %broadcast_in_dim3A_272 = vector.broadcast %broadcast_in_dim3A_271 : f32 to vector<8x64xf32>
      %swap3A_273 = arith.constant 0 : index
      %swap3A_274 = arith.constant 0 : index
      %swap3A_275 = vector.load %arg11[%swap3A_273, %swap3A_274] : memref<8x64xf32, #tpu.memory_space<vmem>>, vector<8x64xf32>
      tpu.vector_store %arg11[%swap3A_273, %swap3A_274], %broadcast_in_dim3A_272 {strides = array<i32>} : memref<8x64xf32, #tpu.memory_space<vmem>>, vector<8x64xf32>,
      %broadcast_in_dim3A_276 = arith.constant 0.000000e+00 : f32
      %broadcast_in_dim3A_277 = vector.broadcast %broadcast_in_dim3A_276 : f32 to vector<8x64xf32>
      %swap3A_278 = arith.constant 0 : index
      %swap3A_279 = arith.constant 0 : index
      %swap3A_280 = vector.load %arg12[%swap3A_278, %swap3A_279] : memref<8x64xf32, #tpu.memory_space<vmem>>, vector<8x64xf32>
      tpu.vector_store %arg12[%swap3A_278, %swap3A_279], %broadcast_in_dim3A_277 {strides = array<i32>} : memref<8x64xf32, #tpu.memory_space<vmem>>, vector<8x64xf32>,
    } else {
    }
    %get3A = arith.constant 0 : index
    %get3A_4 = arith.constant 0 : index
    %get3A_5 = vector.load %arg2[%get3A, %get3A_4] : memref<128x768xf32, #tpu.memory_space<vmem>>, vector<128x768xf32>
    %get3A_6 = arith.constant 0 : index
    %get3A_7 = arith.constant 0 : index
    %get3A_8 = vector.load %arg4[%get3A_6, %get3A_7] : memref<768x64xf32, #tpu.memory_space<vmem>>, vector<768x64xf32>
    %dot_general3A = arith.constant dense<0.000000e+00> : vector<128x64xf32>
    %dot_general3A_9 = tpu.matmul %get3A_5, %get3A_8, %dot_general3A {dimension_numbers = #tpu.dot_dimension_numbers<[1], [0], [0], [1], [0, 0, 1, 1], [], []>, transpose_lhs_hint = false} : vector<128x768xf32>, vector<768x64xf32>, vector<128x64xf32> -> vector<128x64xf32>
    %get3A_10 = arith.constant 0 : index
    %get3A_11 = arith.constant 0 : index
    %get3A_12 = vector.load %arg5[%get3A_10, %get3A_11] : memref<1x64xf32, #tpu.memory_space<vmem>>, vector<1x64xf32>
    %add3A = vector.broadcast %get3A_12 : vector<1x64xf32> to vector<128x64xf32>
    %add3A_13 = arith.addf %dot_general3A_9, %add3A : vector<128x64xf32>
    %get3A_14 = arith.constant 0 : index
    %get3A_15 = arith.constant 0 : index
    %get3A_16 = vector.load %arg6[%get3A_14, %get3A_15] : memref<768x64xf32, #tpu.memory_space<vmem>>, vector<768x64xf32>
    %dot_general3A_17 = arith.constant dense<0.000000e+00> : vector<128x64xf32>
    %dot_general3A_18 = tpu.matmul %get3A_5, %get3A_16, %dot_general3A_17 {dimension_numbers = #tpu.dot_dimension_numbers<[1], [0], [0], [1], [0, 0, 1, 1], [], []>, transpose_lhs_hint = false} : vector<128x768xf32>, vector<768x64xf32>, vector<128x64xf32> -> vector<128x64xf32>
    %get3A_19 = arith.constant 0 : index
    %get3A_20 = arith.constant 0 : index
    %get3A_21 = vector.load %arg7[%get3A_19, %get3A_20] : memref<1x64xf32, #tpu.memory_space<vmem>>, vector<1x64xf32>
    %add3A_22 = vector.broadcast %get3A_21 : vector<1x64xf32> to vector<128x64xf32>
    %add3A_23 = arith.addf %dot_general3A_18, %add3A_22 : vector<128x64xf32>
    %get3A_24 = arith.constant 0 : index
    %get3A_25 = arith.constant 0 : index
    %get3A_26 = vector.load %arg3[%get3A_24, %get3A_25] : memref<128x64xf32, #tpu.memory_space<vmem>>, vector<128x64xf32>
    %max3A = arith.constant 0.000000e+00 : f32
    %max3A_27 = vector.broadcast %max3A : f32 to vector<128x64xf32>
    %max3A_28 = arith.maximumf %add3A_23, %max3A_27 : vector<128x64xf32>
    %abs3A = math.absf %add3A_23 : vector<128x64xf32>
    %neg3A = arith.constant 0.000000e+00 : f32
    %neg3A_29 = vector.broadcast %neg3A : f32 to vector<128x64xf32>
    %neg3A_30 = arith.subf %neg3A_29, %abs3A : vector<128x64xf32>
    %exp3A = math.exp %neg3A_30 : vector<128x64xf32>
    %add3A_31 = arith.constant 1.000000e+00 : f32
    %add3A_32 = vector.broadcast %add3A_31 : f32 to vector<128x64xf32>
    %add3A_33 = arith.addf %add3A_32, %exp3A : vector<128x64xf32>
    %log3A = math.log %add3A_33 : vector<128x64xf32>
    %add3A_34 = arith.addf %max3A_28, %log3A : vector<128x64xf32>
    %mul3A = arith.mulf %get3A_26, %add3A_34 : vector<128x64xf32>
    %add3A_35 = arith.addf %add3A_13, %mul3A : vector<128x64xf32>
    %iota3A = tpu.iota {dimensions = array<i32: 1>} : vector<128x64xi32>
    %eq3A_36 = arith.constant 1 : i32
    %eq3A_37 = arith.cmpi eq, %arg0, %eq3A_36 : i32
    %eq3A_38 = arith.constant 0 : i32
    %eq3A_39 = arith.cmpi eq, %arg1, %eq3A_38 : i32
    %and3A_40 = arith.andi %eq3A_37, %eq3A_39 : i1
    %convert_element_type3A_41 = arith.extui %and3A_40 : i1 to i32
    %cond3A_42 = arith.constant 0 : i32
    %cond3A_43 = arith.cmpi ne, %convert_element_type3A_41, %cond3A_42 : i32
    scf.if %cond3A_43 {
      %get3A_271 = arith.constant 0 : index
      %get3A_272 = arith.constant 0 : index
      %get3A_273 = vector.load %arg11[%get3A_271, %get3A_272] : memref<8x64xf32, #tpu.memory_space<vmem>>, vector<1x64xf32>
      %iota3A_274 = tpu.iota {dimensions = array<i32: 0>} : vector<64x64xi32>
      %iota3A_275 = tpu.iota {dimensions = array<i32: 1>} : vector<64x64xi32>
      %lt3A = arith.cmpi slt, %iota3A_274, %iota3A_275 : vector<64x64xi32>
      %convert_element_type3A_276 = arith.extui %lt3A : vector<64x64xi1> to vector<64x64xi32>
      %convert_element_type3A_277 = arith.sitofp %convert_element_type3A_276 : vector<64x64xi32> to vector<64x64xf32>
      %dot_general3A_278 = arith.constant dense<0.000000e+00> : vector<1x64xf32>
      %dot_general3A_279 = tpu.matmul %get3A_273, %convert_element_type3A_277, %dot_general3A_278 {dimension_numbers = #tpu.dot_dimension_numbers<[1], [0], [0], [1], [0, 0, 1, 1], [], []>, precision = #tpu.contract_precision<fp32>, transpose_lhs_hint = false} : vector<1x64xf32>, vector<64x64xf32>, vector<1x64xf32> -> vector<1x64xf32>
      %swap3A_280 = arith.constant 0 : index
      %swap3A_281 = arith.constant 0 : index
      %swap3A_282 = vector.load %arg12[%swap3A_280, %swap3A_281] : memref<8x64xf32, #tpu.memory_space<vmem>>, vector<1x64xf32>
      tpu.vector_store %arg12[%swap3A_280, %swap3A_281], %dot_general3A_279 {strides = array<i32>} : memref<8x64xf32, #tpu.memory_space<vmem>>, vector<1x64xf32>,
    } else {
    }
    %mul3A_44 = arith.constant 128 : i32
    %mul3A_45 = arith.muli %arg1, %mul3A_44 : i32
    %get3A_46 = arith.index_cast %mul3A_45 : i32 to index
    %get3A_47 = arith.constant 0 : index
    %get3A_48 = vector.load %arg13[%get3A_46, %get3A_47] : memref<2048x64xf32, #tpu.memory_space<vmem>>, vector<128x64xf32>
    %get3A_49 = arith.constant 0 : index
    %get3A_50 = arith.constant 0 : index
    %get3A_51 = vector.load %arg12[%get3A_49, %get3A_50] : memref<8x64xf32, #tpu.memory_space<vmem>>, vector<1x64xf32>
    %add3A_52 = vector.broadcast %get3A_51 : vector<1x64xf32> to vector<128x64xf32>
    %add3A_53 = arith.addf %get3A_48, %add3A_52 : vector<128x64xf32>
    %broadcast_in_dim3A = arith.constant false
    %broadcast_in_dim3A_54 = vector.broadcast %broadcast_in_dim3A : i1 to vector<128x64xi1>
    %reduce_max3A = arith.constant dense<0xFF800000> : vector<128xf32>
    %reduce_max3A_55 = vector.multi_reduction <maximumf>, %add3A_35, %reduce_max3A [1] : vector<128x64xf32> to vector<128xf32>
    %broadcast_in_dim3A_56 = vector.shape_cast %reduce_max3A_55 : vector<128xf32> to vector<128x1xf32>
    %eq3A_57 = vector.broadcast %broadcast_in_dim3A_56 : vector<128x1xf32> to vector<128x64xf32>
    %eq3A_58 = arith.cmpf oeq, %add3A_35, %eq3A_57 : vector<128x64xf32>
    %jit3A = arith.constant 64 : i32
    %broadcast_in_dim3A_59 = vector.broadcast %jit3A : i32 to vector<128x64xi32>
    %select_n3A = arith.select %eq3A_58, %iota3A, %broadcast_in_dim3A_59 : vector<128x64xi1>, vector<128x64xi32>
    %reduce_min3A = arith.constant dense<2147483647> : vector<128xi32>
    %reduce_min3A_60 = vector.multi_reduction <minsi>, %select_n3A, %reduce_min3A [1] : vector<128x64xi32> to vector<128xi32>
    %broadcast_in_dim3A_61 = vector.shape_cast %reduce_min3A_60 : vector<128xi32> to vector<128x1xi32>
    %eq3A_62 = vector.broadcast %broadcast_in_dim3A_61 : vector<128x1xi32> to vector<128x64xi32>
    %eq3A_63 = arith.cmpi eq, %iota3A, %eq3A_62 : vector<128x64xi32>
    %jit3A_64 = arith.constant 0.000000e+00 : f32
    %broadcast_in_dim3A_65 = vector.broadcast %jit3A_64 : f32 to vector<128x64xf32>
    %select_n3A_66 = arith.select %eq3A_63, %add3A_53, %broadcast_in_dim3A_65 : vector<128x64xi1>, vector<128x64xf32>
    %reduce_sum3A = arith.constant dense<0.000000e+00> : vector<128xf32>
    %reduce_sum3A_67 = vector.multi_reduction <add>, %select_n3A_66, %reduce_sum3A [1] : vector<128x64xf32> to vector<128xf32>
    %broadcast_in_dim3A_68 = vector.shape_cast %reduce_sum3A_67 : vector<128xf32> to vector<128x1xf32>
    %or3A = arith.ori %broadcast_in_dim3A_54, %eq3A_63 : vector<128x64xi1>
    %jit3A_69 = arith.constant 0xFF800000 : f32
    %broadcast_in_dim3A_70 = vector.broadcast %jit3A_69 : f32 to vector<128x64xf32>
    %select_n3A_71 = arith.select %eq3A_63, %broadcast_in_dim3A_70, %add3A_35 : vector<128x64xi1>, vector<128x64xf32>
    %reduce_max3A_72 = arith.constant dense<0xFF800000> : vector<128xf32>
    %reduce_max3A_73 = vector.multi_reduction <maximumf>, %select_n3A_71, %reduce_max3A_72 [1] : vector<128x64xf32> to vector<128xf32>
    %broadcast_in_dim3A_74 = vector.shape_cast %reduce_max3A_73 : vector<128xf32> to vector<128x1xf32>
    %eq3A_75 = vector.broadcast %broadcast_in_dim3A_74 : vector<128x1xf32> to vector<128x64xf32>
    %eq3A_76 = arith.cmpf oeq, %select_n3A_71, %eq3A_75 : vector<128x64xf32>
    %jit3A_77 = arith.constant 64 : i32
    %broadcast_in_dim3A_78 = vector.broadcast %jit3A_77 : i32 to vector<128x64xi32>
    %select_n3A_79 = arith.select %eq3A_76, %iota3A, %broadcast_in_dim3A_78 : vector<128x64xi1>, vector<128x64xi32>
    %reduce_min3A_80 = arith.constant dense<2147483647> : vector<128xi32>
    %reduce_min3A_81 = vector.multi_reduction <minsi>, %select_n3A_79, %reduce_min3A_80 [1] : vector<128x64xi32> to vector<128xi32>
    %broadcast_in_dim3A_82 = vector.shape_cast %reduce_min3A_81 : vector<128xi32> to vector<128x1xi32>
    %eq3A_83 = vector.broadcast %broadcast_in_dim3A_82 : vector<128x1xi32> to vector<128x64xi32>
    %eq3A_84 = arith.cmpi eq, %iota3A, %eq3A_83 : vector<128x64xi32>
    %jit3A_85 = arith.constant 0.000000e+00 : f32
    %broadcast_in_dim3A_86 = vector.broadcast %jit3A_85 : f32 to vector<128x64xf32>
    %select_n3A_87 = arith.select %eq3A_84, %add3A_53, %broadcast_in_dim3A_86 : vector<128x64xi1>, vector<128x64xf32>
    %reduce_sum3A_88 = arith.constant dense<0.000000e+00> : vector<128xf32>
    %reduce_sum3A_89 = vector.multi_reduction <add>, %select_n3A_87, %reduce_sum3A_88 [1] : vector<128x64xf32> to vector<128xf32>
    %broadcast_in_dim3A_90 = vector.shape_cast %reduce_sum3A_89 : vector<128xf32> to vector<128x1xf32>
    %or3A_91 = arith.ori %or3A, %eq3A_84 : vector<128x64xi1>
    %jit3A_92 = arith.constant 0xFF800000 : f32
    %broadcast_in_dim3A_93 = vector.broadcast %jit3A_92 : f32 to vector<128x64xf32>
    %select_n3A_94 = arith.select %eq3A_84, %broadcast_in_dim3A_93, %select_n3A_71 : vector<128x64xi1>, vector<128x64xf32>
    %reduce_max3A_95 = arith.constant dense<0xFF800000> : vector<128xf32>
    %reduce_max3A_96 = vector.multi_reduction <maximumf>, %select_n3A_94, %reduce_max3A_95 [1] : vector<128x64xf32> to vector<128xf32>
    %broadcast_in_dim3A_97 = vector.shape_cast %reduce_max3A_96 : vector<128xf32> to vector<128x1xf32>
    %eq3A_98 = vector.broadcast %broadcast_in_dim3A_97 : vector<128x1xf32> to vector<128x64xf32>
    %eq3A_99 = arith.cmpf oeq, %select_n3A_94, %eq3A_98 : vector<128x64xf32>
    %jit3A_100 = arith.constant 64 : i32
    %broadcast_in_dim3A_101 = vector.broadcast %jit3A_100 : i32 to vector<128x64xi32>
    %select_n3A_102 = arith.select %eq3A_99, %iota3A, %broadcast_in_dim3A_101 : vector<128x64xi1>, vector<128x64xi32>
    %reduce_min3A_103 = arith.constant dense<2147483647> : vector<128xi32>
    %reduce_min3A_104 = vector.multi_reduction <minsi>, %select_n3A_102, %reduce_min3A_103 [1] : vector<128x64xi32> to vector<128xi32>
    %broadcast_in_dim3A_105 = vector.shape_cast %reduce_min3A_104 : vector<128xi32> to vector<128x1xi32>
    %eq3A_106 = vector.broadcast %broadcast_in_dim3A_105 : vector<128x1xi32> to vector<128x64xi32>
    %eq3A_107 = arith.cmpi eq, %iota3A, %eq3A_106 : vector<128x64xi32>
    %jit3A_108 = arith.constant 0.000000e+00 : f32
    %broadcast_in_dim3A_109 = vector.broadcast %jit3A_108 : f32 to vector<128x64xf32>
    %select_n3A_110 = arith.select %eq3A_107, %add3A_53, %broadcast_in_dim3A_109 : vector<128x64xi1>, vector<128x64xf32>
    %reduce_sum3A_111 = arith.constant dense<0.000000e+00> : vector<128xf32>
    %reduce_sum3A_112 = vector.multi_reduction <add>, %select_n3A_110, %reduce_sum3A_111 [1] : vector<128x64xf32> to vector<128xf32>
    %broadcast_in_dim3A_113 = vector.shape_cast %reduce_sum3A_112 : vector<128xf32> to vector<128x1xf32>
    %or3A_114 = arith.ori %or3A_91, %eq3A_107 : vector<128x64xi1>
    %jit3A_115 = arith.constant 0xFF800000 : f32
    %broadcast_in_dim3A_116 = vector.broadcast %jit3A_115 : f32 to vector<128x64xf32>
    %select_n3A_117 = arith.select %eq3A_107, %broadcast_in_dim3A_116, %select_n3A_94 : vector<128x64xi1>, vector<128x64xf32>
    %reduce_max3A_118 = arith.constant dense<0xFF800000> : vector<128xf32>
    %reduce_max3A_119 = vector.multi_reduction <maximumf>, %select_n3A_117, %reduce_max3A_118 [1] : vector<128x64xf32> to vector<128xf32>
    %broadcast_in_dim3A_120 = vector.shape_cast %reduce_max3A_119 : vector<128xf32> to vector<128x1xf32>
    %eq3A_121 = vector.broadcast %broadcast_in_dim3A_120 : vector<128x1xf32> to vector<128x64xf32>
    %eq3A_122 = arith.cmpf oeq, %select_n3A_117, %eq3A_121 : vector<128x64xf32>
    %jit3A_123 = arith.constant 64 : i32
    %broadcast_in_dim3A_124 = vector.broadcast %jit3A_123 : i32 to vector<128x64xi32>
    %select_n3A_125 = arith.select %eq3A_122, %iota3A, %broadcast_in_dim3A_124 : vector<128x64xi1>, vector<128x64xi32>
    %reduce_min3A_126 = arith.constant dense<2147483647> : vector<128xi32>
    %reduce_min3A_127 = vector.multi_reduction <minsi>, %select_n3A_125, %reduce_min3A_126 [1] : vector<128x64xi32> to vector<128xi32>
    %broadcast_in_dim3A_128 = vector.shape_cast %reduce_min3A_127 : vector<128xi32> to vector<128x1xi32>
    %eq3A_129 = vector.broadcast %broadcast_in_dim3A_128 : vector<128x1xi32> to vector<128x64xi32>
    %eq3A_130 = arith.cmpi eq, %iota3A, %eq3A_129 : vector<128x64xi32>
    %jit3A_131 = arith.constant 0.000000e+00 : f32
    %broadcast_in_dim3A_132 = vector.broadcast %jit3A_131 : f32 to vector<128x64xf32>
    %select_n3A_133 = arith.select %eq3A_130, %add3A_53, %broadcast_in_dim3A_132 : vector<128x64xi1>, vector<128x64xf32>
    %reduce_sum3A_134 = arith.constant dense<0.000000e+00> : vector<128xf32>
    %reduce_sum3A_135 = vector.multi_reduction <add>, %select_n3A_133, %reduce_sum3A_134 [1] : vector<128x64xf32> to vector<128xf32>
    %broadcast_in_dim3A_136 = vector.shape_cast %reduce_sum3A_135 : vector<128xf32> to vector<128x1xf32>
    %or3A_137 = arith.ori %or3A_114, %eq3A_130 : vector<128x64xi1>
    %jit3A_138 = arith.constant 0xFF800000 : f32
    %broadcast_in_dim3A_139 = vector.broadcast %jit3A_138 : f32 to vector<128x64xf32>
    %select_n3A_140 = arith.select %eq3A_130, %broadcast_in_dim3A_139, %select_n3A_117 : vector<128x64xi1>, vector<128x64xf32>
    %reduce_max3A_141 = arith.constant dense<0xFF800000> : vector<128xf32>
    %reduce_max3A_142 = vector.multi_reduction <maximumf>, %select_n3A_140, %reduce_max3A_141 [1] : vector<128x64xf32> to vector<128xf32>
    %broadcast_in_dim3A_143 = vector.shape_cast %reduce_max3A_142 : vector<128xf32> to vector<128x1xf32>
    %eq3A_144 = vector.broadcast %broadcast_in_dim3A_143 : vector<128x1xf32> to vector<128x64xf32>
    %eq3A_145 = arith.cmpf oeq, %select_n3A_140, %eq3A_144 : vector<128x64xf32>
    %jit3A_146 = arith.constant 64 : i32
    %broadcast_in_dim3A_147 = vector.broadcast %jit3A_146 : i32 to vector<128x64xi32>
    %select_n3A_148 = arith.select %eq3A_145, %iota3A, %broadcast_in_dim3A_147 : vector<128x64xi1>, vector<128x64xi32>
    %reduce_min3A_149 = arith.constant dense<2147483647> : vector<128xi32>
    %reduce_min3A_150 = vector.multi_reduction <minsi>, %select_n3A_148, %reduce_min3A_149 [1] : vector<128x64xi32> to vector<128xi32>
    %broadcast_in_dim3A_151 = vector.shape_cast %reduce_min3A_150 : vector<128xi32> to vector<128x1xi32>
    %eq3A_152 = vector.broadcast %broadcast_in_dim3A_151 : vector<128x1xi32> to vector<128x64xi32>
    %eq3A_153 = arith.cmpi eq, %iota3A, %eq3A_152 : vector<128x64xi32>
    %jit3A_154 = arith.constant 0.000000e+00 : f32
    %broadcast_in_dim3A_155 = vector.broadcast %jit3A_154 : f32 to vector<128x64xf32>
    %select_n3A_156 = arith.select %eq3A_153, %add3A_53, %broadcast_in_dim3A_155 : vector<128x64xi1>, vector<128x64xf32>
    %reduce_sum3A_157 = arith.constant dense<0.000000e+00> : vector<128xf32>
    %reduce_sum3A_158 = vector.multi_reduction <add>, %select_n3A_156, %reduce_sum3A_157 [1] : vector<128x64xf32> to vector<128xf32>
    %broadcast_in_dim3A_159 = vector.shape_cast %reduce_sum3A_158 : vector<128xf32> to vector<128x1xf32>
    %or3A_160 = arith.ori %or3A_137, %eq3A_153 : vector<128x64xi1>
    %jit3A_161 = arith.constant 0xFF800000 : f32
    %broadcast_in_dim3A_162 = vector.broadcast %jit3A_161 : f32 to vector<128x64xf32>
    %select_n3A_163 = arith.select %eq3A_153, %broadcast_in_dim3A_162, %select_n3A_140 : vector<128x64xi1>, vector<128x64xf32>
    %reduce_max3A_164 = arith.constant dense<0xFF800000> : vector<128xf32>
    %reduce_max3A_165 = vector.multi_reduction <maximumf>, %select_n3A_163, %reduce_max3A_164 [1] : vector<128x64xf32> to vector<128xf32>
    %broadcast_in_dim3A_166 = vector.shape_cast %reduce_max3A_165 : vector<128xf32> to vector<128x1xf32>
    %eq3A_167 = vector.broadcast %broadcast_in_dim3A_166 : vector<128x1xf32> to vector<128x64xf32>
    %eq3A_168 = arith.cmpf oeq, %select_n3A_163, %eq3A_167 : vector<128x64xf32>
    %jit3A_169 = arith.constant 64 : i32
    %broadcast_in_dim3A_170 = vector.broadcast %jit3A_169 : i32 to vector<128x64xi32>
    %select_n3A_171 = arith.select %eq3A_168, %iota3A, %broadcast_in_dim3A_170 : vector<128x64xi1>, vector<128x64xi32>
    %reduce_min3A_172 = arith.constant dense<2147483647> : vector<128xi32>
    %reduce_min3A_173 = vector.multi_reduction <minsi>, %select_n3A_171, %reduce_min3A_172 [1] : vector<128x64xi32> to vector<128xi32>
    %broadcast_in_dim3A_174 = vector.shape_cast %reduce_min3A_173 : vector<128xi32> to vector<128x1xi32>
    %eq3A_175 = vector.broadcast %broadcast_in_dim3A_174 : vector<128x1xi32> to vector<128x64xi32>
    %eq3A_176 = arith.cmpi eq, %iota3A, %eq3A_175 : vector<128x64xi32>
    %jit3A_177 = arith.constant 0.000000e+00 : f32
    %broadcast_in_dim3A_178 = vector.broadcast %jit3A_177 : f32 to vector<128x64xf32>
    %select_n3A_179 = arith.select %eq3A_176, %add3A_53, %broadcast_in_dim3A_178 : vector<128x64xi1>, vector<128x64xf32>
    %reduce_sum3A_180 = arith.constant dense<0.000000e+00> : vector<128xf32>
    %reduce_sum3A_181 = vector.multi_reduction <add>, %select_n3A_179, %reduce_sum3A_180 [1] : vector<128x64xf32> to vector<128xf32>
    %broadcast_in_dim3A_182 = vector.shape_cast %reduce_sum3A_181 : vector<128xf32> to vector<128x1xf32>
    %or3A_183 = arith.ori %or3A_160, %eq3A_176 : vector<128x64xi1>
    %jit3A_184 = arith.constant 0xFF800000 : f32
    %broadcast_in_dim3A_185 = vector.broadcast %jit3A_184 : f32 to vector<128x64xf32>
    %select_n3A_186 = arith.select %eq3A_176, %broadcast_in_dim3A_185, %select_n3A_163 : vector<128x64xi1>, vector<128x64xf32>
    %reduce_max3A_187 = arith.constant dense<0xFF800000> : vector<128xf32>
    %reduce_max3A_188 = vector.multi_reduction <maximumf>, %select_n3A_186, %reduce_max3A_187 [1] : vector<128x64xf32> to vector<128xf32>
    %broadcast_in_dim3A_189 = vector.shape_cast %reduce_max3A_188 : vector<128xf32> to vector<128x1xf32>
    %eq3A_190 = vector.broadcast %broadcast_in_dim3A_189 : vector<128x1xf32> to vector<128x64xf32>
    %eq3A_191 = arith.cmpf oeq, %select_n3A_186, %eq3A_190 : vector<128x64xf32>
    %jit3A_192 = arith.constant 64 : i32
    %broadcast_in_dim3A_193 = vector.broadcast %jit3A_192 : i32 to vector<128x64xi32>
    %select_n3A_194 = arith.select %eq3A_191, %iota3A, %broadcast_in_dim3A_193 : vector<128x64xi1>, vector<128x64xi32>
    %reduce_min3A_195 = arith.constant dense<2147483647> : vector<128xi32>
    %reduce_min3A_196 = vector.multi_reduction <minsi>, %select_n3A_194, %reduce_min3A_195 [1] : vector<128x64xi32> to vector<128xi32>
    %broadcast_in_dim3A_197 = vector.shape_cast %reduce_min3A_196 : vector<128xi32> to vector<128x1xi32>
    %eq3A_198 = vector.broadcast %broadcast_in_dim3A_197 : vector<128x1xi32> to vector<128x64xi32>
    %eq3A_199 = arith.cmpi eq, %iota3A, %eq3A_198 : vector<128x64xi32>
    %jit3A_200 = arith.constant 0.000000e+00 : f32
    %broadcast_in_dim3A_201 = vector.broadcast %jit3A_200 : f32 to vector<128x64xf32>
    %select_n3A_202 = arith.select %eq3A_199, %add3A_53, %broadcast_in_dim3A_201 : vector<128x64xi1>, vector<128x64xf32>
    %reduce_sum3A_203 = arith.constant dense<0.000000e+00> : vector<128xf32>
    %reduce_sum3A_204 = vector.multi_reduction <add>, %select_n3A_202, %reduce_sum3A_203 [1] : vector<128x64xf32> to vector<128xf32>
    %broadcast_in_dim3A_205 = vector.shape_cast %reduce_sum3A_204 : vector<128xf32> to vector<128x1xf32>
    %or3A_206 = arith.ori %or3A_183, %eq3A_199 : vector<128x64xi1>
    %jit3A_207 = arith.constant 0xFF800000 : f32
    %broadcast_in_dim3A_208 = vector.broadcast %jit3A_207 : f32 to vector<128x64xf32>
    %select_n3A_209 = arith.select %eq3A_199, %broadcast_in_dim3A_208, %select_n3A_186 : vector<128x64xi1>, vector<128x64xf32>
    %reduce_max3A_210 = arith.constant dense<0xFF800000> : vector<128xf32>
    %reduce_max3A_211 = vector.multi_reduction <maximumf>, %select_n3A_209, %reduce_max3A_210 [1] : vector<128x64xf32> to vector<128xf32>
    %broadcast_in_dim3A_212 = vector.shape_cast %reduce_max3A_211 : vector<128xf32> to vector<128x1xf32>
    %eq3A_213 = vector.broadcast %broadcast_in_dim3A_212 : vector<128x1xf32> to vector<128x64xf32>
    %eq3A_214 = arith.cmpf oeq, %select_n3A_209, %eq3A_213 : vector<128x64xf32>
    %jit3A_215 = arith.constant 64 : i32
    %broadcast_in_dim3A_216 = vector.broadcast %jit3A_215 : i32 to vector<128x64xi32>
    %select_n3A_217 = arith.select %eq3A_214, %iota3A, %broadcast_in_dim3A_216 : vector<128x64xi1>, vector<128x64xi32>
    %reduce_min3A_218 = arith.constant dense<2147483647> : vector<128xi32>
    %reduce_min3A_219 = vector.multi_reduction <minsi>, %select_n3A_217, %reduce_min3A_218 [1] : vector<128x64xi32> to vector<128xi32>
    %broadcast_in_dim3A_220 = vector.shape_cast %reduce_min3A_219 : vector<128xi32> to vector<128x1xi32>
    %eq3A_221 = vector.broadcast %broadcast_in_dim3A_220 : vector<128x1xi32> to vector<128x64xi32>
    %eq3A_222 = arith.cmpi eq, %iota3A, %eq3A_221 : vector<128x64xi32>
    %jit3A_223 = arith.constant 0.000000e+00 : f32
    %broadcast_in_dim3A_224 = vector.broadcast %jit3A_223 : f32 to vector<128x64xf32>
    %select_n3A_225 = arith.select %eq3A_222, %add3A_53, %broadcast_in_dim3A_224 : vector<128x64xi1>, vector<128x64xf32>
    %reduce_sum3A_226 = arith.constant dense<0.000000e+00> : vector<128xf32>
    %reduce_sum3A_227 = vector.multi_reduction <add>, %select_n3A_225, %reduce_sum3A_226 [1] : vector<128x64xf32> to vector<128xf32>
    %broadcast_in_dim3A_228 = vector.shape_cast %reduce_sum3A_227 : vector<128xf32> to vector<128x1xf32>
    %or3A_229 = arith.ori %or3A_206, %eq3A_222 : vector<128x64xi1>
    %sub3A = arith.subf %broadcast_in_dim3A_56, %broadcast_in_dim3A_56 : vector<128x1xf32>
    %exp3A_230 = math.exp %sub3A : vector<128x1xf32>
    %sub3A_231 = arith.subf %broadcast_in_dim3A_74, %broadcast_in_dim3A_56 : vector<128x1xf32>
    %exp3A_232 = math.exp %sub3A_231 : vector<128x1xf32>
    %sub3A_233 = arith.subf %broadcast_in_dim3A_97, %broadcast_in_dim3A_56 : vector<128x1xf32>
    %exp3A_234 = math.exp %sub3A_233 : vector<128x1xf32>
    %sub3A_235 = arith.subf %broadcast_in_dim3A_120, %broadcast_in_dim3A_56 : vector<128x1xf32>
    %exp3A_236 = math.exp %sub3A_235 : vector<128x1xf32>
    %sub3A_237 = arith.subf %broadcast_in_dim3A_143, %broadcast_in_dim3A_56 : vector<128x1xf32>
    %exp3A_238 = math.exp %sub3A_237 : vector<128x1xf32>
    %sub3A_239 = arith.subf %broadcast_in_dim3A_166, %broadcast_in_dim3A_56 : vector<128x1xf32>
    %exp3A_240 = math.exp %sub3A_239 : vector<128x1xf32>
    %sub3A_241 = arith.subf %broadcast_in_dim3A_189, %broadcast_in_dim3A_56 : vector<128x1xf32>
    %exp3A_242 = math.exp %sub3A_241 : vector<128x1xf32>
    %sub3A_243 = arith.subf %broadcast_in_dim3A_212, %broadcast_in_dim3A_56 : vector<128x1xf32>
    %exp3A_244 = math.exp %sub3A_243 : vector<128x1xf32>
    %add3A_245 = arith.addf %exp3A_230, %exp3A_232 : vector<128x1xf32>
    %add3A_246 = arith.addf %add3A_245, %exp3A_234 : vector<128x1xf32>
    %add3A_247 = arith.addf %add3A_246, %exp3A_236 : vector<128x1xf32>
    %add3A_248 = arith.addf %add3A_247, %exp3A_238 : vector<128x1xf32>
    %add3A_249 = arith.addf %add3A_248, %exp3A_240 : vector<128x1xf32>
    %add3A_250 = arith.addf %add3A_249, %exp3A_242 : vector<128x1xf32>
    %add3A_251 = arith.addf %add3A_250, %exp3A_244 : vector<128x1xf32>
    %div3A = arith.divf %exp3A_230, %add3A_251 : vector<128x1xf32>
    %div3A_252 = arith.divf %exp3A_232, %add3A_251 : vector<128x1xf32>
    %div3A_253 = arith.divf %exp3A_234, %add3A_251 : vector<128x1xf32>
    %div3A_254 = arith.divf %exp3A_236, %add3A_251 : vector<128x1xf32>
    %div3A_255 = arith.divf %exp3A_238, %add3A_251 : vector<128x1xf32>
    %div3A_256 = arith.divf %exp3A_240, %add3A_251 : vector<128x1xf32>
    %div3A_257 = arith.divf %exp3A_242, %add3A_251 : vector<128x1xf32>
    %div3A_258 = arith.divf %exp3A_244, %add3A_251 : vector<128x1xf32>
    %concatenate3A = tpu.concatenate %div3A, %div3A_252, %div3A_253, %div3A_254, %div3A_255, %div3A_256, %div3A_257, %div3A_258 in 1 : vector<128x1xf32>, vector<128x1xf32>, vector<128x1xf32>, vector<128x1xf32>, vector<128x1xf32>, vector<128x1xf32>, vector<128x1xf32>, vector<128x1xf32> -> vector<128x8xf32>
    %concatenate3A_259 = tpu.concatenate %broadcast_in_dim3A_68, %broadcast_in_dim3A_90, %broadcast_in_dim3A_113, %broadcast_in_dim3A_136, %broadcast_in_dim3A_159, %broadcast_in_dim3A_182, %broadcast_in_dim3A_205, %broadcast_in_dim3A_228 in 1 : vector<128x1xf32>, vector<128x1xf32>, vector<128x1xf32>, vector<128x1xf32>, vector<128x1xf32>, vector<128x1xf32>, vector<128x1xf32>, vector<128x1xf32> -> vector<128x8xf32>
    %convert_element_type3A_260 = arith.fptosi %concatenate3A_259 : vector<128x8xf32> to vector<128x8xi32>
    %swap3A = arith.constant 0 : index
    %swap3A_261 = arith.constant 0 : index
    %swap3A_262 = vector.load %arg8[%swap3A, %swap3A_261] : memref<128x8xi32, #tpu.memory_space<vmem>>, vector<128x8xi32>
    tpu.vector_store %arg8[%swap3A, %swap3A_261], %convert_element_type3A_260 {strides = array<i32>} : memref<128x8xi32, #tpu.memory_space<vmem>>, vector<128x8xi32>,
    %swap3A_263 = arith.constant 0 : index
    %swap3A_264 = arith.constant 0 : index
    %swap3A_265 = vector.load %arg9[%swap3A_263, %swap3A_264] : memref<128x8xf32, #tpu.memory_space<vmem>>, vector<128x8xf32>
    tpu.vector_store %arg9[%swap3A_263, %swap3A_264], %concatenate3A {strides = array<i32>} : memref<128x8xf32, #tpu.memory_space<vmem>>, vector<128x8xf32>,
    %eq3A_266 = arith.constant 0 : i32
    %eq3A_267 = arith.cmpi eq, %arg0, %eq3A_266 : i32
    %convert_element_type3A_268 = arith.extui %eq3A_267 : i1 to i32
    %cond3A_269 = arith.constant 0 : i32
    %cond3A_270 = arith.cmpi ne, %convert_element_type3A_268, %cond3A_269 : i32
    scf.if %cond3A_270 {
      %convert_element_type3A_271 = arith.extui %or3A_229 : vector<128x64xi1> to vector<128x64xi32>
      %convert_element_type3A_272 = arith.sitofp %convert_element_type3A_271 : vector<128x64xi32> to vector<128x64xf32>
      %iota3A_273 = tpu.iota {dimensions = array<i32: 0>} : vector<128x128xi32>
      %iota3A_274 = tpu.iota {dimensions = array<i32: 1>} : vector<128x128xi32>
      %gt3A = arith.cmpi sgt, %iota3A_273, %iota3A_274 : vector<128x128xi32>
      %convert_element_type3A_275 = arith.extui %gt3A : vector<128x128xi1> to vector<128x128xi32>
      %convert_element_type3A_276 = arith.sitofp %convert_element_type3A_275 : vector<128x128xi32> to vector<128x128xf32>
      %dot_general3A_277 = arith.constant dense<0.000000e+00> : vector<128x64xf32>
      %dot_general3A_278 = tpu.matmul %convert_element_type3A_276, %convert_element_type3A_272, %dot_general3A_277 {dimension_numbers = #tpu.dot_dimension_numbers<[1], [0], [0], [1], [0, 0, 1, 1], [], []>, precision = #tpu.contract_precision<fp32>, transpose_lhs_hint = false} : vector<128x128xf32>, vector<128x64xf32>, vector<128x64xf32> -> vector<128x64xf32>
      %get3A_279 = arith.constant 0 : index
      %get3A_280 = arith.constant 0 : index
      %get3A_281 = vector.load %arg11[%get3A_279, %get3A_280] : memref<8x64xf32, #tpu.memory_space<vmem>>, vector<1x64xf32>
      %add3A_282 = vector.broadcast %get3A_281 : vector<1x64xf32> to vector<128x64xf32>
      %add3A_283 = arith.addf %dot_general3A_278, %add3A_282 : vector<128x64xf32>
      %mul3A_284 = arith.constant 128 : i32
      %mul3A_285 = arith.muli %arg1, %mul3A_284 : i32
      %swap3A_286 = arith.index_cast %mul3A_285 : i32 to index
      %swap3A_287 = arith.constant 0 : index
      %swap3A_288 = vector.load %arg13[%swap3A_286, %swap3A_287] : memref<2048x64xf32, #tpu.memory_space<vmem>>, vector<128x64xf32>
      tpu.vector_store %arg13[%swap3A_286, %swap3A_287], %add3A_283 {strides = array<i32>} : memref<2048x64xf32, #tpu.memory_space<vmem>>, vector<128x64xf32>,
      %get3A_289 = arith.constant 0 : index
      %get3A_290 = arith.constant 0 : index
      %get3A_291 = vector.load %arg11[%get3A_289, %get3A_290] : memref<8x64xf32, #tpu.memory_space<vmem>>, vector<1x64xf32>
      %reduce_sum3A_292 = arith.constant dense<0.000000e+00> : vector<64xf32>
      %reduce_sum3A_293 = vector.multi_reduction <add>, %convert_element_type3A_272, %reduce_sum3A_292 [0] : vector<128x64xf32> to vector<64xf32>
      %broadcast_in_dim3A_294 = vector.shape_cast %reduce_sum3A_293 : vector<64xf32> to vector<1x64xf32>
      %add3A_295 = arith.addf %get3A_291, %broadcast_in_dim3A_294 : vector<1x64xf32>
      %swap3A_296 = arith.constant 0 : index
      %swap3A_297 = arith.constant 0 : index
      %swap3A_298 = vector.load %arg11[%swap3A_296, %swap3A_297] : memref<8x64xf32, #tpu.memory_space<vmem>>, vector<1x64xf32>
      tpu.vector_store %arg11[%swap3A_296, %swap3A_297], %add3A_295 {strides = array<i32>} : memref<8x64xf32, #tpu.memory_space<vmem>>, vector<1x64xf32>,
      %eq3A_299 = arith.constant 15 : i32
      %eq3A_300 = arith.cmpi eq, %arg1, %eq3A_299 : i32
      %convert_element_type3A_301 = arith.extui %eq3A_300 : i1 to i32
      %cond3A_302 = arith.constant 0 : i32
      %cond3A_303 = arith.cmpi ne, %convert_element_type3A_301, %cond3A_302 : i32
      scf.if %cond3A_303 {
        %convert_element_type3A_304 = arith.fptosi %add3A_295 : vector<1x64xf32> to vector<1x64xi32>
        %swap3A_305 = arith.constant 0 : index
        %swap3A_306 = arith.constant 0 : index
        %swap3A_307 = vector.load %arg10[%swap3A_305, %swap3A_306] : memref<1x64xi32, #tpu.memory_space<vmem>>, vector<1x64xi32>
        tpu.vector_store %arg10[%swap3A_305, %swap3A_306], %convert_element_type3A_304 {strides = array<i32>} : memref<1x64xi32, #tpu.memory_space<vmem>>, vector<1x64xi32>,
      } else {
      }
    } else {
    }
    return
  }
  func.func @transform_0(%arg0: i32, %arg1: i32) -> (i32, i32) {
    %c0_i32 = arith.constant 0 : i32
    %c0_i32_0 = arith.constant 0 : i32
    return %arg1, %c0_i32 : i32, i32
  }
  func.func @transform_1(%arg0: i32, %arg1: i32) -> (i32, i32) {
    %c0_i32 = arith.constant 0 : i32
    %c0_i32_0 = arith.constant 0 : i32
    return %arg1, %c0_i32 : i32, i32
  }
  func.func @transform_2(%arg0: i32, %arg1: i32) -> (i32, i32) {
    %c0_i32 = arith.constant 0 : i32
    %c0_i32_0 = arith.constant 0 : i32
    %c0_i32_1 = arith.constant 0 : i32
    return %c0_i32, %c0_i32_0 : i32, i32
  }
  func.func @transform_3(%arg0: i32, %arg1: i32) -> (i32, i32) {
    %c0_i32 = arith.constant 0 : i32
    %c0_i32_0 = arith.constant 0 : i32
    %c0_i32_1 = arith.constant 0 : i32
    return %c0_i32, %c0_i32_0 : i32, i32
  }
  func.func @transform_4(%arg0: i32, %arg1: i32) -> (i32, i32) {
    %c0_i32 = arith.constant 0 : i32
    %c0_i32_0 = arith.constant 0 : i32
    %c0_i32_1 = arith.constant 0 : i32
    return %c0_i32, %c0_i32_0 : i32, i32
  }
  func.func @transform_5(%arg0: i32, %arg1: i32) -> (i32, i32) {
    %c0_i32 = arith.constant 0 : i32
    %c0_i32_0 = arith.constant 0 : i32
    %c0_i32_1 = arith.constant 0 : i32
    return %c0_i32, %c0_i32_0 : i32, i32
  }
  func.func @transform_6(%arg0: i32, %arg1: i32) -> (i32, i32) {
    %mul3A = arith.muli %arg1, %arg0 : i32
    %c0_i32 = arith.constant 0 : i32
    %c0_i32_0 = arith.constant 0 : i32
    return %mul3A, %c0_i32 : i32, i32
  }
  func.func @transform_7(%arg0: i32, %arg1: i32) -> (i32, i32) {
    %mul3A = arith.muli %arg1, %arg0 : i32
    %c0_i32 = arith.constant 0 : i32
    %c0_i32_0 = arith.constant 0 : i32
    return %mul3A, %c0_i32 : i32, i32
  }
  func.func @transform_8(%arg0: i32, %arg1: i32) -> (i32, i32) {
    %c0_i32 = arith.constant 0 : i32
    %c0_i32_0 = arith.constant 0 : i32
    %c0_i32_1 = arith.constant 0 : i32
    return %c0_i32, %c0_i32_0 : i32, i32
  }
}

module attributes {stable_mosaic.version = 14 : i64} {
  func.func @_gmm_body(%arg0: i32, %arg1: memref<191xi32, #tpu.memory_space<smem>>, %arg2: memref<191xi32, #tpu.memory_space<smem>>, %arg3: memref<191xi32, #tpu.memory_space<smem>>, %arg4: memref<191xi32, #tpu.memory_space<smem>>, %arg5: memref<128x768xf32, #tpu.memory_space<vmem>>, %arg6: memref<1x768x1024xf32, #tpu.memory_space<vmem>>, %arg7: memref<1x1x1024xf32, #tpu.memory_space<vmem>>, %arg8: memref<1x1024x1024xf32, #tpu.memory_space<vmem>>, %arg9: memref<1x1x1024xf32, #tpu.memory_space<vmem>>, %arg10: memref<1x1024x256xf32, #tpu.memory_space<vmem>>, %arg11: memref<1x1x256xf32, #tpu.memory_space<vmem>>, %arg12: memref<1x256x768xf32, #tpu.memory_space<vmem>>, %arg13: memref<1x1x768xf32, #tpu.memory_space<vmem>>, %arg14: memref<128x768xf32, #tpu.memory_space<vmem>>) attributes {dimension_semantics = [#tpu.dimension_semantics<arbitrary>], iteration_bounds = array<i64: 191>, scalar_prefetch = 4 : i64, scratch_operands = 0 : i64, tpu.core_type = #tpu.core_type<tc>, window_params = [{transform_indices = @transform_0, window_bounds = array<i64: 128, 768>}, {transform_indices = @transform_1, window_bounds = array<i64: 1, 768, 1024>}, {transform_indices = @transform_2, window_bounds = array<i64: 1, 1, 1024>}, {transform_indices = @transform_3, window_bounds = array<i64: 1, 1024, 1024>}, {transform_indices = @transform_4, window_bounds = array<i64: 1, 1, 1024>}, {transform_indices = @transform_5, window_bounds = array<i64: 1, 1024, 256>}, {transform_indices = @transform_6, window_bounds = array<i64: 1, 1, 256>}, {transform_indices = @transform_7, window_bounds = array<i64: 1, 256, 768>}, {transform_indices = @transform_8, window_bounds = array<i64: 1, 1, 768>}, {transform_indices = @transform_9, window_bounds = array<i64: 128, 768>}]} {
    %get3A = arith.index_cast %arg0 : i32 to index
    %get3A_0 = memref.load %arg3[%get3A] : memref<191xi32, #tpu.memory_space<smem>>
    %get3A_1 = arith.index_cast %arg0 : i32 to index
    %get3A_2 = memref.load %arg4[%get3A_1] : memref<191xi32, #tpu.memory_space<smem>>
    %lt3A = arith.cmpi slt, %get3A_0, %get3A_2 : i32
    %convert_element_type3A = arith.extui %lt3A : i1 to i32
    %cond3A = arith.constant 0 : i32
    %cond3A_3 = arith.cmpi ne, %convert_element_type3A, %cond3A : i32
    scf.if %cond3A_3 {
      %get3A_4 = arith.index_cast %arg0 : i32 to index
      %get3A_5 = memref.load %arg2[%get3A_4] : memref<191xi32, #tpu.memory_space<smem>>
      %mul3A = arith.constant 128 : i32
      %mul3A_6 = arith.muli %get3A_5, %mul3A : i32
      %iota3A = tpu.iota {dimensions = array<i32: 0>} : vector<128x1xi32>
      %add3A = vector.broadcast %mul3A_6 : i32 to vector<128x1xi32>
      %add3A_7 = arith.addi %add3A, %iota3A : vector<128x1xi32>
      %ge3A = vector.broadcast %get3A_0 : i32 to vector<128x1xi32>
      %ge3A_8 = arith.cmpi sge, %add3A_7, %ge3A : vector<128x1xi32>
      %lt3A_9 = vector.broadcast %get3A_2 : i32 to vector<128x1xi32>
      %lt3A_10 = arith.cmpi slt, %add3A_7, %lt3A_9 : vector<128x1xi32>
      %and3A = arith.andi %ge3A_8, %lt3A_10 : vector<128x1xi1>
      %get3A_11 = arith.constant 0 : index
      %get3A_12 = arith.constant 0 : index
      %get3A_13 = vector.load %arg5[%get3A_11, %get3A_12] : memref<128x768xf32, #tpu.memory_space<vmem>>, vector<128x768xf32>
      %get3A_14 = arith.constant 0 : index
      %get3A_15 = arith.constant 0 : index
      %get3A_16 = arith.constant 0 : index
      %get3A_17 = vector.load %arg6[%get3A_14, %get3A_15, %get3A_16] : memref<1x768x1024xf32, #tpu.memory_space<vmem>>, vector<1x768x1024xf32>
      %get3A_18 = vector.shape_cast %get3A_17 : vector<1x768x1024xf32> to vector<768x1024xf32>
      %dot_general3A = arith.constant dense<0.000000e+00> : vector<128x1024xf32>
      %dot_general3A_19 = tpu.matmul %get3A_13, %get3A_18, %dot_general3A {dimension_numbers = #tpu.dot_dimension_numbers<[1], [0], [0], [1], [0, 0, 1, 1], [], []>, transpose_lhs_hint = false} : vector<128x768xf32>, vector<768x1024xf32>, vector<128x1024xf32> -> vector<128x1024xf32>
      %get3A_20 = arith.constant 0 : index
      %get3A_21 = arith.constant 0 : index
      %get3A_22 = arith.constant 0 : index
      %get3A_23 = vector.load %arg7[%get3A_20, %get3A_21, %get3A_22] : memref<1x1x1024xf32, #tpu.memory_space<vmem>>, vector<1x1x1024xf32>
      %get3A_24 = vector.shape_cast %get3A_23 : vector<1x1x1024xf32> to vector<1x1024xf32>
      %add3A_25 = vector.broadcast %get3A_24 : vector<1x1024xf32> to vector<128x1024xf32>
      %add3A_26 = arith.addf %dot_general3A_19, %add3A_25 : vector<128x1024xf32>
      %mul3A_27 = arith.constant 5.000000e-01 : f32
      %mul3A_28 = vector.broadcast %mul3A_27 : f32 to vector<128x1024xf32>
      %mul3A_29 = arith.mulf %mul3A_28, %add3A_26 : vector<128x1024xf32>
      %mul3A_30 = arith.constant 0.707106769 : f32
      %mul3A_31 = vector.broadcast %mul3A_30 : f32 to vector<128x1024xf32>
      %mul3A_32 = arith.mulf %add3A_26, %mul3A_31 : vector<128x1024xf32>
      %erf3A = math.erf %mul3A_32 : vector<128x1024xf32>
      %add3A_33 = arith.constant 1.000000e+00 : f32
      %add3A_34 = vector.broadcast %add3A_33 : f32 to vector<128x1024xf32>
      %add3A_35 = arith.addf %add3A_34, %erf3A : vector<128x1024xf32>
      %mul3A_36 = arith.mulf %mul3A_29, %add3A_35 : vector<128x1024xf32>
      %get3A_37 = arith.constant 0 : index
      %get3A_38 = arith.constant 0 : index
      %get3A_39 = arith.constant 0 : index
      %get3A_40 = vector.load %arg8[%get3A_37, %get3A_38, %get3A_39] : memref<1x1024x1024xf32, #tpu.memory_space<vmem>>, vector<1x1024x1024xf32>
      %get3A_41 = vector.shape_cast %get3A_40 : vector<1x1024x1024xf32> to vector<1024x1024xf32>
      %dot_general3A_42 = arith.constant dense<0.000000e+00> : vector<128x1024xf32>
      %dot_general3A_43 = tpu.matmul %mul3A_36, %get3A_41, %dot_general3A_42 {dimension_numbers = #tpu.dot_dimension_numbers<[1], [0], [0], [1], [0, 0, 1, 1], [], []>, transpose_lhs_hint = false} : vector<128x1024xf32>, vector<1024x1024xf32>, vector<128x1024xf32> -> vector<128x1024xf32>
      %get3A_44 = arith.constant 0 : index
      %get3A_45 = arith.constant 0 : index
      %get3A_46 = arith.constant 0 : index
      %get3A_47 = vector.load %arg9[%get3A_44, %get3A_45, %get3A_46] : memref<1x1x1024xf32, #tpu.memory_space<vmem>>, vector<1x1x1024xf32>
      %get3A_48 = vector.shape_cast %get3A_47 : vector<1x1x1024xf32> to vector<1x1024xf32>
      %add3A_49 = vector.broadcast %get3A_48 : vector<1x1024xf32> to vector<128x1024xf32>
      %add3A_50 = arith.addf %dot_general3A_43, %add3A_49 : vector<128x1024xf32>
      %mul3A_51 = arith.constant 5.000000e-01 : f32
      %mul3A_52 = vector.broadcast %mul3A_51 : f32 to vector<128x1024xf32>
      %mul3A_53 = arith.mulf %mul3A_52, %add3A_50 : vector<128x1024xf32>
      %mul3A_54 = arith.constant 0.707106769 : f32
      %mul3A_55 = vector.broadcast %mul3A_54 : f32 to vector<128x1024xf32>
      %mul3A_56 = arith.mulf %add3A_50, %mul3A_55 : vector<128x1024xf32>
      %erf3A_57 = math.erf %mul3A_56 : vector<128x1024xf32>
      %add3A_58 = arith.constant 1.000000e+00 : f32
      %add3A_59 = vector.broadcast %add3A_58 : f32 to vector<128x1024xf32>
      %add3A_60 = arith.addf %add3A_59, %erf3A_57 : vector<128x1024xf32>
      %mul3A_61 = arith.mulf %mul3A_53, %add3A_60 : vector<128x1024xf32>
      %get3A_62 = arith.constant 0 : index
      %get3A_63 = arith.constant 0 : index
      %get3A_64 = arith.constant 0 : index
      %get3A_65 = vector.load %arg10[%get3A_62, %get3A_63, %get3A_64] : memref<1x1024x256xf32, #tpu.memory_space<vmem>>, vector<1x1024x256xf32>
      %get3A_66 = vector.shape_cast %get3A_65 : vector<1x1024x256xf32> to vector<1024x256xf32>
      %dot_general3A_67 = arith.constant dense<0.000000e+00> : vector<128x256xf32>
      %dot_general3A_68 = tpu.matmul %mul3A_61, %get3A_66, %dot_general3A_67 {dimension_numbers = #tpu.dot_dimension_numbers<[1], [0], [0], [1], [0, 0, 1, 1], [], []>, transpose_lhs_hint = false} : vector<128x1024xf32>, vector<1024x256xf32>, vector<128x256xf32> -> vector<128x256xf32>
      %get3A_69 = arith.constant 0 : index
      %get3A_70 = arith.constant 0 : index
      %get3A_71 = arith.constant 0 : index
      %get3A_72 = vector.load %arg11[%get3A_69, %get3A_70, %get3A_71] : memref<1x1x256xf32, #tpu.memory_space<vmem>>, vector<1x1x256xf32>
      %get3A_73 = vector.shape_cast %get3A_72 : vector<1x1x256xf32> to vector<1x256xf32>
      %add3A_74 = vector.broadcast %get3A_73 : vector<1x256xf32> to vector<128x256xf32>
      %add3A_75 = arith.addf %dot_general3A_68, %add3A_74 : vector<128x256xf32>
      %get3A_76 = arith.constant 0 : index
      %get3A_77 = arith.constant 0 : index
      %get3A_78 = arith.constant 0 : index
      %get3A_79 = vector.load %arg12[%get3A_76, %get3A_77, %get3A_78] : memref<1x256x768xf32, #tpu.memory_space<vmem>>, vector<1x256x768xf32>
      %get3A_80 = vector.shape_cast %get3A_79 : vector<1x256x768xf32> to vector<256x768xf32>
      %dot_general3A_81 = arith.constant dense<0.000000e+00> : vector<128x768xf32>
      %dot_general3A_82 = tpu.matmul %add3A_75, %get3A_80, %dot_general3A_81 {dimension_numbers = #tpu.dot_dimension_numbers<[1], [0], [0], [1], [0, 0, 1, 1], [], []>, transpose_lhs_hint = false} : vector<128x256xf32>, vector<256x768xf32>, vector<128x768xf32> -> vector<128x768xf32>
      %get3A_83 = arith.constant 0 : index
      %get3A_84 = arith.constant 0 : index
      %get3A_85 = arith.constant 0 : index
      %get3A_86 = vector.load %arg13[%get3A_83, %get3A_84, %get3A_85] : memref<1x1x768xf32, #tpu.memory_space<vmem>>, vector<1x1x768xf32>
      %get3A_87 = vector.shape_cast %get3A_86 : vector<1x1x768xf32> to vector<1x768xf32>
      %add3A_88 = vector.broadcast %get3A_87 : vector<1x768xf32> to vector<128x768xf32>
      %add3A_89 = arith.addf %dot_general3A_82, %add3A_88 : vector<128x768xf32>
      %get3A_90 = arith.constant 0 : index
      %get3A_91 = arith.constant 0 : index
      %get3A_92 = vector.load %arg14[%get3A_90, %get3A_91] : memref<128x768xf32, #tpu.memory_space<vmem>>, vector<128x768xf32>
      %broadcast_in_dim3A = vector.shape_cast %and3A : vector<128x1xi1> to vector<128x1xi1>
      %broadcast_in_dim3A_93 = vector.broadcast %broadcast_in_dim3A : vector<128x1xi1> to vector<128x768xi1>
      %select_n3A = arith.select %broadcast_in_dim3A_93, %add3A_89, %get3A_92 : vector<128x768xi1>, vector<128x768xf32>
      %swap3A = arith.constant 0 : index
      %swap3A_94 = arith.constant 0 : index
      %swap3A_95 = vector.load %arg14[%swap3A, %swap3A_94] : memref<128x768xf32, #tpu.memory_space<vmem>>, vector<128x768xf32>
      tpu.vector_store %arg14[%swap3A, %swap3A_94], %select_n3A {strides = array<i32>} : memref<128x768xf32, #tpu.memory_space<vmem>>, vector<128x768xf32>,
    } else {
    }
    return
  }
  func.func @transform_0(%arg0: i32, %arg1: memref<191xi32, #tpu.memory_space<smem>>, %arg2: memref<191xi32, #tpu.memory_space<smem>>, %arg3: memref<191xi32, #tpu.memory_space<smem>>, %arg4: memref<191xi32, #tpu.memory_space<smem>>) -> (i32, i32) {
    %get3A = arith.index_cast %arg0 : i32 to index
    %get3A_0 = memref.load %arg2[%get3A] : memref<191xi32, #tpu.memory_space<smem>>
    %c0_i32 = arith.constant 0 : i32
    %c0_i32_1 = arith.constant 0 : i32
    return %get3A_0, %c0_i32 : i32, i32
  }
  func.func @transform_1(%arg0: i32, %arg1: memref<191xi32, #tpu.memory_space<smem>>, %arg2: memref<191xi32, #tpu.memory_space<smem>>, %arg3: memref<191xi32, #tpu.memory_space<smem>>, %arg4: memref<191xi32, #tpu.memory_space<smem>>) -> (i32, i32, i32) {
    %get3A = arith.index_cast %arg0 : i32 to index
    %get3A_0 = memref.load %arg1[%get3A] : memref<191xi32, #tpu.memory_space<smem>>
    %c0_i32 = arith.constant 0 : i32
    %c0_i32_1 = arith.constant 0 : i32
    %c0_i32_2 = arith.constant 0 : i32
    return %get3A_0, %c0_i32, %c0_i32_1 : i32, i32, i32
  }
  func.func @transform_2(%arg0: i32, %arg1: memref<191xi32, #tpu.memory_space<smem>>, %arg2: memref<191xi32, #tpu.memory_space<smem>>, %arg3: memref<191xi32, #tpu.memory_space<smem>>, %arg4: memref<191xi32, #tpu.memory_space<smem>>) -> (i32, i32, i32) {
    %get3A = arith.index_cast %arg0 : i32 to index
    %get3A_0 = memref.load %arg1[%get3A] : memref<191xi32, #tpu.memory_space<smem>>
    %c0_i32 = arith.constant 0 : i32
    %c0_i32_1 = arith.constant 0 : i32
    %c0_i32_2 = arith.constant 0 : i32
    return %get3A_0, %c0_i32, %c0_i32_1 : i32, i32, i32
  }
  func.func @transform_3(%arg0: i32, %arg1: memref<191xi32, #tpu.memory_space<smem>>, %arg2: memref<191xi32, #tpu.memory_space<smem>>, %arg3: memref<191xi32, #tpu.memory_space<smem>>, %arg4: memref<191xi32, #tpu.memory_space<smem>>) -> (i32, i32, i32) {
    %get3A = arith.index_cast %arg0 : i32 to index
    %get3A_0 = memref.load %arg1[%get3A] : memref<191xi32, #tpu.memory_space<smem>>
    %c0_i32 = arith.constant 0 : i32
    %c0_i32_1 = arith.constant 0 : i32
    %c0_i32_2 = arith.constant 0 : i32
    return %get3A_0, %c0_i32, %c0_i32_1 : i32, i32, i32
  }
  func.func @transform_4(%arg0: i32, %arg1: memref<191xi32, #tpu.memory_space<smem>>, %arg2: memref<191xi32, #tpu.memory_space<smem>>, %arg3: memref<191xi32, #tpu.memory_space<smem>>, %arg4: memref<191xi32, #tpu.memory_space<smem>>) -> (i32, i32, i32) {
    %get3A = arith.index_cast %arg0 : i32 to index
    %get3A_0 = memref.load %arg1[%get3A] : memref<191xi32, #tpu.memory_space<smem>>
    %c0_i32 = arith.constant 0 : i32
    %c0_i32_1 = arith.constant 0 : i32
    %c0_i32_2 = arith.constant 0 : i32
    return %get3A_0, %c0_i32, %c0_i32_1 : i32, i32, i32
  }
  func.func @transform_5(%arg0: i32, %arg1: memref<191xi32, #tpu.memory_space<smem>>, %arg2: memref<191xi32, #tpu.memory_space<smem>>, %arg3: memref<191xi32, #tpu.memory_space<smem>>, %arg4: memref<191xi32, #tpu.memory_space<smem>>) -> (i32, i32, i32) {
    %get3A = arith.index_cast %arg0 : i32 to index
    %get3A_0 = memref.load %arg1[%get3A] : memref<191xi32, #tpu.memory_space<smem>>
    %c0_i32 = arith.constant 0 : i32
    %c0_i32_1 = arith.constant 0 : i32
    %c0_i32_2 = arith.constant 0 : i32
    return %get3A_0, %c0_i32, %c0_i32_1 : i32, i32, i32
  }
  func.func @transform_6(%arg0: i32, %arg1: memref<191xi32, #tpu.memory_space<smem>>, %arg2: memref<191xi32, #tpu.memory_space<smem>>, %arg3: memref<191xi32, #tpu.memory_space<smem>>, %arg4: memref<191xi32, #tpu.memory_space<smem>>) -> (i32, i32, i32) {
    %get3A = arith.index_cast %arg0 : i32 to index
    %get3A_0 = memref.load %arg1[%get3A] : memref<191xi32, #tpu.memory_space<smem>>
    %c0_i32 = arith.constant 0 : i32
    %c0_i32_1 = arith.constant 0 : i32
    %c0_i32_2 = arith.constant 0 : i32
    return %get3A_0, %c0_i32, %c0_i32_1 : i32, i32, i32
  }
  func.func @transform_7(%arg0: i32, %arg1: memref<191xi32, #tpu.memory_space<smem>>, %arg2: memref<191xi32, #tpu.memory_space<smem>>, %arg3: memref<191xi32, #tpu.memory_space<smem>>, %arg4: memref<191xi32, #tpu.memory_space<smem>>) -> (i32, i32, i32) {
    %get3A = arith.index_cast %arg0 : i32 to index
    %get3A_0 = memref.load %arg1[%get3A] : memref<191xi32, #tpu.memory_space<smem>>
    %c0_i32 = arith.constant 0 : i32
    %c0_i32_1 = arith.constant 0 : i32
    %c0_i32_2 = arith.constant 0 : i32
    return %get3A_0, %c0_i32, %c0_i32_1 : i32, i32, i32
  }
  func.func @transform_8(%arg0: i32, %arg1: memref<191xi32, #tpu.memory_space<smem>>, %arg2: memref<191xi32, #tpu.memory_space<smem>>, %arg3: memref<191xi32, #tpu.memory_space<smem>>, %arg4: memref<191xi32, #tpu.memory_space<smem>>) -> (i32, i32, i32) {
    %get3A = arith.index_cast %arg0 : i32 to index
    %get3A_0 = memref.load %arg1[%get3A] : memref<191xi32, #tpu.memory_space<smem>>
    %c0_i32 = arith.constant 0 : i32
    %c0_i32_1 = arith.constant 0 : i32
    %c0_i32_2 = arith.constant 0 : i32
    return %get3A_0, %c0_i32, %c0_i32_1 : i32, i32, i32
  }
  func.func @transform_9(%arg0: i32, %arg1: memref<191xi32, #tpu.memory_space<smem>>, %arg2: memref<191xi32, #tpu.memory_space<smem>>, %arg3: memref<191xi32, #tpu.memory_space<smem>>, %arg4: memref<191xi32, #tpu.memory_space<smem>>) -> (i32, i32) {
    %get3A = arith.index_cast %arg0 : i32 to index
    %get3A_0 = memref.load %arg2[%get3A] : memref<191xi32, #tpu.memory_space<smem>>
    %c0_i32 = arith.constant 0 : i32
    %c0_i32_1 = arith.constant 0 : i32
    return %get3A_0, %c0_i32 : i32, i32
  }
}

module attributes {stable_mosaic.version = 14 : i64} {
  func.func @_combine_body(%arg0: i32, %arg1: memref<8x128x768xf32, #tpu.memory_space<vmem>>, %arg2: memref<128x8xf32, #tpu.memory_space<vmem>>, %arg3: memref<1x768xf32, #tpu.memory_space<vmem>>, %arg4: memref<1x768xf32, #tpu.memory_space<vmem>>, %arg5: memref<128x768xf32, #tpu.memory_space<vmem>>) attributes {dimension_semantics = [#tpu.dimension_semantics<arbitrary>], iteration_bounds = array<i64: 16>, scalar_prefetch = 0 : i64, scratch_operands = 0 : i64, tpu.core_type = #tpu.core_type<tc>, window_params = [{transform_indices = @transform_0, window_bounds = array<i64: 8, 128, 768>}, {transform_indices = @transform_1, window_bounds = array<i64: 128, 8>}, {pipeline_mode = #tpu.pipeline_mode<synchronous>, transform_indices = @transform_2, window_bounds = array<i64: 1, 768>}, {pipeline_mode = #tpu.pipeline_mode<synchronous>, transform_indices = @transform_3, window_bounds = array<i64: 1, 768>}, {transform_indices = @transform_4, window_bounds = array<i64: 128, 768>}]} {
    %get3A = arith.constant 0 : index
    %get3A_0 = arith.constant 0 : index
    %get3A_1 = vector.load %arg2[%get3A, %get3A_0] : memref<128x8xf32, #tpu.memory_space<vmem>>, vector<128x8xf32>
    %get3A_2 = arith.constant 0 : index
    %get3A_3 = arith.constant 0 : index
    %get3A_4 = arith.constant 0 : index
    %get3A_5 = vector.load %arg1[%get3A_2, %get3A_3, %get3A_4] : memref<8x128x768xf32, #tpu.memory_space<vmem>>, vector<1x128x768xf32>
    %get3A_6 = vector.shape_cast %get3A_5 : vector<1x128x768xf32> to vector<128x768xf32>
    %slice3A = vector.extract_strided_slice %get3A_1 {offsets = [0, 0], sizes = [128, 1], strides = [1, 1]} : vector<128x8xf32> to vector<128x1xf32>
    %mul3A = vector.broadcast %slice3A : vector<128x1xf32> to vector<128x768xf32>
    %mul3A_7 = arith.mulf %get3A_6, %mul3A : vector<128x768xf32>
    %get3A_8 = arith.constant 1 : index
    %get3A_9 = arith.constant 0 : index
    %get3A_10 = arith.constant 0 : index
    %get3A_11 = vector.load %arg1[%get3A_8, %get3A_9, %get3A_10] : memref<8x128x768xf32, #tpu.memory_space<vmem>>, vector<1x128x768xf32>
    %get3A_12 = vector.shape_cast %get3A_11 : vector<1x128x768xf32> to vector<128x768xf32>
    %slice3A_13 = vector.extract_strided_slice %get3A_1 {offsets = [0, 1], sizes = [128, 1], strides = [1, 1]} : vector<128x8xf32> to vector<128x1xf32>
    %mul3A_14 = vector.broadcast %slice3A_13 : vector<128x1xf32> to vector<128x768xf32>
    %mul3A_15 = arith.mulf %get3A_12, %mul3A_14 : vector<128x768xf32>
    %add3A = arith.addf %mul3A_7, %mul3A_15 : vector<128x768xf32>
    %get3A_16 = arith.constant 2 : index
    %get3A_17 = arith.constant 0 : index
    %get3A_18 = arith.constant 0 : index
    %get3A_19 = vector.load %arg1[%get3A_16, %get3A_17, %get3A_18] : memref<8x128x768xf32, #tpu.memory_space<vmem>>, vector<1x128x768xf32>
    %get3A_20 = vector.shape_cast %get3A_19 : vector<1x128x768xf32> to vector<128x768xf32>
    %slice3A_21 = vector.extract_strided_slice %get3A_1 {offsets = [0, 2], sizes = [128, 1], strides = [1, 1]} : vector<128x8xf32> to vector<128x1xf32>
    %mul3A_22 = vector.broadcast %slice3A_21 : vector<128x1xf32> to vector<128x768xf32>
    %mul3A_23 = arith.mulf %get3A_20, %mul3A_22 : vector<128x768xf32>
    %add3A_24 = arith.addf %add3A, %mul3A_23 : vector<128x768xf32>
    %get3A_25 = arith.constant 3 : index
    %get3A_26 = arith.constant 0 : index
    %get3A_27 = arith.constant 0 : index
    %get3A_28 = vector.load %arg1[%get3A_25, %get3A_26, %get3A_27] : memref<8x128x768xf32, #tpu.memory_space<vmem>>, vector<1x128x768xf32>
    %get3A_29 = vector.shape_cast %get3A_28 : vector<1x128x768xf32> to vector<128x768xf32>
    %slice3A_30 = vector.extract_strided_slice %get3A_1 {offsets = [0, 3], sizes = [128, 1], strides = [1, 1]} : vector<128x8xf32> to vector<128x1xf32>
    %mul3A_31 = vector.broadcast %slice3A_30 : vector<128x1xf32> to vector<128x768xf32>
    %mul3A_32 = arith.mulf %get3A_29, %mul3A_31 : vector<128x768xf32>
    %add3A_33 = arith.addf %add3A_24, %mul3A_32 : vector<128x768xf32>
    %get3A_34 = arith.constant 4 : index
    %get3A_35 = arith.constant 0 : index
    %get3A_36 = arith.constant 0 : index
    %get3A_37 = vector.load %arg1[%get3A_34, %get3A_35, %get3A_36] : memref<8x128x768xf32, #tpu.memory_space<vmem>>, vector<1x128x768xf32>
    %get3A_38 = vector.shape_cast %get3A_37 : vector<1x128x768xf32> to vector<128x768xf32>
    %slice3A_39 = vector.extract_strided_slice %get3A_1 {offsets = [0, 4], sizes = [128, 1], strides = [1, 1]} : vector<128x8xf32> to vector<128x1xf32>
    %mul3A_40 = vector.broadcast %slice3A_39 : vector<128x1xf32> to vector<128x768xf32>
    %mul3A_41 = arith.mulf %get3A_38, %mul3A_40 : vector<128x768xf32>
    %add3A_42 = arith.addf %add3A_33, %mul3A_41 : vector<128x768xf32>
    %get3A_43 = arith.constant 5 : index
    %get3A_44 = arith.constant 0 : index
    %get3A_45 = arith.constant 0 : index
    %get3A_46 = vector.load %arg1[%get3A_43, %get3A_44, %get3A_45] : memref<8x128x768xf32, #tpu.memory_space<vmem>>, vector<1x128x768xf32>
    %get3A_47 = vector.shape_cast %get3A_46 : vector<1x128x768xf32> to vector<128x768xf32>
    %slice3A_48 = vector.extract_strided_slice %get3A_1 {offsets = [0, 5], sizes = [128, 1], strides = [1, 1]} : vector<128x8xf32> to vector<128x1xf32>
    %mul3A_49 = vector.broadcast %slice3A_48 : vector<128x1xf32> to vector<128x768xf32>
    %mul3A_50 = arith.mulf %get3A_47, %mul3A_49 : vector<128x768xf32>
    %add3A_51 = arith.addf %add3A_42, %mul3A_50 : vector<128x768xf32>
    %get3A_52 = arith.constant 6 : index
    %get3A_53 = arith.constant 0 : index
    %get3A_54 = arith.constant 0 : index
    %get3A_55 = vector.load %arg1[%get3A_52, %get3A_53, %get3A_54] : memref<8x128x768xf32, #tpu.memory_space<vmem>>, vector<1x128x768xf32>
    %get3A_56 = vector.shape_cast %get3A_55 : vector<1x128x768xf32> to vector<128x768xf32>
    %slice3A_57 = vector.extract_strided_slice %get3A_1 {offsets = [0, 6], sizes = [128, 1], strides = [1, 1]} : vector<128x8xf32> to vector<128x1xf32>
    %mul3A_58 = vector.broadcast %slice3A_57 : vector<128x1xf32> to vector<128x768xf32>
    %mul3A_59 = arith.mulf %get3A_56, %mul3A_58 : vector<128x768xf32>
    %add3A_60 = arith.addf %add3A_51, %mul3A_59 : vector<128x768xf32>
    %get3A_61 = arith.constant 7 : index
    %get3A_62 = arith.constant 0 : index
    %get3A_63 = arith.constant 0 : index
    %get3A_64 = vector.load %arg1[%get3A_61, %get3A_62, %get3A_63] : memref<8x128x768xf32, #tpu.memory_space<vmem>>, vector<1x128x768xf32>
    %get3A_65 = vector.shape_cast %get3A_64 : vector<1x128x768xf32> to vector<128x768xf32>
    %slice3A_66 = vector.extract_strided_slice %get3A_1 {offsets = [0, 7], sizes = [128, 1], strides = [1, 1]} : vector<128x8xf32> to vector<128x1xf32>
    %mul3A_67 = vector.broadcast %slice3A_66 : vector<128x1xf32> to vector<128x768xf32>
    %mul3A_68 = arith.mulf %get3A_65, %mul3A_67 : vector<128x768xf32>
    %add3A_69 = arith.addf %add3A_60, %mul3A_68 : vector<128x768xf32>
    %reduce_sum3A = arith.constant dense<0.000000e+00> : vector<128xf32>
    %reduce_sum3A_70 = vector.multi_reduction <add>, %add3A_69, %reduce_sum3A [1] : vector<128x768xf32> to vector<128xf32>
    %broadcast_in_dim3A = vector.shape_cast %reduce_sum3A_70 : vector<128xf32> to vector<128x1xf32>
    %div3A = arith.constant 7.680000e+02 : f32
    %div3A_71 = vector.broadcast %div3A : f32 to vector<128x1xf32>
    %div3A_72 = arith.divf %broadcast_in_dim3A, %div3A_71 : vector<128x1xf32>
    %sub3A = vector.broadcast %div3A_72 : vector<128x1xf32> to vector<128x768xf32>
    %sub3A_73 = arith.subf %add3A_69, %sub3A : vector<128x768xf32>
    %mul3A_74 = arith.mulf %sub3A_73, %sub3A_73 : vector<128x768xf32>
    %reduce_sum3A_75 = arith.constant dense<0.000000e+00> : vector<128xf32>
    %reduce_sum3A_76 = vector.multi_reduction <add>, %mul3A_74, %reduce_sum3A_75 [1] : vector<128x768xf32> to vector<128xf32>
    %broadcast_in_dim3A_77 = vector.shape_cast %reduce_sum3A_76 : vector<128xf32> to vector<128x1xf32>
    %div3A_78 = arith.constant 7.680000e+02 : f32
    %div3A_79 = vector.broadcast %div3A_78 : f32 to vector<128x1xf32>
    %div3A_80 = arith.divf %broadcast_in_dim3A_77, %div3A_79 : vector<128x1xf32>
    %add3A_81 = arith.constant 9.99999974E-6 : f32
    %add3A_82 = vector.broadcast %add3A_81 : f32 to vector<128x1xf32>
    %add3A_83 = arith.addf %div3A_80, %add3A_82 : vector<128x1xf32>
    %rsqrt3A = math.rsqrt %add3A_83 : vector<128x1xf32>
    %mul3A_84 = vector.broadcast %rsqrt3A : vector<128x1xf32> to vector<128x768xf32>
    %mul3A_85 = arith.mulf %sub3A_73, %mul3A_84 : vector<128x768xf32>
    %get3A_86 = arith.constant 0 : index
    %get3A_87 = arith.constant 0 : index
    %get3A_88 = vector.load %arg3[%get3A_86, %get3A_87] : memref<1x768xf32, #tpu.memory_space<vmem>>, vector<1x768xf32>
    %mul3A_89 = vector.broadcast %get3A_88 : vector<1x768xf32> to vector<128x768xf32>
    %mul3A_90 = arith.mulf %mul3A_85, %mul3A_89 : vector<128x768xf32>
    %get3A_91 = arith.constant 0 : index
    %get3A_92 = arith.constant 0 : index
    %get3A_93 = vector.load %arg4[%get3A_91, %get3A_92] : memref<1x768xf32, #tpu.memory_space<vmem>>, vector<1x768xf32>
    %add3A_94 = vector.broadcast %get3A_93 : vector<1x768xf32> to vector<128x768xf32>
    %add3A_95 = arith.addf %mul3A_90, %add3A_94 : vector<128x768xf32>
    %swap3A = arith.constant 0 : index
    %swap3A_96 = arith.constant 0 : index
    %swap3A_97 = vector.load %arg5[%swap3A, %swap3A_96] : memref<128x768xf32, #tpu.memory_space<vmem>>, vector<128x768xf32>
    tpu.vector_store %arg5[%swap3A, %swap3A_96], %add3A_95 {strides = array<i32>} : memref<128x768xf32, #tpu.memory_space<vmem>>, vector<128x768xf32>,
    return
  }
  func.func @transform_0(%arg0: i32) -> (i32, i32, i32) {
    %c0_i32 = arith.constant 0 : i32
    %c0_i32_0 = arith.constant 0 : i32
    %c0_i32_1 = arith.constant 0 : i32
    return %c0_i32, %arg0, %c0_i32_0 : i32, i32, i32
  }
  func.func @transform_1(%arg0: i32) -> (i32, i32) {
    %c0_i32 = arith.constant 0 : i32
    %c0_i32_0 = arith.constant 0 : i32
    return %arg0, %c0_i32 : i32, i32
  }
  func.func @transform_2(%arg0: i32) -> (i32, i32) {
    %c0_i32 = arith.constant 0 : i32
    %c0_i32_0 = arith.constant 0 : i32
    %c0_i32_1 = arith.constant 0 : i32
    return %c0_i32, %c0_i32_0 : i32, i32
  }
  func.func @transform_3(%arg0: i32) -> (i32, i32) {
    %c0_i32 = arith.constant 0 : i32
    %c0_i32_0 = arith.constant 0 : i32
    %c0_i32_1 = arith.constant 0 : i32
    return %c0_i32, %c0_i32_0 : i32, i32
  }
  func.func @transform_4(%arg0: i32) -> (i32, i32) {
    %c0_i32 = arith.constant 0 : i32
    %c0_i32_0 = arith.constant 0 : i32
    return %arg0, %c0_i32 : i32, i32
  }
}

</mosaic_0001>

<sc_bundles>
// kernel: kernel.10.cloned.1.call-start
scs
__scs_entry_jumppad:
0x0: {  	(pc) =	sbr.rel $0x88, $3  }
0x1: {  	(tag) =	ssettag $0x0;
	lr =	simm.s32 $0x1  }
0x2: {  	[smem:$0x3F91] =	sst lr;
	_ =	strace $0xD0000000  }
0x3: {  	_ = 	snop  }
0x4: {  	_ = 	snop  }
0x5: {  	_ = 	snop  }
0x6: {  	_ = 	snop  }
0x7: {  	_ = 	snop  }
__scs_overlays_trampoline_lowered:
0x8: {  	[smem:$0x3FA0] =	sst s0  }
0x9: {  	[smem:$0x3FA1] =	sst s1  }
0xa: {  	[smem:$0x3FA2] =	sst s2  }
0xb: {  	[smem:$0x3FA3] =	sst s3  }
0xc: {  	[smem:$0x3FA4] =	sst s4  }
0xd: {  	[smem:$0x3FA5] =	sst s5  }
0xe: {  	[smem:$0x3FA6] =	sst s6  }
0xf: {  	[smem:$0x3FA7] =	sst s7  }
0x10: {  	[smem:$0x3FA8] =	sst s8  }
0x11: {  	[smem:$0x3FA9] =	sst s9;
	s0 =	simm.s32 @!p0 $0x0  }
0x12: {  	s1 =	sld [smem:$0x3F8F];
	s0 =	simm.s32 @p0 $0x1  }
0x13: {  	[smem:$0x3FAA] =	sst s0;
	s0 =	simm.s32 @!p1 $0x0  }
0x14: {  	s2 =	sld [smem:$0x3F8E];
	s0 =	simm.s32 @p1 $0x1  }
0x15: {  	[smem:$0x3FAB] =	sst s0;
	s0 =	simm.s32 @!p2 $0x0  }
0x16: {  	s3 =	sld [smem:$0x3FDB];
	s0 =	simm.s32 @p2 $0x1  }
0x17: {  	s4 =	simm.s32 $0x1BF5;
	[smem:$0x3FAD] =	sst s0  }
0x18: {  	s0 =	sld [smem:$0x3F90];
	_ =	swait.ge [sflag:s4], $0x0  }
0x19: {  	s7 =	sld [smem:$0x3F91]  }
0x1a: {  	s8 =	sadd.s32 $0xFFFFE003, lr  }
0x1b: {  	s9 =	sadd.s32 $0xFFFFFEF7, lr;
	s5 =	simm.s32 $0xFFFFFFFF;
	p2 =	slt.u32 s8, $0xFFFFF086  }
0x1c: {  	p1 =	slt.u32 s9, $0xF7A;
	s5 =	simm.s32 @!p2 $0x0  }
0x1d: {  	s5 =	simm.s32 @p1 $0x1;
	p0 =	seq.s32 s7, s2  }
0x1e: {  	s7 =	smul.u32 @!p0 $0xF7A, s2;
	p2 =	seq.s32 @!p0 s5, $0x0  }
0x1f: {  	s9 =	smul.u32 $0xF7A, s1;
	s8 =	simm.s32 @!p0 $0x1BF5;
	p2 =	por !p2, p0  }
0x20: {  	[sflag:s8] =	ssyncset.s32 @!p0 $0xFFFFF086;
	s6 =	sadd.s32 @!p0 s3, s7;
	s7 =	simm.s32 @!p0 $0x108  }
0x21: {  	s3 =	sadd.s32 s3, s9;
	s6 =	sadd.s32 @!p0 $0x88, s6;
	s7 =	simm.s32 @p2 $0x1082  }
0x22: {  	[simem:s7], [sflag:s8] =	dma.local @!p0 [hbm:s6], $0xF7A  }
0x23: {  	s9 =	sor.u32 $0xD0000000, s2;
	s6 =	simm.s32 $0x108;
	_ =	swait.ge @!p0 [sflag:s8], $0x0  }
0x24: {  	s3 =	sadd.s32 $0x88, s3;
	s6 =	simm.s32 @!p1 $0x1082;
	[sflag:s4] =	ssyncset.s32 $0xFFFFF086  }
0x25: {  	[simem:s6], [sflag:s4] =	dma.local [hbm:s3], $0xF7A  }
0x26: {  	[smem:$0x3F91] =	sst s1;
	(tag) =	ssettag s2;
	_ =	strace s9  }
0x27: {  	s1 =	sld [smem:$0x3FA1]  }
0x28: {  	s2 =	sld [smem:$0x3FA2]  }
0x29: {  	s4 =	sld [smem:$0x3FA4]  }
0x2a: {  	p0 =	seq.s32 s5, $0x0;
	s5 =	sld [smem:$0x3FA5]  }
0x2b: {  	s6 =	sld [smem:$0x3FA6]  }
0x2c: {  	s7 =	sld [smem:$0x3FA7]  }
0x2d: {  	s3 =	simm.s32 $0x108;
	s8 =	sld [smem:$0x3FA8]  }
0x2e: {  	s3 =	simm.s32 @!p0 $0x1082;
	s9 =	sld [smem:$0x3FA9]  }
0x2f: {  	lr =	sadd.s32 s0, s3;
	s0 =	sld [smem:$0x3FA0]  }
0x30: {  	s3 =	sld [smem:$0x3FA3]  }
0x31: {  	[smem:$0x3FAC] =	sst s10  }
0x32: {  	s10 =	sld [smem:$0x3FAA];
	_ =	sdelay $0x3  }
0x33: {  	p0 =	seq.s32 s10, $0x1;
	s10 =	sld [smem:$0x3FAC];
	_ =	sdelay $0x3  }
0x34: {  	[smem:$0x3FAC] =	sst s10  }
0x35: {  	s10 =	sld [smem:$0x3FAB];
	_ =	sdelay $0x3  }
0x36: {  	p1 =	seq.s32 s10, $0x1;
	s10 =	sld [smem:$0x3FAC];
	_ =	sdelay $0x3  }
0x37: {  	[smem:$0x3FAC] =	sst s10  }
0x38: {  	s10 =	sld [smem:$0x3FAD]  }
0x39: {  	_ = 	snop;
	(pc) =	sbr.ind lr, $3  }
0x3a: {  	_ = 	snop  }
0x3b: {  	_ = 	snop  }
0x3c: {  	p2 =	seq.s32 s10, $0x1;
	s10 =	sld [smem:$0x3FAC]  }
0x3d: {  	_ =	shalt  }
0x3e: {  	_ =	shalt  }
0x3f: {  	_ =	shalt  }
0x40: {  	_ =	shalt  }
0x41: {  	_ =	shalt  }
0x42: {  	_ =	shalt  }
0x43: {  	_ =	shalt  }
0x44: {  	_ =	shalt  }
0x45: {  	_ =	shalt  }
0x46: {  	_ =	shalt  }
0x47: {  	_ =	shalt  }
0x48: {  	_ =	shalt  }
0x49: {  	_ =	shalt  }
0x4a: {  	_ =	shalt  }
0x4b: {  	_ =	shalt  }
0x4c: {  	_ =	shalt  }
0x4d: {  	_ =	shalt  }
0x4e: {  	_ =	shalt  }
0x4f: {  	_ =	shalt  }
0x50: {  	_ =	shalt  }
0x51: {  	_ =	shalt  }
0x52: {  	_ =	shalt  }
0x53: {  	_ =	shalt  }
0x54: {  	_ =	shalt  }
0x55: {  	_ =	shalt  }
0x56: {  	_ =	shalt  }
0x57: {  	_ =	shalt  }
0x58: {  	_ =	shalt  }
0x59: {  	_ =	shalt  }
0x5a: {  	_ =	shalt  }
0x5b: {  	_ =	shalt  }
0x5c: {  	_ =	shalt  }
0x5d: {  	_ =	shalt  }
0x5e: {  	_ =	shalt  }
0x5f: {  	_ =	shalt  }
0x60: {  	_ =	shalt  }
0x61: {  	_ =	shalt  }
0x62: {  	_ =	shalt  }
0x63: {  	_ =	shalt  }
0x64: {  	_ =	shalt  }
0x65: {  	_ =	shalt  }
0x66: {  	_ =	shalt  }
0x67: {  	_ =	shalt  }
0x68: {  	_ =	shalt  }
0x69: {  	_ =	shalt  }
0x6a: {  	_ =	shalt  }
0x6b: {  	_ =	shalt  }
0x6c: {  	_ =	shalt  }
0x6d: {  	_ =	shalt  }
0x6e: {  	_ =	shalt  }
0x6f: {  	_ =	shalt  }
0x70: {  	_ =	shalt  }
0x71: {  	_ =	shalt  }
0x72: {  	_ =	shalt  }
0x73: {  	_ =	shalt  }
0x74: {  	_ =	shalt  }
0x75: {  	_ =	shalt  }
0x76: {  	_ =	shalt  }
0x77: {  	_ =	shalt  }
0x78: {  	_ =	shalt  }
0x79: {  	_ =	shalt  }
0x7a: {  	_ =	shalt  }
0x7b: {  	_ =	shalt  }
0x7c: {  	_ =	shalt  }
0x7d: {  	_ =	shalt  }
0x7e: {  	_ =	shalt  }
0x7f: {  	_ =	shalt  }
0x80: {  	_ =	shalt  }
0x81: {  	_ =	shalt  }
0x82: {  	_ =	shalt  }
0x83: {  	_ =	shalt  }
0x84: {  	_ =	shalt  }
0x85: {  	_ =	shalt  }
0x86: {  	_ =	shalt  }
0x87: {  	_ =	shalt  }
.Lfunc_end0:
.L_simem_size_0:
called_computation.1_lowered:
.L_overlay_start_0:
0x88: {  	s2 =	sld [smem:$0x3FD9]  }
0x89: {  	s3 =	sld [smem:$0x3FFE];
	_ =	sdelay $0x1  }
0x8a: {  	s1 =	srdreg.scid  }
0x8b: {  	s0 =	sand.u32 $0x1, s1  }
0x8c: {  	s16 =	sshll.u32 s0, $0xA;
	s2 =	sadd.s32 s3, s2  }
0x8d: {  	s2 =	sadd.s32 s2, s16  }
0x8e: {  	[smem:$0x3FB8] =	sst s2  }
0x8f: {  	_ = 	snop  }
0x90: {  	(tm) =	ssettm $0x1  }
0x91: {  	s17 =	sld [smem:$0x3FFB];
	_ =	sdelay $0x3  }
0x92: {  	_ =	strace s17  }
0x93: {  	s2 =	sld [smem:$0x3FFC];
	_ =	sdelay $0x3  }
0x94: {  	_ =	strace s2  }
0x95: {  	s2 =	sld [smem:$0x3FFD];
	_ =	sdelay $0x3  }
0x96: {  	_ =	strace s2  }
0x97: {  	_ =	strace $0x8FFFFFFF  }
0x98: {  	s18 =	sld [smem:$0x3FDB];
	_ =	sdelay $0x1  }
0x99: {  	s19 =	simm.s32 $_scs_section_size  }
0x9a: {  	s4 =	simm.s32 $_size__tile_overlayer_lowered;
	s5 =	simm.s32 $_tile_overlayer_lowered  }
0x9b: {  	s22 =	simm.s32 $0x1BFF;
	s21 =	sshll.u32 s5, $0x1;
	s2 =	sadd.s32 s19, s18  }
0x9c: {  	s6 =	simm.s32 $0x0;
	s20 =	sshll.u32 s4, $0x1;
	s4 =	sadd.s32 s21, s2  }
0x9d: {  	[timem:s6], [sflag:s22] =	dma.local [hbm:s4], s20  }
0x9e: {  	_ =	swait.ge [sflag:s22], s20  }
0x9f: {  	s3 =	ssub.s32 $0x0, s20;
	[sflag:s22] =	ssyncset.done $0x0  }
0xa0: {  	[sflag:s22] =	ssyncadd.s32 s3;
	_ =	sdelay $0x1  }
0xa1: {  	s23 =	simm.s32 $0x1B8B  }
0xa2: {  	_ =	swait.ge [sflag:s23], $0x1  }
0xa3: {  	[sflag:s23] =	ssyncset.done $0x0  }
0xa4: {  	s25 =	simm.s32 $0x1B8E;
	s24 =	sld [smem:$0x3FFE];
	[sflag:s23] =	ssyncadd.s32 $0xFFFFFFFF  }
0xa5: {  	s26 =	simm.s32 $execute0_lowered;
	[smem:$0x3FD2] =	sst s25  }
0xa6: {  	s4 =	sshll.u32 s26, $0x1;
	_ =	strace $0x80000049;
	[dreg:$0x1] =	wrdreg $0xFFFFFFFF  }
0xa7: {  	s28 =	simm.s32 $_size_execute0_lowered;
	s2 =	sadd.s32 s2, s4;
	[dreg:$0x0] =	wrdreg $0x0  }
0xa8: {  	s4 =	sshll.u32 s28, $0x1;
	[dreg:$0x2] =	wrdreg s2  }
0xa9: {  	[dreg:$0x3] =	wrdreg s4  }
0xaa: {  	[dreg:$0x4] =	wrdreg $0xC0  }
0xab: {  	_ =	task [dreg:s6], $0x5FFFF  }
0xac: {  	[dreg:$0x1] =	wrdreg $0xFFFFFFFF  }
0xad: {  	[dreg:$0x0] =	wrdreg $0x60  }
0xae: {  	[dreg:$0x2] =	wrdreg s24  }
0xaf: {  	[dreg:$0x3] =	wrdreg $0x9  }
0xb0: {  	_ =	task.clear_ibuf [dreg:s6], $0x4FFFF;
	_ =	strace $0x90000049  }
0xb1: {  	s29 =	simm.s32 $0x9;
	_ =	strace $0x8000004B  }
0xb2: {  	_ =	swait.ge [sflag:s29], $0x1  }
0xb3: {  	[sflag:s29] =	ssyncadd.s32 $0xFFFFFFFF  }
0xb4: {  	_ =	strace $0x9000004B  }
0xb5: {  	_ =	sfence  }
0xb6: {  	s30 =	sld [smem:$0x0];
	_ =	sdelay $0x2  }
0xb7: {  	s31 =	sshll.u32 s1, $0xD;
	s1 =	sshrl.u32 s1, $0x2  }
0xb8: {  	s3 =	sand.u32 $0x4000, s31;
	s1 =	sadd.s32 s1, s30  }
0xb9: {  	s0 =	sor.u32 s3, s0;
	s1 =	sshll.u32 s1, $0x11  }
0xba: {  	s0 =	sor.u32 s1, s0  }
0xbb: {  	s0 =	sadd.s32 $0x8F2B, s0  }
0xbc: {  	[sflag:s0] =	ssyncadd.remote.s32 $0x1  }
0xbd: {  	_ =	sfence.sel $0xFFFF  }
0xbe: {  	[dreg:$0x0] =	wrdreg $0xFFFFFFFF;
	(pc) =	sbr.abs _section_cstart, $3  }
0xbf: {  	[dreg:$0x1] =	wrdreg $0xFFFFFFFF  }
0xc0: {  	_ =	task.clear_ibuf [dreg:s6], $0x2FFFF;
	_ =	strace $0x9FFFFFFF  }
0xc1: {  	(tm) =	ssettm $0x7FFFFFFF  }
tec
execute0_lowered:
.L_overlay_start_1:
0x0: {  	(tag) =	ssettag $0x1  }
0x1: {  	s0 =	srdreg.scid;
	s1 =	stileid.u32  }
0x2: {  	s0 =	sand.u32 $0x1, s0;
	s1 =	sshll.u32 s1, $0x1  }
0x3: {  	s1 =	sor.u32 s0, s1  }
0x4: {  	s3 =	smul.u32 $0xC000, s1  }
0x5: {  	s5 =	rddreg [dreg:$0x0];
	s2 =	simm.s32 $0x0;
	s1 =	sshll.u32 s1, $0x7  }
0x6: {  	s7 =	simm.s32 $0x2;
	s1 =	sadd.s32 s1, s5;
	s3 =	sshrl.u32 s3, $0x3  }
0x7: {  	[smem:$0x7FF] =	sst s2;
	s1 =	sadd.s32 $0x1000, s1;
	s4 =	sadd.s32 s3, s5  }
0x8: {  	_ =	strace $0x8000004A;
	[dreg:$0x2] =	wrdreg s1;
	s23 =	sadd.s32 $0x2000, s4  }
0x9: {  	s8 =	simm.s32 $0x400;
	s24 =	sadd.s32 $0x32000, s4;
	[dreg:$0x3] =	wrdreg s23  }
0xa: {  	s0 =	ssub.s32 $0x2, s0;
	s25 =	sadd.s32 $0x62000, s4;
	[dreg:$0x4] =	wrdreg s24  }
0xb: {  	s6 =	sshrl.u32 s0, $0x1;
	s26 =	sadd.s32 $0x92000, s4;
	[dreg:$0x5] =	wrdreg s25  }
0xc: {  	s0 =	ssub.s32 s0, s6;
	s28 =	sadd.s32 $0xC2000, s4;
	[dreg:$0x6] =	wrdreg s26  }
0xd: {  	s11 =	smax.u32 s0, $0x1;
	s29 =	sadd.s32 $0xF2000, s4;
	[dreg:$0x7] =	wrdreg s28  }
0xe: {  	v2 =	vlaneseq.u32;
	s0 =	simm.s32 $0x1;
	s30 =	sadd.s32 $0x122000, s4;
	[dreg:$0x8] =	wrdreg s29  }
0xf: {  	vm0 =	vmmov $0xffff;
	v1 =	vshrl.u32 v2, $0x3;
	s3 =	sadd.s32 $0x182000, s5;
	s31 =	sadd.s32 $0x152000, s4;
	[dreg:$0x9] =	wrdreg s30  }
0x10: {  	v0 =	vand.u32 $0x7, v2;
	v2 =	vor.u32 $0x8, v2;
	v1 =	vmul.u32 $0x8, v1;
	s4 =	sadd.s32 $0x182100, s5;
	s5 =	sadd.s32 $0x182200, s5;
	[dreg:$0xa] =	wrdreg s31  }
.LBB2_1:
0x11: {  	s9 =	rddreg [dreg:$0x2]  }
0x12: {  	[tilespmem:s2], [sflag:$0x2] =	stream.linear.gather [hbm4b:s9+s2], $0x400, $0x38;
	[tilespmem:$0xC400] =	vst v63  }
0x13: {  	_ =	swait.ge [sflag:s7], $0x400  }
0x14: {  	[sflag:s7] =	ssyncset.done $0x0  }
0x15: {  	[sflag:s7] =	ssyncadd.s32 $0xFFFFFC00  }
0x16: {  	v3 =	vld [tilespmem:$0x0];
	_ =	sdelay $0x4  }
0x17: {  	v4 =	vshrl.u32 v3, $0x3  }
0x18: {  	v4 =	vmul.u32 $0x30, v4  }
0x19: {  	v3 =	vand.u32 $0x7, v3  }
0x1a: {  	v3 =	vor.u32 v3, v4  }
0x1b: {  	v4 =	vperm.xlane v3, v0;
	_ =	sdelay $0x1  }
0x1c: {  	v4 =	vadd.s32 v1, v4;
	_ =	sdelay $0x3  }
0x1d: {  	v3 =	vperm.xlane v3, v2  }
0x1e: {  	[tilespmem:s8], [sflag:$0x1] =	stream.indirect_vreg.gather [hbm4b:s3+s2], $0x80, v4, vm0, $0xb8;
	[tilespmem:$0xC400] =	vst v63  }
0x1f: {  	s1 =	simm.s32 $0xC00;
	v3 =	vadd.s32 v1, v3  }
0x20: {  	[tilespmem:s1], [sflag:$0x1] =	stream.indirect_vreg.gather [hbm4b:s4+s2], $0x80, v4, vm0, $0xb8;
	[tilespmem:$0xC400] =	vst v63  }
0x21: {  	s30 =	simm.s32 $0x1400  }
0x22: {  	[tilespmem:s30], [sflag:$0x1] =	stream.indirect_vreg.gather [hbm4b:s5+s2], $0x80, v4, vm0, $0xb8;
	[tilespmem:$0xC400] =	vst v63  }
0x23: {  	s31 =	simm.s32 $0x1C00  }
0x24: {  	[tilespmem:s31], [sflag:$0x1] =	stream.indirect_vreg.gather [hbm4b:s3+s2], $0x80, v3, vm0, $0xb8;
	[tilespmem:$0xC400] =	vst v63  }
0x25: {  	s6 =	simm.s32 $0x2400  }
0x26: {  	[tilespmem:s6], [sflag:$0x1] =	stream.indirect_vreg.gather [hbm4b:s4+s2], $0x80, v3, vm0, $0xb8;
	[tilespmem:$0xC400] =	vst v63  }
0x27: {  	s9 =	simm.s32 $0x2C00  }
0x28: {  	[tilespmem:s9], [sflag:$0x1] =	stream.indirect_vreg.gather [hbm4b:s5+s2], $0x80, v3, vm0, $0xb8;
	[tilespmem:$0xC400] =	vst v63  }
0x29: {  	v3 =	vld [tilespmem:$0x10];
	_ =	sdelay $0x4  }
0x2a: {  	v33 =	vshrl.u32 v3, $0x3  }
0x2b: {  	v4 =	vmul.u32 $0x30, v33  }
0x2c: {  	v3 =	vand.u32 $0x7, v3  }
0x2d: {  	v3 =	vor.u32 v3, v4  }
0x2e: {  	v4 =	vperm.xlane v3, v0;
	_ =	sdelay $0x1  }
0x2f: {  	v4 =	vadd.s32 v1, v4;
	_ =	sdelay $0x3  }
0x30: {  	s10 =	simm.s32 $0x3400;
	v3 =	vperm.xlane v3, v2  }
0x31: {  	[tilespmem:s10], [sflag:$0x1] =	stream.indirect_vreg.gather [hbm4b:s3+s2], $0x80, v4, vm0, $0xb8;
	[tilespmem:$0xC400] =	vst v63  }
0x32: {  	s12 =	simm.s32 $0x3C00;
	v3 =	vadd.s32 v1, v3  }
0x33: {  	[tilespmem:s12], [sflag:$0x1] =	stream.indirect_vreg.gather [hbm4b:s4+s2], $0x80, v4, vm0, $0xb8;
	[tilespmem:$0xC400] =	vst v63  }
0x34: {  	s13 =	simm.s32 $0x4400  }
0x35: {  	[tilespmem:s13], [sflag:$0x1] =	stream.indirect_vreg.gather [hbm4b:s5+s2], $0x80, v4, vm0, $0xb8;
	[tilespmem:$0xC400] =	vst v63  }
0x36: {  	s14 =	simm.s32 $0x4C00  }
0x37: {  	[tilespmem:s14], [sflag:$0x1] =	stream.indirect_vreg.gather [hbm4b:s3+s2], $0x80, v3, vm0, $0xb8;
	[tilespmem:$0xC400] =	vst v63  }
0x38: {  	s15 =	simm.s32 $0x5400  }
0x39: {  	[tilespmem:s15], [sflag:$0x1] =	stream.indirect_vreg.gather [hbm4b:s4+s2], $0x80, v3, vm0, $0xb8;
	[tilespmem:$0xC400] =	vst v63  }
0x3a: {  	s16 =	simm.s32 $0x5C00  }
0x3b: {  	[tilespmem:s16], [sflag:$0x1] =	stream.indirect_vreg.gather [hbm4b:s5+s2], $0x80, v3, vm0, $0xb8;
	[tilespmem:$0xC400] =	vst v63  }
0x3c: {  	v3 =	vld [tilespmem:$0x20];
	_ =	sdelay $0x4  }
0x3d: {  	v34 =	vshrl.u32 v3, $0x3  }
0x3e: {  	v4 =	vmul.u32 $0x30, v34  }
0x3f: {  	v3 =	vand.u32 $0x7, v3  }
0x40: {  	v3 =	vor.u32 v3, v4  }
0x41: {  	v4 =	vperm.xlane v3, v0;
	_ =	sdelay $0x1  }
0x42: {  	v4 =	vadd.s32 v1, v4;
	_ =	sdelay $0x3  }
0x43: {  	s17 =	simm.s32 $0x6400;
	v3 =	vperm.xlane v3, v2  }
0x44: {  	[tilespmem:s17], [sflag:$0x1] =	stream.indirect_vreg.gather [hbm4b:s3+s2], $0x80, v4, vm0, $0xb8;
	[tilespmem:$0xC400] =	vst v63  }
0x45: {  	s18 =	simm.s32 $0x6C00;
	v3 =	vadd.s32 v1, v3  }
0x46: {  	[tilespmem:s18], [sflag:$0x1] =	stream.indirect_vreg.gather [hbm4b:s4+s2], $0x80, v4, vm0, $0xb8;
	[tilespmem:$0xC400] =	vst v63  }
0x47: {  	s19 =	simm.s32 $0x7400  }
0x48: {  	[tilespmem:s19], [sflag:$0x1] =	stream.indirect_vreg.gather [hbm4b:s5+s2], $0x80, v4, vm0, $0xb8;
	[tilespmem:$0xC400] =	vst v63  }
0x49: {  	s20 =	simm.s32 $0x7C00  }
0x4a: {  	[tilespmem:s20], [sflag:$0x1] =	stream.indirect_vreg.gather [hbm4b:s3+s2], $0x80, v3, vm0, $0xb8;
	[tilespmem:$0xC400] =	vst v63  }
0x4b: {  	s21 =	simm.s32 $0x8400  }
0x4c: {  	[tilespmem:s21], [sflag:$0x1] =	stream.indirect_vreg.gather [hbm4b:s4+s2], $0x80, v3, vm0, $0xb8;
	[tilespmem:$0xC400] =	vst v63  }
0x4d: {  	s22 =	simm.s32 $0x8C00  }
0x4e: {  	[tilespmem:s22], [sflag:$0x1] =	stream.indirect_vreg.gather [hbm4b:s5+s2], $0x80, v3, vm0, $0xb8;
	[tilespmem:$0xC400] =	vst v63  }
0x4f: {  	v3 =	vld [tilespmem:$0x30];
	_ =	sdelay $0x4  }
0x50: {  	v35 =	vshrl.u32 v3, $0x3  }
0x51: {  	v4 =	vmul.u32 $0x30, v35  }
0x52: {  	v3 =	vand.u32 $0x7, v3  }
0x53: {  	v3 =	vor.u32 v3, v4  }
0x54: {  	v4 =	vperm.xlane v3, v0;
	_ =	sdelay $0x1  }
0x55: {  	v4 =	vadd.s32 v1, v4;
	_ =	sdelay $0x3  }
0x56: {  	s23 =	simm.s32 $0x9400;
	v3 =	vperm.xlane v3, v2  }
0x57: {  	[tilespmem:s23], [sflag:$0x1] =	stream.indirect_vreg.gather [hbm4b:s3+s2], $0x80, v4, vm0, $0xb8;
	[tilespmem:$0xC400] =	vst v63  }
0x58: {  	s24 =	simm.s32 $0x9C00;
	v3 =	vadd.s32 v1, v3  }
0x59: {  	[tilespmem:s24], [sflag:$0x1] =	stream.indirect_vreg.gather [hbm4b:s4+s2], $0x80, v4, vm0, $0xb8;
	[tilespmem:$0xC400] =	vst v63  }
0x5a: {  	s25 =	simm.s32 $0xA400  }
0x5b: {  	[tilespmem:s25], [sflag:$0x1] =	stream.indirect_vreg.gather [hbm4b:s5+s2], $0x80, v4, vm0, $0xb8;
	[tilespmem:$0xC400] =	vst v63  }
0x5c: {  	s26 =	simm.s32 $0xAC00  }
0x5d: {  	[tilespmem:s26], [sflag:$0x1] =	stream.indirect_vreg.gather [hbm4b:s3+s2], $0x80, v3, vm0, $0xb8;
	[tilespmem:$0xC400] =	vst v63  }
0x5e: {  	s28 =	simm.s32 $0xB400  }
0x5f: {  	[tilespmem:s28], [sflag:$0x1] =	stream.indirect_vreg.gather [hbm4b:s4+s2], $0x80, v3, vm0, $0xb8;
	[tilespmem:$0xC400] =	vst v63  }
0x60: {  	s29 =	simm.s32 $0xBC00  }
0x61: {  	[tilespmem:s29], [sflag:$0x1] =	stream.indirect_vreg.gather [hbm4b:s5+s2], $0x80, v3, vm0, $0xb8;
	[tilespmem:$0xC400] =	vst v63  }
0x62: {  	_ =	swait.ge [sflag:s0], $0xC000  }
0x63: {  	[sflag:s0] =	ssyncset.done $0x0  }
0x64: {  	s30 =	rddreg [dreg:$0x3];
	[sflag:s0] =	ssyncadd.s32 $0xFFFF4000  }
0x65: {  	[hbm4b:s30+s2] =	stream.linear.scatter [tilespmem:s8], [sflag:$0x2], $0xC000, $0x38;
	[tilespmem:$0xC400] =	vst v63  }
0x66: {  	_ =	swait.ge [sflag:s7], $0xC000  }
0x67: {  	[sflag:s7] =	ssyncset.done $0x0  }
0x68: {  	[sflag:s7] =	ssyncadd.s32 $0xFFFF4000  }
0x69: {  	v3 =	vld [tilespmem:$0x80];
	_ =	sdelay $0x4  }
0x6a: {  	v36 =	vshrl.u32 v3, $0x3  }
0x6b: {  	v4 =	vmul.u32 $0x30, v36  }
0x6c: {  	v3 =	vand.u32 $0x7, v3  }
0x6d: {  	v3 =	vor.u32 v3, v4  }
0x6e: {  	v4 =	vperm.xlane v3, v0;
	_ =	sdelay $0x1  }
0x6f: {  	v4 =	vadd.s32 v1, v4;
	_ =	sdelay $0x3  }
0x70: {  	v3 =	vperm.xlane v3, v2  }
0x71: {  	[tilespmem:s8], [sflag:$0x1] =	stream.indirect_vreg.gather [hbm4b:s3+s2], $0x80, v4, vm0, $0xb8;
	[tilespmem:$0xC400] =	vst v63  }
0x72: {  	s1 =	simm.s32 $0xC00;
	v3 =	vadd.s32 v1, v3  }
0x73: {  	[tilespmem:s1], [sflag:$0x1] =	stream.indirect_vreg.gather [hbm4b:s4+s2], $0x80, v4, vm0, $0xb8;
	[tilespmem:$0xC400] =	vst v63  }
0x74: {  	s6 =	simm.s32 $0x1400  }
0x75: {  	[tilespmem:s6], [sflag:$0x1] =	stream.indirect_vreg.gather [hbm4b:s5+s2], $0x80, v4, vm0, $0xb8;
	[tilespmem:$0xC400] =	vst v63  }
0x76: {  	s12 =	simm.s32 $0x1C00  }
0x77: {  	[tilespmem:s12], [sflag:$0x1] =	stream.indirect_vreg.gather [hbm4b:s3+s2], $0x80, v3, vm0, $0xb8;
	[tilespmem:$0xC400] =	vst v63  }
0x78: {  	s13 =	simm.s32 $0x2400  }
0x79: {  	[tilespmem:s13], [sflag:$0x1] =	stream.indirect_vreg.gather [hbm4b:s4+s2], $0x80, v3, vm0, $0xb8;
	[tilespmem:$0xC400] =	vst v63  }
0x7a: {  	s14 =	simm.s32 $0x2C00  }
0x7b: {  	[tilespmem:s14], [sflag:$0x1] =	stream.indirect_vreg.gather [hbm4b:s5+s2], $0x80, v3, vm0, $0xb8;
	[tilespmem:$0xC400] =	vst v63  }
0x7c: {  	v3 =	vld [tilespmem:$0x90];
	_ =	sdelay $0x4  }
0x7d: {  	v37 =	vshrl.u32 v3, $0x3  }
0x7e: {  	v4 =	vmul.u32 $0x30, v37  }
0x7f: {  	v3 =	vand.u32 $0x7, v3  }
0x80: {  	v3 =	vor.u32 v3, v4  }
0x81: {  	v4 =	vperm.xlane v3, v0;
	_ =	sdelay $0x1  }
0x82: {  	v4 =	vadd.s32 v1, v4;
	_ =	sdelay $0x3  }
0x83: {  	s15 =	simm.s32 $0x3400;
	v3 =	vperm.xlane v3, v2  }
0x84: {  	[tilespmem:s15], [sflag:$0x1] =	stream.indirect_vreg.gather [hbm4b:s3+s2], $0x80, v4, vm0, $0xb8;
	[tilespmem:$0xC400] =	vst v63  }
0x85: {  	s16 =	simm.s32 $0x3C00;
	v3 =	vadd.s32 v1, v3  }
0x86: {  	[tilespmem:s16], [sflag:$0x1] =	stream.indirect_vreg.gather [hbm4b:s4+s2], $0x80, v4, vm0, $0xb8;
	[tilespmem:$0xC400] =	vst v63  }
0x87: {  	s17 =	simm.s32 $0x4400  }
0x88: {  	[tilespmem:s17], [sflag:$0x1] =	stream.indirect_vreg.gather [hbm4b:s5+s2], $0x80, v4, vm0, $0xb8;
	[tilespmem:$0xC400] =	vst v63  }
0x89: {  	s18 =	simm.s32 $0x4C00  }
0x8a: {  	[tilespmem:s18], [sflag:$0x1] =	stream.indirect_vreg.gather [hbm4b:s3+s2], $0x80, v3, vm0, $0xb8;
	[tilespmem:$0xC400] =	vst v63  }
0x8b: {  	s19 =	simm.s32 $0x5400  }
0x8c: {  	[tilespmem:s19], [sflag:$0x1] =	stream.indirect_vreg.gather [hbm4b:s4+s2], $0x80, v3, vm0, $0xb8;
	[tilespmem:$0xC400] =	vst v63  }
0x8d: {  	s20 =	simm.s32 $0x5C00  }
0x8e: {  	[tilespmem:s20], [sflag:$0x1] =	stream.indirect_vreg.gather [hbm4b:s5+s2], $0x80, v3, vm0, $0xb8;
	[tilespmem:$0xC400] =	vst v63  }
0x8f: {  	v3 =	vld [tilespmem:$0xA0];
	_ =	sdelay $0x4  }
0x90: {  	v38 =	vshrl.u32 v3, $0x3  }
0x91: {  	v4 =	vmul.u32 $0x30, v38  }
0x92: {  	v3 =	vand.u32 $0x7, v3  }
0x93: {  	v3 =	vor.u32 v3, v4  }
0x94: {  	v4 =	vperm.xlane v3, v0;
	_ =	sdelay $0x1  }
0x95: {  	v4 =	vadd.s32 v1, v4;
	_ =	sdelay $0x3  }
0x96: {  	s21 =	simm.s32 $0x6400;
	v3 =	vperm.xlane v3, v2  }
0x97: {  	[tilespmem:s21], [sflag:$0x1] =	stream.indirect_vreg.gather [hbm4b:s3+s2], $0x80, v4, vm0, $0xb8;
	[tilespmem:$0xC400] =	vst v63  }
0x98: {  	s22 =	simm.s32 $0x6C00;
	v3 =	vadd.s32 v1, v3  }
0x99: {  	[tilespmem:s22], [sflag:$0x1] =	stream.indirect_vreg.gather [hbm4b:s4+s2], $0x80, v4, vm0, $0xb8;
	[tilespmem:$0xC400] =	vst v63  }
0x9a: {  	s23 =	simm.s32 $0x7400  }
0x9b: {  	[tilespmem:s23], [sflag:$0x1] =	stream.indirect_vreg.gather [hbm4b:s5+s2], $0x80, v4, vm0, $0xb8;
	[tilespmem:$0xC400] =	vst v63  }
0x9c: {  	s24 =	simm.s32 $0x7C00  }
0x9d: {  	[tilespmem:s24], [sflag:$0x1] =	stream.indirect_vreg.gather [hbm4b:s3+s2], $0x80, v3, vm0, $0xb8;
	[tilespmem:$0xC400] =	vst v63  }
0x9e: {  	s25 =	simm.s32 $0x8400  }
0x9f: {  	[tilespmem:s25], [sflag:$0x1] =	stream.indirect_vreg.gather [hbm4b:s4+s2], $0x80, v3, vm0, $0xb8;
	[tilespmem:$0xC400] =	vst v63  }
0xa0: {  	s26 =	simm.s32 $0x8C00  }
0xa1: {  	[tilespmem:s26], [sflag:$0x1] =	stream.indirect_vreg.gather [hbm4b:s5+s2], $0x80, v3, vm0, $0xb8;
	[tilespmem:$0xC400] =	vst v63  }
0xa2: {  	v3 =	vld [tilespmem:$0xB0];
	_ =	sdelay $0x4  }
0xa3: {  	v39 =	vshrl.u32 v3, $0x3  }
0xa4: {  	v4 =	vmul.u32 $0x30, v39  }
0xa5: {  	v3 =	vand.u32 $0x7, v3  }
0xa6: {  	v3 =	vor.u32 v3, v4  }
0xa7: {  	v4 =	vperm.xlane v3, v0;
	_ =	sdelay $0x1  }
0xa8: {  	v4 =	vadd.s32 v1, v4;
	_ =	sdelay $0x3  }
0xa9: {  	s28 =	simm.s32 $0x9400;
	v3 =	vperm.xlane v3, v2  }
0xaa: {  	[tilespmem:s28], [sflag:$0x1] =	stream.indirect_vreg.gather [hbm4b:s3+s2], $0x80, v4, vm0, $0xb8;
	[tilespmem:$0xC400] =	vst v63  }
0xab: {  	s29 =	simm.s32 $0x9C00;
	v3 =	vadd.s32 v1, v3  }
0xac: {  	[tilespmem:s29], [sflag:$0x1] =	stream.indirect_vreg.gather [hbm4b:s4+s2], $0x80, v4, vm0, $0xb8;
	[tilespmem:$0xC400] =	vst v63  }
0xad: {  	s30 =	simm.s32 $0xA400  }
0xae: {  	[tilespmem:s30], [sflag:$0x1] =	stream.indirect_vreg.gather [hbm4b:s5+s2], $0x80, v4, vm0, $0xb8;
	[tilespmem:$0xC400] =	vst v63  }
0xaf: {  	s31 =	simm.s32 $0xAC00  }
0xb0: {  	[tilespmem:s31], [sflag:$0x1] =	stream.indirect_vreg.gather [hbm4b:s3+s2], $0x80, v3, vm0, $0xb8;
	[tilespmem:$0xC400] =	vst v63  }
0xb1: {  	s9 =	simm.s32 $0xB400  }
0xb2: {  	[tilespmem:s9], [sflag:$0x1] =	stream.indirect_vreg.gather [hbm4b:s4+s2], $0x80, v3, vm0, $0xb8;
	[tilespmem:$0xC400] =	vst v63  }
0xb3: {  	s10 =	simm.s32 $0xBC00  }
0xb4: {  	[tilespmem:s10], [sflag:$0x1] =	stream.indirect_vreg.gather [hbm4b:s5+s2], $0x80, v3, vm0, $0xb8;
	[tilespmem:$0xC400] =	vst v63  }
0xb5: {  	_ =	swait.ge [sflag:s0], $0xC000  }
0xb6: {  	[sflag:s0] =	ssyncset.done $0x0  }
0xb7: {  	s9 =	rddreg [dreg:$0x4];
	[sflag:s0] =	ssyncadd.s32 $0xFFFF4000  }
0xb8: {  	[hbm4b:s9+s2] =	stream.linear.scatter [tilespmem:s8], [sflag:$0x2], $0xC000, $0x38;
	[tilespmem:$0xC400] =	vst v63  }
0xb9: {  	_ =	swait.ge [sflag:s7], $0xC000  }
0xba: {  	[sflag:s7] =	ssyncset.done $0x0  }
0xbb: {  	[sflag:s7] =	ssyncadd.s32 $0xFFFF4000  }
0xbc: {  	v3 =	vld [tilespmem:$0x100];
	_ =	sdelay $0x4  }
0xbd: {  	v40 =	vshrl.u32 v3, $0x3  }
0xbe: {  	v4 =	vmul.u32 $0x30, v40  }
0xbf: {  	v3 =	vand.u32 $0x7, v3  }
0xc0: {  	v3 =	vor.u32 v3, v4  }
0xc1: {  	v4 =	vperm.xlane v3, v0;
	_ =	sdelay $0x1  }
0xc2: {  	v4 =	vadd.s32 v1, v4;
	_ =	sdelay $0x3  }
0xc3: {  	v3 =	vperm.xlane v3, v2  }
0xc4: {  	[tilespmem:s8], [sflag:$0x1] =	stream.indirect_vreg.gather [hbm4b:s3+s2], $0x80, v4, vm0, $0xb8;
	[tilespmem:$0xC400] =	vst v63  }
0xc5: {  	v3 =	vadd.s32 v1, v3  }
0xc6: {  	[tilespmem:s1], [sflag:$0x1] =	stream.indirect_vreg.gather [hbm4b:s4+s2], $0x80, v4, vm0, $0xb8;
	[tilespmem:$0xC400] =	vst v63  }
0xc7: {  	_ = 	snop  }
0xc8: {  	[tilespmem:s6], [sflag:$0x1] =	stream.indirect_vreg.gather [hbm4b:s5+s2], $0x80, v4, vm0, $0xb8;
	[tilespmem:$0xC400] =	vst v63  }
0xc9: {  	_ = 	snop  }
0xca: {  	[tilespmem:s12], [sflag:$0x1] =	stream.indirect_vreg.gather [hbm4b:s3+s2], $0x80, v3, vm0, $0xb8;
	[tilespmem:$0xC400] =	vst v63  }
0xcb: {  	_ = 	snop  }
0xcc: {  	[tilespmem:s13], [sflag:$0x1] =	stream.indirect_vreg.gather [hbm4b:s4+s2], $0x80, v3, vm0, $0xb8;
	[tilespmem:$0xC400] =	vst v63  }
0xcd: {  	_ = 	snop  }
0xce: {  	[tilespmem:s14], [sflag:$0x1] =	stream.indirect_vreg.gather [hbm4b:s5+s2], $0x80, v3, vm0, $0xb8;
	[tilespmem:$0xC400] =	vst v63  }
0xcf: {  	v3 =	vld [tilespmem:$0x110];
	_ =	sdelay $0x4  }
0xd0: {  	v41 =	vshrl.u32 v3, $0x3  }
0xd1: {  	v4 =	vmul.u32 $0x30, v41  }
0xd2: {  	v3 =	vand.u32 $0x7, v3  }
0xd3: {  	v3 =	vor.u32 v3, v4  }
0xd4: {  	v4 =	vperm.xlane v3, v0;
	_ =	sdelay $0x1  }
0xd5: {  	v4 =	vadd.s32 v1, v4;
	_ =	sdelay $0x3  }
0xd6: {  	v3 =	vperm.xlane v3, v2  }
0xd7: {  	[tilespmem:s15], [sflag:$0x1] =	stream.indirect_vreg.gather [hbm4b:s3+s2], $0x80, v4, vm0, $0xb8;
	[tilespmem:$0xC400] =	vst v63  }
0xd8: {  	v3 =	vadd.s32 v1, v3  }
0xd9: {  	[tilespmem:s16], [sflag:$0x1] =	stream.indirect_vreg.gather [hbm4b:s4+s2], $0x80, v4, vm0, $0xb8;
	[tilespmem:$0xC400] =	vst v63  }
0xda: {  	_ = 	snop  }
0xdb: {  	[tilespmem:s17], [sflag:$0x1] =	stream.indirect_vreg.gather [hbm4b:s5+s2], $0x80, v4, vm0, $0xb8;
	[tilespmem:$0xC400] =	vst v63  }
0xdc: {  	_ = 	snop  }
0xdd: {  	[tilespmem:s18], [sflag:$0x1] =	stream.indirect_vreg.gather [hbm4b:s3+s2], $0x80, v3, vm0, $0xb8;
	[tilespmem:$0xC400] =	vst v63  }
0xde: {  	_ = 	snop  }
0xdf: {  	[tilespmem:s19], [sflag:$0x1] =	stream.indirect_vreg.gather [hbm4b:s4+s2], $0x80, v3, vm0, $0xb8;
	[tilespmem:$0xC400] =	vst v63  }
0xe0: {  	_ = 	snop  }
0xe1: {  	[tilespmem:s20], [sflag:$0x1] =	stream.indirect_vreg.gather [hbm4b:s5+s2], $0x80, v3, vm0, $0xb8;
	[tilespmem:$0xC400] =	vst v63  }
0xe2: {  	v3 =	vld [tilespmem:$0x120];
	_ =	sdelay $0x4  }
0xe3: {  	v42 =	vshrl.u32 v3, $0x3  }
0xe4: {  	v4 =	vmul.u32 $0x30, v42  }
0xe5: {  	v3 =	vand.u32 $0x7, v3  }
0xe6: {  	v3 =	vor.u32 v3, v4  }
0xe7: {  	v4 =	vperm.xlane v3, v0;
	_ =	sdelay $0x1  }
0xe8: {  	v4 =	vadd.s32 v1, v4;
	_ =	sdelay $0x3  }
0xe9: {  	v3 =	vperm.xlane v3, v2  }
0xea: {  	[tilespmem:s21], [sflag:$0x1] =	stream.indirect_vreg.gather [hbm4b:s3+s2], $0x80, v4, vm0, $0xb8;
	[tilespmem:$0xC400] =	vst v63  }
0xeb: {  	v3 =	vadd.s32 v1, v3  }
0xec: {  	[tilespmem:s22], [sflag:$0x1] =	stream.indirect_vreg.gather [hbm4b:s4+s2], $0x80, v4, vm0, $0xb8;
	[tilespmem:$0xC400] =	vst v63  }
0xed: {  	_ = 	snop  }
0xee: {  	[tilespmem:s23], [sflag:$0x1] =	stream.indirect_vreg.gather [hbm4b:s5+s2], $0x80, v4, vm0, $0xb8;
	[tilespmem:$0xC400] =	vst v63  }
0xef: {  	_ = 	snop  }
0xf0: {  	[tilespmem:s24], [sflag:$0x1] =	stream.indirect_vreg.gather [hbm4b:s3+s2], $0x80, v3, vm0, $0xb8;
	[tilespmem:$0xC400] =	vst v63  }
0xf1: {  	_ = 	snop  }
0xf2: {  	[tilespmem:s25], [sflag:$0x1] =	stream.indirect_vreg.gather [hbm4b:s4+s2], $0x80, v3, vm0, $0xb8;
	[tilespmem:$0xC400] =	vst v63  }
0xf3: {  	_ = 	snop  }
0xf4: {  	[tilespmem:s26], [sflag:$0x1] =	stream.indirect_vreg.gather [hbm4b:s5+s2], $0x80, v3, vm0, $0xb8;
	[tilespmem:$0xC400] =	vst v63  }
0xf5: {  	v3 =	vld [tilespmem:$0x130];
	_ =	sdelay $0x4  }
0xf6: {  	v43 =	vshrl.u32 v3, $0x3  }
0xf7: {  	v4 =	vmul.u32 $0x30, v43  }
0xf8: {  	v3 =	vand.u32 $0x7, v3  }
0xf9: {  	v3 =	vor.u32 v3, v4  }
0xfa: {  	v4 =	vperm.xlane v3, v0;
	_ =	sdelay $0x1  }
0xfb: {  	v4 =	vadd.s32 v1, v4;
	_ =	sdelay $0x3  }
0xfc: {  	v3 =	vperm.xlane v3, v2  }
0xfd: {  	[tilespmem:s28], [sflag:$0x1] =	stream.indirect_vreg.gather [hbm4b:s3+s2], $0x80, v4, vm0, $0xb8;
	[tilespmem:$0xC400] =	vst v63  }
0xfe: {  	v3 =	vadd.s32 v1, v3  }
0xff: {  	[tilespmem:s29], [sflag:$0x1] =	stream.indirect_vreg.gather [hbm4b:s4+s2], $0x80, v4, vm0, $0xb8;
	[tilespmem:$0xC400] =	vst v63  }
0x100: {  	_ = 	snop  }
0x101: {  	[tilespmem:s30], [sflag:$0x1] =	stream.indirect_vreg.gather [hbm4b:s5+s2], $0x80, v4, vm0, $0xb8;
	[tilespmem:$0xC400] =	vst v63  }
0x102: {  	_ = 	snop  }
0x103: {  	[tilespmem:s31], [sflag:$0x1] =	stream.indirect_vreg.gather [hbm4b:s3+s2], $0x80, v3, vm0, $0xb8;
	[tilespmem:$0xC400] =	vst v63  }
0x104: {  	s31 =	simm.s32 $0xB400  }
0x105: {  	[tilespmem:s31], [sflag:$0x1] =	stream.indirect_vreg.gather [hbm4b:s4+s2], $0x80, v3, vm0, $0xb8;
	[tilespmem:$0xC400] =	vst v63  }
0x106: {  	s10 =	simm.s32 $0xBC00  }
0x107: {  	[tilespmem:s10], [sflag:$0x1] =	stream.indirect_vreg.gather [hbm4b:s5+s2], $0x80, v3, vm0, $0xb8;
	[tilespmem:$0xC400] =	vst v63  }
0x108: {  	_ =	swait.ge [sflag:s0], $0xC000  }
0x109: {  	[sflag:s0] =	ssyncset.done $0x0  }
0x10a: {  	s9 =	rddreg [dreg:$0x5];
	[sflag:s0] =	ssyncadd.s32 $0xFFFF4000  }
0x10b: {  	[hbm4b:s9+s2] =	stream.linear.scatter [tilespmem:s8], [sflag:$0x2], $0xC000, $0x38;
	[tilespmem:$0xC400] =	vst v63  }
0x10c: {  	_ =	swait.ge [sflag:s7], $0xC000  }
0x10d: {  	[sflag:s7] =	ssyncset.done $0x0  }
0x10e: {  	[sflag:s7] =	ssyncadd.s32 $0xFFFF4000  }
0x10f: {  	v3 =	vld [tilespmem:$0x180];
	_ =	sdelay $0x4  }
0x110: {  	v44 =	vshrl.u32 v3, $0x3  }
0x111: {  	v4 =	vmul.u32 $0x30, v44  }
0x112: {  	v3 =	vand.u32 $0x7, v3  }
0x113: {  	v3 =	vor.u32 v3, v4  }
0x114: {  	v4 =	vperm.xlane v3, v0;
	_ =	sdelay $0x1  }
0x115: {  	v4 =	vadd.s32 v1, v4;
	_ =	sdelay $0x3  }
0x116: {  	v3 =	vperm.xlane v3, v2  }
0x117: {  	[tilespmem:s8], [sflag:$0x1] =	stream.indirect_vreg.gather [hbm4b:s3+s2], $0x80, v4, vm0, $0xb8;
	[tilespmem:$0xC400] =	vst v63  }
0x118: {  	s9 =	simm.s32 $0xC00;
	v3 =	vadd.s32 v1, v3  }
0x119: {  	[tilespmem:s9], [sflag:$0x1] =	stream.indirect_vreg.gather [hbm4b:s4+s2], $0x80, v4, vm0, $0xb8;
	[tilespmem:$0xC400] =	vst v63  }
0x11a: {  	s1 =	simm.s32 $0x1400  }
0x11b: {  	[tilespmem:s1], [sflag:$0x1] =	stream.indirect_vreg.gather [hbm4b:s5+s2], $0x80, v4, vm0, $0xb8;
	[tilespmem:$0xC400] =	vst v63  }
0x11c: {  	s6 =	simm.s32 $0x1C00  }
0x11d: {  	[tilespmem:s6], [sflag:$0x1] =	stream.indirect_vreg.gather [hbm4b:s3+s2], $0x80, v3, vm0, $0xb8;
	[tilespmem:$0xC400] =	vst v63  }
0x11e: {  	s12 =	simm.s32 $0x2400  }
0x11f: {  	[tilespmem:s12], [sflag:$0x1] =	stream.indirect_vreg.gather [hbm4b:s4+s2], $0x80, v3, vm0, $0xb8;
	[tilespmem:$0xC400] =	vst v63  }
0x120: {  	s13 =	simm.s32 $0x2C00  }
0x121: {  	[tilespmem:s13], [sflag:$0x1] =	stream.indirect_vreg.gather [hbm4b:s5+s2], $0x80, v3, vm0, $0xb8;
	[tilespmem:$0xC400] =	vst v63  }
0x122: {  	v3 =	vld [tilespmem:$0x190];
	_ =	sdelay $0x4  }
0x123: {  	v45 =	vshrl.u32 v3, $0x3  }
0x124: {  	v4 =	vmul.u32 $0x30, v45  }
0x125: {  	v3 =	vand.u32 $0x7, v3  }
0x126: {  	v3 =	vor.u32 v3, v4  }
0x127: {  	v4 =	vperm.xlane v3, v0;
	_ =	sdelay $0x1  }
0x128: {  	v4 =	vadd.s32 v1, v4;
	_ =	sdelay $0x3  }
0x129: {  	s14 =	simm.s32 $0x3400;
	v3 =	vperm.xlane v3, v2  }
0x12a: {  	[tilespmem:s14], [sflag:$0x1] =	stream.indirect_vreg.gather [hbm4b:s3+s2], $0x80, v4, vm0, $0xb8;
	[tilespmem:$0xC400] =	vst v63  }
0x12b: {  	s15 =	simm.s32 $0x3C00;
	v3 =	vadd.s32 v1, v3  }
0x12c: {  	[tilespmem:s15], [sflag:$0x1] =	stream.indirect_vreg.gather [hbm4b:s4+s2], $0x80, v4, vm0, $0xb8;
	[tilespmem:$0xC400] =	vst v63  }
0x12d: {  	s16 =	simm.s32 $0x4400  }
0x12e: {  	[tilespmem:s16], [sflag:$0x1] =	stream.indirect_vreg.gather [hbm4b:s5+s2], $0x80, v4, vm0, $0xb8;
	[tilespmem:$0xC400] =	vst v63  }
0x12f: {  	s17 =	simm.s32 $0x4C00  }
0x130: {  	[tilespmem:s17], [sflag:$0x1] =	stream.indirect_vreg.gather [hbm4b:s3+s2], $0x80, v3, vm0, $0xb8;
	[tilespmem:$0xC400] =	vst v63  }
0x131: {  	s18 =	simm.s32 $0x5400  }
0x132: {  	[tilespmem:s18], [sflag:$0x1] =	stream.indirect_vreg.gather [hbm4b:s4+s2], $0x80, v3, vm0, $0xb8;
	[tilespmem:$0xC400] =	vst v63  }
0x133: {  	s19 =	simm.s32 $0x5C00  }
0x134: {  	[tilespmem:s19], [sflag:$0x1] =	stream.indirect_vreg.gather [hbm4b:s5+s2], $0x80, v3, vm0, $0xb8;
	[tilespmem:$0xC400] =	vst v63  }
0x135: {  	v3 =	vld [tilespmem:$0x1A0];
	_ =	sdelay $0x4  }
0x136: {  	v46 =	vshrl.u32 v3, $0x3  }
0x137: {  	v4 =	vmul.u32 $0x30, v46  }
0x138: {  	v3 =	vand.u32 $0x7, v3  }
0x139: {  	v3 =	vor.u32 v3, v4  }
0x13a: {  	v4 =	vperm.xlane v3, v0;
	_ =	sdelay $0x1  }
0x13b: {  	v4 =	vadd.s32 v1, v4;
	_ =	sdelay $0x3  }
0x13c: {  	s20 =	simm.s32 $0x6400;
	v3 =	vperm.xlane v3, v2  }
0x13d: {  	[tilespmem:s20], [sflag:$0x1] =	stream.indirect_vreg.gather [hbm4b:s3+s2], $0x80, v4, vm0, $0xb8;
	[tilespmem:$0xC400] =	vst v63  }
0x13e: {  	s21 =	simm.s32 $0x6C00;
	v3 =	vadd.s32 v1, v3  }
0x13f: {  	[tilespmem:s21], [sflag:$0x1] =	stream.indirect_vreg.gather [hbm4b:s4+s2], $0x80, v4, vm0, $0xb8;
	[tilespmem:$0xC400] =	vst v63  }
0x140: {  	s22 =	simm.s32 $0x7400  }
0x141: {  	[tilespmem:s22], [sflag:$0x1] =	stream.indirect_vreg.gather [hbm4b:s5+s2], $0x80, v4, vm0, $0xb8;
	[tilespmem:$0xC400] =	vst v63  }
0x142: {  	s23 =	simm.s32 $0x7C00  }
0x143: {  	[tilespmem:s23], [sflag:$0x1] =	stream.indirect_vreg.gather [hbm4b:s3+s2], $0x80, v3, vm0, $0xb8;
	[tilespmem:$0xC400] =	vst v63  }
0x144: {  	s24 =	simm.s32 $0x8400  }
0x145: {  	[tilespmem:s24], [sflag:$0x1] =	stream.indirect_vreg.gather [hbm4b:s4+s2], $0x80, v3, vm0, $0xb8;
	[tilespmem:$0xC400] =	vst v63  }
0x146: {  	s25 =	simm.s32 $0x8C00  }
0x147: {  	[tilespmem:s25], [sflag:$0x1] =	stream.indirect_vreg.gather [hbm4b:s5+s2], $0x80, v3, vm0, $0xb8;
	[tilespmem:$0xC400] =	vst v63  }
0x148: {  	v3 =	vld [tilespmem:$0x1B0];
	_ =	sdelay $0x4  }
0x149: {  	v47 =	vshrl.u32 v3, $0x3  }
0x14a: {  	v4 =	vmul.u32 $0x30, v47  }
0x14b: {  	v3 =	vand.u32 $0x7, v3  }
0x14c: {  	v3 =	vor.u32 v3, v4  }
0x14d: {  	v4 =	vperm.xlane v3, v0;
	_ =	sdelay $0x1  }
0x14e: {  	v4 =	vadd.s32 v1, v4;
	_ =	sdelay $0x3  }
0x14f: {  	s26 =	simm.s32 $0x9400;
	v3 =	vperm.xlane v3, v2  }
0x150: {  	[tilespmem:s26], [sflag:$0x1] =	stream.indirect_vreg.gather [hbm4b:s3+s2], $0x80, v4, vm0, $0xb8;
	[tilespmem:$0xC400] =	vst v63  }
0x151: {  	s28 =	simm.s32 $0x9C00;
	v3 =	vadd.s32 v1, v3  }
0x152: {  	[tilespmem:s28], [sflag:$0x1] =	stream.indirect_vreg.gather [hbm4b:s4+s2], $0x80, v4, vm0, $0xb8;
	[tilespmem:$0xC400] =	vst v63  }
0x153: {  	s29 =	simm.s32 $0xA400  }
0x154: {  	[tilespmem:s29], [sflag:$0x1] =	stream.indirect_vreg.gather [hbm4b:s5+s2], $0x80, v4, vm0, $0xb8;
	[tilespmem:$0xC400] =	vst v63  }
0x155: {  	s30 =	simm.s32 $0xAC00  }
0x156: {  	[tilespmem:s30], [sflag:$0x1] =	stream.indirect_vreg.gather [hbm4b:s3+s2], $0x80, v3, vm0, $0xb8;
	[tilespmem:$0xC400] =	vst v63  }
0x157: {  	s31 =	simm.s32 $0xB400  }
0x158: {  	[tilespmem:s31], [sflag:$0x1] =	stream.indirect_vreg.gather [hbm4b:s4+s2], $0x80, v3, vm0, $0xb8;
	[tilespmem:$0xC400] =	vst v63  }
0x159: {  	s10 =	simm.s32 $0xBC00  }
0x15a: {  	[tilespmem:s10], [sflag:$0x1] =	stream.indirect_vreg.gather [hbm4b:s5+s2], $0x80, v3, vm0, $0xb8;
	[tilespmem:$0xC400] =	vst v63  }
0x15b: {  	_ =	swait.ge [sflag:s0], $0xC000  }
0x15c: {  	[sflag:s0] =	ssyncset.done $0x0  }
0x15d: {  	s9 =	rddreg [dreg:$0x6];
	[sflag:s0] =	ssyncadd.s32 $0xFFFF4000  }
0x15e: {  	[hbm4b:s9+s2] =	stream.linear.scatter [tilespmem:s8], [sflag:$0x2], $0xC000, $0x38;
	[tilespmem:$0xC400] =	vst v63  }
0x15f: {  	_ =	swait.ge [sflag:s7], $0xC000  }
0x160: {  	[sflag:s7] =	ssyncset.done $0x0  }
0x161: {  	[sflag:s7] =	ssyncadd.s32 $0xFFFF4000  }
0x162: {  	v3 =	vld [tilespmem:$0x200];
	_ =	sdelay $0x4  }
0x163: {  	v48 =	vshrl.u32 v3, $0x3  }
0x164: {  	v4 =	vmul.u32 $0x30, v48  }
0x165: {  	v3 =	vand.u32 $0x7, v3  }
0x166: {  	v3 =	vor.u32 v3, v4  }
0x167: {  	v4 =	vperm.xlane v3, v0;
	_ =	sdelay $0x1  }
0x168: {  	v4 =	vadd.s32 v1, v4;
	_ =	sdelay $0x3  }
0x169: {  	v3 =	vperm.xlane v3, v2  }
0x16a: {  	[tilespmem:s8], [sflag:$0x1] =	stream.indirect_vreg.gather [hbm4b:s3+s2], $0x80, v4, vm0, $0xb8;
	[tilespmem:$0xC400] =	vst v63  }
0x16b: {  	s9 =	simm.s32 $0xC00;
	v3 =	vadd.s32 v1, v3  }
0x16c: {  	[tilespmem:s9], [sflag:$0x1] =	stream.indirect_vreg.gather [hbm4b:s4+s2], $0x80, v4, vm0, $0xb8;
	[tilespmem:$0xC400] =	vst v63  }
0x16d: {  	s1 =	simm.s32 $0x1400  }
0x16e: {  	[tilespmem:s1], [sflag:$0x1] =	stream.indirect_vreg.gather [hbm4b:s5+s2], $0x80, v4, vm0, $0xb8;
	[tilespmem:$0xC400] =	vst v63  }
0x16f: {  	s6 =	simm.s32 $0x1C00  }
0x170: {  	[tilespmem:s6], [sflag:$0x1] =	stream.indirect_vreg.gather [hbm4b:s3+s2], $0x80, v3, vm0, $0xb8;
	[tilespmem:$0xC400] =	vst v63  }
0x171: {  	s12 =	simm.s32 $0x2400  }
0x172: {  	[tilespmem:s12], [sflag:$0x1] =	stream.indirect_vreg.gather [hbm4b:s4+s2], $0x80, v3, vm0, $0xb8;
	[tilespmem:$0xC400] =	vst v63  }
0x173: {  	s13 =	simm.s32 $0x2C00  }
0x174: {  	[tilespmem:s13], [sflag:$0x1] =	stream.indirect_vreg.gather [hbm4b:s5+s2], $0x80, v3, vm0, $0xb8;
	[tilespmem:$0xC400] =	vst v63  }
0x175: {  	v3 =	vld [tilespmem:$0x210];
	_ =	sdelay $0x4  }
0x176: {  	v49 =	vshrl.u32 v3, $0x3  }
0x177: {  	v4 =	vmul.u32 $0x30, v49  }
0x178: {  	v3 =	vand.u32 $0x7, v3  }
0x179: {  	v3 =	vor.u32 v3, v4  }
0x17a: {  	v4 =	vperm.xlane v3, v0;
	_ =	sdelay $0x1  }
0x17b: {  	v4 =	vadd.s32 v1, v4;
	_ =	sdelay $0x3  }
0x17c: {  	s14 =	simm.s32 $0x3400;
	v3 =	vperm.xlane v3, v2  }
0x17d: {  	[tilespmem:s14], [sflag:$0x1] =	stream.indirect_vreg.gather [hbm4b:s3+s2], $0x80, v4, vm0, $0xb8;
	[tilespmem:$0xC400] =	vst v63  }
0x17e: {  	s15 =	simm.s32 $0x3C00;
	v3 =	vadd.s32 v1, v3  }
0x17f: {  	[tilespmem:s15], [sflag:$0x1] =	stream.indirect_vreg.gather [hbm4b:s4+s2], $0x80, v4, vm0, $0xb8;
	[tilespmem:$0xC400] =	vst v63  }
0x180: {  	s16 =	simm.s32 $0x4400  }
0x181: {  	[tilespmem:s16], [sflag:$0x1] =	stream.indirect_vreg.gather [hbm4b:s5+s2], $0x80, v4, vm0, $0xb8;
	[tilespmem:$0xC400] =	vst v63  }
0x182: {  	s17 =	simm.s32 $0x4C00  }
0x183: {  	[tilespmem:s17], [sflag:$0x1] =	stream.indirect_vreg.gather [hbm4b:s3+s2], $0x80, v3, vm0, $0xb8;
	[tilespmem:$0xC400] =	vst v63  }
0x184: {  	s18 =	simm.s32 $0x5400  }
0x185: {  	[tilespmem:s18], [sflag:$0x1] =	stream.indirect_vreg.gather [hbm4b:s4+s2], $0x80, v3, vm0, $0xb8;
	[tilespmem:$0xC400] =	vst v63  }
0x186: {  	s19 =	simm.s32 $0x5C00  }
0x187: {  	[tilespmem:s19], [sflag:$0x1] =	stream.indirect_vreg.gather [hbm4b:s5+s2], $0x80, v3, vm0, $0xb8;
	[tilespmem:$0xC400] =	vst v63  }
0x188: {  	v3 =	vld [tilespmem:$0x220];
	_ =	sdelay $0x4  }
0x189: {  	v50 =	vshrl.u32 v3, $0x3  }
0x18a: {  	v4 =	vmul.u32 $0x30, v50  }
0x18b: {  	v3 =	vand.u32 $0x7, v3  }
0x18c: {  	v3 =	vor.u32 v3, v4  }
0x18d: {  	v4 =	vperm.xlane v3, v0;
	_ =	sdelay $0x1  }
0x18e: {  	v4 =	vadd.s32 v1, v4;
	_ =	sdelay $0x3  }
0x18f: {  	s20 =	simm.s32 $0x6400;
	v3 =	vperm.xlane v3, v2  }
0x190: {  	[tilespmem:s20], [sflag:$0x1] =	stream.indirect_vreg.gather [hbm4b:s3+s2], $0x80, v4, vm0, $0xb8;
	[tilespmem:$0xC400] =	vst v63  }
0x191: {  	s21 =	simm.s32 $0x6C00;
	v3 =	vadd.s32 v1, v3  }
0x192: {  	[tilespmem:s21], [sflag:$0x1] =	stream.indirect_vreg.gather [hbm4b:s4+s2], $0x80, v4, vm0, $0xb8;
	[tilespmem:$0xC400] =	vst v63  }
0x193: {  	s22 =	simm.s32 $0x7400  }
0x194: {  	[tilespmem:s22], [sflag:$0x1] =	stream.indirect_vreg.gather [hbm4b:s5+s2], $0x80, v4, vm0, $0xb8;
	[tilespmem:$0xC400] =	vst v63  }
0x195: {  	s23 =	simm.s32 $0x7C00  }
0x196: {  	[tilespmem:s23], [sflag:$0x1] =	stream.indirect_vreg.gather [hbm4b:s3+s2], $0x80, v3, vm0, $0xb8;
	[tilespmem:$0xC400] =	vst v63  }
0x197: {  	s24 =	simm.s32 $0x8400  }
0x198: {  	[tilespmem:s24], [sflag:$0x1] =	stream.indirect_vreg.gather [hbm4b:s4+s2], $0x80, v3, vm0, $0xb8;
	[tilespmem:$0xC400] =	vst v63  }
0x199: {  	s25 =	simm.s32 $0x8C00  }
0x19a: {  	[tilespmem:s25], [sflag:$0x1] =	stream.indirect_vreg.gather [hbm4b:s5+s2], $0x80, v3, vm0, $0xb8;
	[tilespmem:$0xC400] =	vst v63  }
0x19b: {  	v3 =	vld [tilespmem:$0x230];
	_ =	sdelay $0x4  }
0x19c: {  	v51 =	vshrl.u32 v3, $0x3  }
0x19d: {  	v4 =	vmul.u32 $0x30, v51  }
0x19e: {  	v3 =	vand.u32 $0x7, v3  }
0x19f: {  	v3 =	vor.u32 v3, v4  }
0x1a0: {  	v4 =	vperm.xlane v3, v0;
	_ =	sdelay $0x1  }
0x1a1: {  	v4 =	vadd.s32 v1, v4;
	_ =	sdelay $0x3  }
0x1a2: {  	s26 =	simm.s32 $0x9400;
	v3 =	vperm.xlane v3, v2  }
0x1a3: {  	[tilespmem:s26], [sflag:$0x1] =	stream.indirect_vreg.gather [hbm4b:s3+s2], $0x80, v4, vm0, $0xb8;
	[tilespmem:$0xC400] =	vst v63  }
0x1a4: {  	s28 =	simm.s32 $0x9C00;
	v3 =	vadd.s32 v1, v3  }
0x1a5: {  	[tilespmem:s28], [sflag:$0x1] =	stream.indirect_vreg.gather [hbm4b:s4+s2], $0x80, v4, vm0, $0xb8;
	[tilespmem:$0xC400] =	vst v63  }
0x1a6: {  	s29 =	simm.s32 $0xA400  }
0x1a7: {  	[tilespmem:s29], [sflag:$0x1] =	stream.indirect_vreg.gather [hbm4b:s5+s2], $0x80, v4, vm0, $0xb8;
	[tilespmem:$0xC400] =	vst v63  }
0x1a8: {  	s30 =	simm.s32 $0xAC00  }
0x1a9: {  	[tilespmem:s30], [sflag:$0x1] =	stream.indirect_vreg.gather [hbm4b:s3+s2], $0x80, v3, vm0, $0xb8;
	[tilespmem:$0xC400] =	vst v63  }
0x1aa: {  	s31 =	simm.s32 $0xB400  }
0x1ab: {  	[tilespmem:s31], [sflag:$0x1] =	stream.indirect_vreg.gather [hbm4b:s4+s2], $0x80, v3, vm0, $0xb8;
	[tilespmem:$0xC400] =	vst v63  }
0x1ac: {  	s10 =	simm.s32 $0xBC00  }
0x1ad: {  	[tilespmem:s10], [sflag:$0x1] =	stream.indirect_vreg.gather [hbm4b:s5+s2], $0x80, v3, vm0, $0xb8;
	[tilespmem:$0xC400] =	vst v63  }
0x1ae: {  	_ =	swait.ge [sflag:s0], $0xC000  }
0x1af: {  	[sflag:s0] =	ssyncset.done $0x0  }
0x1b0: {  	s9 =	rddreg [dreg:$0x7];
	[sflag:s0] =	ssyncadd.s32 $0xFFFF4000  }
0x1b1: {  	[hbm4b:s9+s2] =	stream.linear.scatter [tilespmem:s8], [sflag:$0x2], $0xC000, $0x38;
	[tilespmem:$0xC400] =	vst v63  }
0x1b2: {  	_ =	swait.ge [sflag:s7], $0xC000  }
0x1b3: {  	[sflag:s7] =	ssyncset.done $0x0  }
0x1b4: {  	[sflag:s7] =	ssyncadd.s32 $0xFFFF4000  }
0x1b5: {  	v3 =	vld [tilespmem:$0x280];
	_ =	sdelay $0x4  }
0x1b6: {  	v52 =	vshrl.u32 v3, $0x3  }
0x1b7: {  	v4 =	vmul.u32 $0x30, v52  }
0x1b8: {  	v3 =	vand.u32 $0x7, v3  }
0x1b9: {  	v3 =	vor.u32 v3, v4  }
0x1ba: {  	v4 =	vperm.xlane v3, v0;
	_ =	sdelay $0x1  }
0x1bb: {  	v4 =	vadd.s32 v1, v4;
	_ =	sdelay $0x3  }
0x1bc: {  	v3 =	vperm.xlane v3, v2  }
0x1bd: {  	[tilespmem:s8], [sflag:$0x1] =	stream.indirect_vreg.gather [hbm4b:s3+s2], $0x80, v4, vm0, $0xb8;
	[tilespmem:$0xC400] =	vst v63  }
0x1be: {  	s9 =	simm.s32 $0xC00;
	v3 =	vadd.s32 v1, v3  }
0x1bf: {  	[tilespmem:s9], [sflag:$0x1] =	stream.indirect_vreg.gather [hbm4b:s4+s2], $0x80, v4, vm0, $0xb8;
	[tilespmem:$0xC400] =	vst v63  }
0x1c0: {  	s1 =	simm.s32 $0x1400  }
0x1c1: {  	[tilespmem:s1], [sflag:$0x1] =	stream.indirect_vreg.gather [hbm4b:s5+s2], $0x80, v4, vm0, $0xb8;
	[tilespmem:$0xC400] =	vst v63  }
0x1c2: {  	s6 =	simm.s32 $0x1C00  }
0x1c3: {  	[tilespmem:s6], [sflag:$0x1] =	stream.indirect_vreg.gather [hbm4b:s3+s2], $0x80, v3, vm0, $0xb8;
	[tilespmem:$0xC400] =	vst v63  }
0x1c4: {  	s12 =	simm.s32 $0x2400  }
0x1c5: {  	[tilespmem:s12], [sflag:$0x1] =	stream.indirect_vreg.gather [hbm4b:s4+s2], $0x80, v3, vm0, $0xb8;
	[tilespmem:$0xC400] =	vst v63  }
0x1c6: {  	s13 =	simm.s32 $0x2C00  }
0x1c7: {  	[tilespmem:s13], [sflag:$0x1] =	stream.indirect_vreg.gather [hbm4b:s5+s2], $0x80, v3, vm0, $0xb8;
	[tilespmem:$0xC400] =	vst v63  }
0x1c8: {  	v3 =	vld [tilespmem:$0x290];
	_ =	sdelay $0x4  }
0x1c9: {  	v53 =	vshrl.u32 v3, $0x3  }
0x1ca: {  	v4 =	vmul.u32 $0x30, v53  }
0x1cb: {  	v3 =	vand.u32 $0x7, v3  }
0x1cc: {  	v3 =	vor.u32 v3, v4  }
0x1cd: {  	v4 =	vperm.xlane v3, v0;
	_ =	sdelay $0x1  }
0x1ce: {  	v4 =	vadd.s32 v1, v4;
	_ =	sdelay $0x3  }
0x1cf: {  	s14 =	simm.s32 $0x3400;
	v3 =	vperm.xlane v3, v2  }
0x1d0: {  	[tilespmem:s14], [sflag:$0x1] =	stream.indirect_vreg.gather [hbm4b:s3+s2], $0x80, v4, vm0, $0xb8;
	[tilespmem:$0xC400] =	vst v63  }
0x1d1: {  	s15 =	simm.s32 $0x3C00;
	v3 =	vadd.s32 v1, v3  }
0x1d2: {  	[tilespmem:s15], [sflag:$0x1] =	stream.indirect_vreg.gather [hbm4b:s4+s2], $0x80, v4, vm0, $0xb8;
	[tilespmem:$0xC400] =	vst v63  }
0x1d3: {  	s16 =	simm.s32 $0x4400  }
0x1d4: {  	[tilespmem:s16], [sflag:$0x1] =	stream.indirect_vreg.gather [hbm4b:s5+s2], $0x80, v4, vm0, $0xb8;
	[tilespmem:$0xC400] =	vst v63  }
0x1d5: {  	s17 =	simm.s32 $0x4C00  }
0x1d6: {  	[tilespmem:s17], [sflag:$0x1] =	stream.indirect_vreg.gather [hbm4b:s3+s2], $0x80, v3, vm0, $0xb8;
	[tilespmem:$0xC400] =	vst v63  }
0x1d7: {  	s18 =	simm.s32 $0x5400  }
0x1d8: {  	[tilespmem:s18], [sflag:$0x1] =	stream.indirect_vreg.gather [hbm4b:s4+s2], $0x80, v3, vm0, $0xb8;
	[tilespmem:$0xC400] =	vst v63  }
0x1d9: {  	s19 =	simm.s32 $0x5C00  }
0x1da: {  	[tilespmem:s19], [sflag:$0x1] =	stream.indirect_vreg.gather [hbm4b:s5+s2], $0x80, v3, vm0, $0xb8;
	[tilespmem:$0xC400] =	vst v63  }
0x1db: {  	v3 =	vld [tilespmem:$0x2A0];
	_ =	sdelay $0x4  }
0x1dc: {  	v54 =	vshrl.u32 v3, $0x3  }
0x1dd: {  	v4 =	vmul.u32 $0x30, v54  }
0x1de: {  	v3 =	vand.u32 $0x7, v3  }
0x1df: {  	v3 =	vor.u32 v3, v4  }
0x1e0: {  	v4 =	vperm.xlane v3, v0;
	_ =	sdelay $0x1  }
0x1e1: {  	v4 =	vadd.s32 v1, v4;
	_ =	sdelay $0x3  }
0x1e2: {  	s20 =	simm.s32 $0x6400;
	v3 =	vperm.xlane v3, v2  }
0x1e3: {  	[tilespmem:s20], [sflag:$0x1] =	stream.indirect_vreg.gather [hbm4b:s3+s2], $0x80, v4, vm0, $0xb8;
	[tilespmem:$0xC400] =	vst v63  }
0x1e4: {  	s21 =	simm.s32 $0x6C00;
	v3 =	vadd.s32 v1, v3  }
0x1e5: {  	[tilespmem:s21], [sflag:$0x1] =	stream.indirect_vreg.gather [hbm4b:s4+s2], $0x80, v4, vm0, $0xb8;
	[tilespmem:$0xC400] =	vst v63  }
0x1e6: {  	s22 =	simm.s32 $0x7400  }
0x1e7: {  	[tilespmem:s22], [sflag:$0x1] =	stream.indirect_vreg.gather [hbm4b:s5+s2], $0x80, v4, vm0, $0xb8;
	[tilespmem:$0xC400] =	vst v63  }
0x1e8: {  	s23 =	simm.s32 $0x7C00  }
0x1e9: {  	[tilespmem:s23], [sflag:$0x1] =	stream.indirect_vreg.gather [hbm4b:s3+s2], $0x80, v3, vm0, $0xb8;
	[tilespmem:$0xC400] =	vst v63  }
0x1ea: {  	s24 =	simm.s32 $0x8400  }
0x1eb: {  	[tilespmem:s24], [sflag:$0x1] =	stream.indirect_vreg.gather [hbm4b:s4+s2], $0x80, v3, vm0, $0xb8;
	[tilespmem:$0xC400] =	vst v63  }
0x1ec: {  	s25 =	simm.s32 $0x8C00  }
0x1ed: {  	[tilespmem:s25], [sflag:$0x1] =	stream.indirect_vreg.gather [hbm4b:s5+s2], $0x80, v3, vm0, $0xb8;
	[tilespmem:$0xC400] =	vst v63  }
0x1ee: {  	v3 =	vld [tilespmem:$0x2B0];
	_ =	sdelay $0x4  }
0x1ef: {  	v55 =	vshrl.u32 v3, $0x3  }
0x1f0: {  	v4 =	vmul.u32 $0x30, v55  }
0x1f1: {  	v3 =	vand.u32 $0x7, v3  }
0x1f2: {  	v3 =	vor.u32 v3, v4  }
0x1f3: {  	v4 =	vperm.xlane v3, v0;
	_ =	sdelay $0x1  }
0x1f4: {  	v4 =	vadd.s32 v1, v4;
	_ =	sdelay $0x3  }
0x1f5: {  	s26 =	simm.s32 $0x9400;
	v3 =	vperm.xlane v3, v2  }
0x1f6: {  	[tilespmem:s26], [sflag:$0x1] =	stream.indirect_vreg.gather [hbm4b:s3+s2], $0x80, v4, vm0, $0xb8;
	[tilespmem:$0xC400] =	vst v63  }
0x1f7: {  	s28 =	simm.s32 $0x9C00;
	v3 =	vadd.s32 v1, v3  }
0x1f8: {  	[tilespmem:s28], [sflag:$0x1] =	stream.indirect_vreg.gather [hbm4b:s4+s2], $0x80, v4, vm0, $0xb8;
	[tilespmem:$0xC400] =	vst v63  }
0x1f9: {  	s29 =	simm.s32 $0xA400  }
0x1fa: {  	[tilespmem:s29], [sflag:$0x1] =	stream.indirect_vreg.gather [hbm4b:s5+s2], $0x80, v4, vm0, $0xb8;
	[tilespmem:$0xC400] =	vst v63  }
0x1fb: {  	s30 =	simm.s32 $0xAC00  }
0x1fc: {  	[tilespmem:s30], [sflag:$0x1] =	stream.indirect_vreg.gather [hbm4b:s3+s2], $0x80, v3, vm0, $0xb8;
	[tilespmem:$0xC400] =	vst v63  }
0x1fd: {  	s31 =	simm.s32 $0xB400  }
0x1fe: {  	[tilespmem:s31], [sflag:$0x1] =	stream.indirect_vreg.gather [hbm4b:s4+s2], $0x80, v3, vm0, $0xb8;
	[tilespmem:$0xC400] =	vst v63  }
0x1ff: {  	s10 =	simm.s32 $0xBC00  }
0x200: {  	[tilespmem:s10], [sflag:$0x1] =	stream.indirect_vreg.gather [hbm4b:s5+s2], $0x80, v3, vm0, $0xb8;
	[tilespmem:$0xC400] =	vst v63  }
0x201: {  	_ =	swait.ge [sflag:s0], $0xC000  }
0x202: {  	[sflag:s0] =	ssyncset.done $0x0  }
0x203: {  	s31 =	rddreg [dreg:$0x8];
	[sflag:s0] =	ssyncadd.s32 $0xFFFF4000  }
0x204: {  	[hbm4b:s31+s2] =	stream.linear.scatter [tilespmem:s8], [sflag:$0x2], $0xC000, $0x38;
	[tilespmem:$0xC400] =	vst v63  }
0x205: {  	_ =	swait.ge [sflag:s7], $0xC000  }
0x206: {  	[sflag:s7] =	ssyncset.done $0x0  }
0x207: {  	[sflag:s7] =	ssyncadd.s32 $0xFFFF4000  }
0x208: {  	v3 =	vld [tilespmem:$0x300];
	_ =	sdelay $0x4  }
0x209: {  	v56 =	vshrl.u32 v3, $0x3  }
0x20a: {  	v4 =	vmul.u32 $0x30, v56  }
0x20b: {  	v3 =	vand.u32 $0x7, v3  }
0x20c: {  	v3 =	vor.u32 v3, v4  }
0x20d: {  	v4 =	vperm.xlane v3, v0;
	_ =	sdelay $0x1  }
0x20e: {  	v4 =	vadd.s32 v1, v4;
	_ =	sdelay $0x3  }
0x20f: {  	v3 =	vperm.xlane v3, v2  }
0x210: {  	[tilespmem:s8], [sflag:$0x1] =	stream.indirect_vreg.gather [hbm4b:s3+s2], $0x80, v4, vm0, $0xb8;
	[tilespmem:$0xC400] =	vst v63  }
0x211: {  	s10 =	simm.s32 $0xC00;
	v3 =	vadd.s32 v1, v3  }
0x212: {  	[tilespmem:s10], [sflag:$0x1] =	stream.indirect_vreg.gather [hbm4b:s4+s2], $0x80, v4, vm0, $0xb8;
	[tilespmem:$0xC400] =	vst v63  }
0x213: {  	s1 =	simm.s32 $0x1400  }
0x214: {  	[tilespmem:s1], [sflag:$0x1] =	stream.indirect_vreg.gather [hbm4b:s5+s2], $0x80, v4, vm0, $0xb8;
	[tilespmem:$0xC400] =	vst v63  }
0x215: {  	s6 =	simm.s32 $0x1C00  }
0x216: {  	[tilespmem:s6], [sflag:$0x1] =	stream.indirect_vreg.gather [hbm4b:s3+s2], $0x80, v3, vm0, $0xb8;
	[tilespmem:$0xC400] =	vst v63  }
0x217: {  	s12 =	simm.s32 $0x2400  }
0x218: {  	[tilespmem:s12], [sflag:$0x1] =	stream.indirect_vreg.gather [hbm4b:s4+s2], $0x80, v3, vm0, $0xb8;
	[tilespmem:$0xC400] =	vst v63  }
0x219: {  	s13 =	simm.s32 $0x2C00  }
0x21a: {  	[tilespmem:s13], [sflag:$0x1] =	stream.indirect_vreg.gather [hbm4b:s5+s2], $0x80, v3, vm0, $0xb8;
	[tilespmem:$0xC400] =	vst v63  }
0x21b: {  	v3 =	vld [tilespmem:$0x310];
	_ =	sdelay $0x4  }
0x21c: {  	v57 =	vshrl.u32 v3, $0x3  }
0x21d: {  	v4 =	vmul.u32 $0x30, v57  }
0x21e: {  	v3 =	vand.u32 $0x7, v3  }
0x21f: {  	v3 =	vor.u32 v3, v4  }
0x220: {  	v4 =	vperm.xlane v3, v0;
	_ =	sdelay $0x1  }
0x221: {  	v4 =	vadd.s32 v1, v4;
	_ =	sdelay $0x3  }
0x222: {  	s14 =	simm.s32 $0x3400;
	v3 =	vperm.xlane v3, v2  }
0x223: {  	[tilespmem:s14], [sflag:$0x1] =	stream.indirect_vreg.gather [hbm4b:s3+s2], $0x80, v4, vm0, $0xb8;
	[tilespmem:$0xC400] =	vst v63  }
0x224: {  	s15 =	simm.s32 $0x3C00;
	v3 =	vadd.s32 v1, v3  }
0x225: {  	[tilespmem:s15], [sflag:$0x1] =	stream.indirect_vreg.gather [hbm4b:s4+s2], $0x80, v4, vm0, $0xb8;
	[tilespmem:$0xC400] =	vst v63  }
0x226: {  	s16 =	simm.s32 $0x4400  }
0x227: {  	[tilespmem:s16], [sflag:$0x1] =	stream.indirect_vreg.gather [hbm4b:s5+s2], $0x80, v4, vm0, $0xb8;
	[tilespmem:$0xC400] =	vst v63  }
0x228: {  	s17 =	simm.s32 $0x4C00  }
0x229: {  	[tilespmem:s17], [sflag:$0x1] =	stream.indirect_vreg.gather [hbm4b:s3+s2], $0x80, v3, vm0, $0xb8;
	[tilespmem:$0xC400] =	vst v63  }
0x22a: {  	s18 =	simm.s32 $0x5400  }
0x22b: {  	[tilespmem:s18], [sflag:$0x1] =	stream.indirect_vreg.gather [hbm4b:s4+s2], $0x80, v3, vm0, $0xb8;
	[tilespmem:$0xC400] =	vst v63  }
0x22c: {  	s19 =	simm.s32 $0x5C00  }
0x22d: {  	[tilespmem:s19], [sflag:$0x1] =	stream.indirect_vreg.gather [hbm4b:s5+s2], $0x80, v3, vm0, $0xb8;
	[tilespmem:$0xC400] =	vst v63  }
0x22e: {  	v3 =	vld [tilespmem:$0x320];
	_ =	sdelay $0x4  }
0x22f: {  	v58 =	vshrl.u32 v3, $0x3  }
0x230: {  	v4 =	vmul.u32 $0x30, v58  }
0x231: {  	v3 =	vand.u32 $0x7, v3  }
0x232: {  	v3 =	vor.u32 v3, v4  }
0x233: {  	v4 =	vperm.xlane v3, v0;
	_ =	sdelay $0x1  }
0x234: {  	v4 =	vadd.s32 v1, v4;
	_ =	sdelay $0x3  }
0x235: {  	s20 =	simm.s32 $0x6400;
	v3 =	vperm.xlane v3, v2  }
0x236: {  	[tilespmem:s20], [sflag:$0x1] =	stream.indirect_vreg.gather [hbm4b:s3+s2], $0x80, v4, vm0, $0xb8;
	[tilespmem:$0xC400] =	vst v63  }
0x237: {  	s21 =	simm.s32 $0x6C00;
	v3 =	vadd.s32 v1, v3  }
0x238: {  	[tilespmem:s21], [sflag:$0x1] =	stream.indirect_vreg.gather [hbm4b:s4+s2], $0x80, v4, vm0, $0xb8;
	[tilespmem:$0xC400] =	vst v63  }
0x239: {  	s22 =	simm.s32 $0x7400  }
0x23a: {  	[tilespmem:s22], [sflag:$0x1] =	stream.indirect_vreg.gather [hbm4b:s5+s2], $0x80, v4, vm0, $0xb8;
	[tilespmem:$0xC400] =	vst v63  }
0x23b: {  	s23 =	simm.s32 $0x7C00  }
0x23c: {  	[tilespmem:s23], [sflag:$0x1] =	stream.indirect_vreg.gather [hbm4b:s3+s2], $0x80, v3, vm0, $0xb8;
	[tilespmem:$0xC400] =	vst v63  }
0x23d: {  	s24 =	simm.s32 $0x8400  }
0x23e: {  	[tilespmem:s24], [sflag:$0x1] =	stream.indirect_vreg.gather [hbm4b:s4+s2], $0x80, v3, vm0, $0xb8;
	[tilespmem:$0xC400] =	vst v63  }
0x23f: {  	s25 =	simm.s32 $0x8C00  }
0x240: {  	[tilespmem:s25], [sflag:$0x1] =	stream.indirect_vreg.gather [hbm4b:s5+s2], $0x80, v3, vm0, $0xb8;
	[tilespmem:$0xC400] =	vst v63  }
0x241: {  	v3 =	vld [tilespmem:$0x330];
	_ =	sdelay $0x4  }
0x242: {  	v59 =	vshrl.u32 v3, $0x3  }
0x243: {  	v4 =	vmul.u32 $0x30, v59  }
0x244: {  	v3 =	vand.u32 $0x7, v3  }
0x245: {  	v3 =	vor.u32 v3, v4  }
0x246: {  	v4 =	vperm.xlane v3, v0;
	_ =	sdelay $0x1  }
0x247: {  	v4 =	vadd.s32 v1, v4;
	_ =	sdelay $0x3  }
0x248: {  	s26 =	simm.s32 $0x9400;
	v3 =	vperm.xlane v3, v2  }
0x249: {  	[tilespmem:s26], [sflag:$0x1] =	stream.indirect_vreg.gather [hbm4b:s3+s2], $0x80, v4, vm0, $0xb8;
	[tilespmem:$0xC400] =	vst v63  }
0x24a: {  	s28 =	simm.s32 $0x9C00;
	v3 =	vadd.s32 v1, v3  }
0x24b: {  	[tilespmem:s28], [sflag:$0x1] =	stream.indirect_vreg.gather [hbm4b:s4+s2], $0x80, v4, vm0, $0xb8;
	[tilespmem:$0xC400] =	vst v63  }
0x24c: {  	s29 =	simm.s32 $0xA400  }
0x24d: {  	[tilespmem:s29], [sflag:$0x1] =	stream.indirect_vreg.gather [hbm4b:s5+s2], $0x80, v4, vm0, $0xb8;
	[tilespmem:$0xC400] =	vst v63  }
0x24e: {  	s30 =	simm.s32 $0xAC00  }
0x24f: {  	[tilespmem:s30], [sflag:$0x1] =	stream.indirect_vreg.gather [hbm4b:s3+s2], $0x80, v3, vm0, $0xb8;
	[tilespmem:$0xC400] =	vst v63  }
0x250: {  	s30 =	simm.s32 $0xB400  }
0x251: {  	[tilespmem:s30], [sflag:$0x1] =	stream.indirect_vreg.gather [hbm4b:s4+s2], $0x80, v3, vm0, $0xb8;
	[tilespmem:$0xC400] =	vst v63  }
0x252: {  	s30 =	simm.s32 $0xBC00  }
0x253: {  	[tilespmem:s30], [sflag:$0x1] =	stream.indirect_vreg.gather [hbm4b:s5+s2], $0x80, v3, vm0, $0xb8;
	[tilespmem:$0xC400] =	vst v63  }
0x254: {  	_ =	swait.ge [sflag:s0], $0xC000  }
0x255: {  	[sflag:s0] =	ssyncset.done $0x0  }
0x256: {  	s9 =	rddreg [dreg:$0x9];
	[sflag:s0] =	ssyncadd.s32 $0xFFFF4000  }
0x257: {  	[hbm4b:s9+s2] =	stream.linear.scatter [tilespmem:s8], [sflag:$0x2], $0xC000, $0x38;
	[tilespmem:$0xC400] =	vst v63  }
0x258: {  	_ =	swait.ge [sflag:s7], $0xC000  }
0x259: {  	[sflag:s7] =	ssyncset.done $0x0  }
0x25a: {  	[sflag:s7] =	ssyncadd.s32 $0xFFFF4000  }
0x25b: {  	v3 =	vld [tilespmem:$0x380];
	_ =	sdelay $0x4  }
0x25c: {  	v60 =	vshrl.u32 v3, $0x3  }
0x25d: {  	v4 =	vmul.u32 $0x30, v60  }
0x25e: {  	v3 =	vand.u32 $0x7, v3  }
0x25f: {  	v3 =	vor.u32 v3, v4  }
0x260: {  	v4 =	vperm.xlane v3, v0;
	_ =	sdelay $0x1  }
0x261: {  	v4 =	vadd.s32 v1, v4;
	_ =	sdelay $0x3  }
0x262: {  	v3 =	vperm.xlane v3, v2  }
0x263: {  	[tilespmem:s8], [sflag:$0x1] =	stream.indirect_vreg.gather [hbm4b:s3+s2], $0x80, v4, vm0, $0xb8;
	[tilespmem:$0xC400] =	vst v63  }
0x264: {  	s31 =	simm.s32 $0xC00;
	v3 =	vadd.s32 v1, v3  }
0x265: {  	[tilespmem:s31], [sflag:$0x1] =	stream.indirect_vreg.gather [hbm4b:s4+s2], $0x80, v4, vm0, $0xb8;
	[tilespmem:$0xC400] =	vst v63  }
0x266: {  	s10 =	simm.s32 $0x1400  }
0x267: {  	[tilespmem:s10], [sflag:$0x1] =	stream.indirect_vreg.gather [hbm4b:s5+s2], $0x80, v4, vm0, $0xb8;
	[tilespmem:$0xC400] =	vst v63  }
0x268: {  	s1 =	simm.s32 $0x1C00  }
0x269: {  	[tilespmem:s1], [sflag:$0x1] =	stream.indirect_vreg.gather [hbm4b:s3+s2], $0x80, v3, vm0, $0xb8;
	[tilespmem:$0xC400] =	vst v63  }
0x26a: {  	s6 =	simm.s32 $0x2400  }
0x26b: {  	[tilespmem:s6], [sflag:$0x1] =	stream.indirect_vreg.gather [hbm4b:s4+s2], $0x80, v3, vm0, $0xb8;
	[tilespmem:$0xC400] =	vst v63  }
0x26c: {  	s12 =	simm.s32 $0x2C00  }
0x26d: {  	[tilespmem:s12], [sflag:$0x1] =	stream.indirect_vreg.gather [hbm4b:s5+s2], $0x80, v3, vm0, $0xb8;
	[tilespmem:$0xC400] =	vst v63  }
0x26e: {  	v3 =	vld [tilespmem:$0x390];
	_ =	sdelay $0x4  }
0x26f: {  	v61 =	vshrl.u32 v3, $0x3  }
0x270: {  	v4 =	vmul.u32 $0x30, v61  }
0x271: {  	v3 =	vand.u32 $0x7, v3  }
0x272: {  	v3 =	vor.u32 v3, v4  }
0x273: {  	v4 =	vperm.xlane v3, v0;
	_ =	sdelay $0x1  }
0x274: {  	v4 =	vadd.s32 v1, v4;
	_ =	sdelay $0x3  }
0x275: {  	s13 =	simm.s32 $0x3400;
	v3 =	vperm.xlane v3, v2  }
0x276: {  	[tilespmem:s13], [sflag:$0x1] =	stream.indirect_vreg.gather [hbm4b:s3+s2], $0x80, v4, vm0, $0xb8;
	[tilespmem:$0xC400] =	vst v63  }
0x277: {  	s14 =	simm.s32 $0x3C00;
	v3 =	vadd.s32 v1, v3  }
0x278: {  	[tilespmem:s14], [sflag:$0x1] =	stream.indirect_vreg.gather [hbm4b:s4+s2], $0x80, v4, vm0, $0xb8;
	[tilespmem:$0xC400] =	vst v63  }
0x279: {  	s15 =	simm.s32 $0x4400  }
0x27a: {  	[tilespmem:s15], [sflag:$0x1] =	stream.indirect_vreg.gather [hbm4b:s5+s2], $0x80, v4, vm0, $0xb8;
	[tilespmem:$0xC400] =	vst v63  }
0x27b: {  	s16 =	simm.s32 $0x4C00  }
0x27c: {  	[tilespmem:s16], [sflag:$0x1] =	stream.indirect_vreg.gather [hbm4b:s3+s2], $0x80, v3, vm0, $0xb8;
	[tilespmem:$0xC400] =	vst v63  }
0x27d: {  	s17 =	simm.s32 $0x5400  }
0x27e: {  	[tilespmem:s17], [sflag:$0x1] =	stream.indirect_vreg.gather [hbm4b:s4+s2], $0x80, v3, vm0, $0xb8;
	[tilespmem:$0xC400] =	vst v63  }
0x27f: {  	s18 =	simm.s32 $0x5C00  }
0x280: {  	[tilespmem:s18], [sflag:$0x1] =	stream.indirect_vreg.gather [hbm4b:s5+s2], $0x80, v3, vm0, $0xb8;
	[tilespmem:$0xC400] =	vst v63  }
0x281: {  	v3 =	vld [tilespmem:$0x3A0];
	_ =	sdelay $0x4  }
0x282: {  	v62 =	vshrl.u32 v3, $0x3  }
0x283: {  	v4 =	vmul.u32 $0x30, v62  }
0x284: {  	v3 =	vand.u32 $0x7, v3  }
0x285: {  	v3 =	vor.u32 v3, v4  }
0x286: {  	v4 =	vperm.xlane v3, v0;
	_ =	sdelay $0x1  }
0x287: {  	v4 =	vadd.s32 v1, v4;
	_ =	sdelay $0x3  }
0x288: {  	s19 =	simm.s32 $0x6400;
	v3 =	vperm.xlane v3, v2  }
0x289: {  	[tilespmem:s19], [sflag:$0x1] =	stream.indirect_vreg.gather [hbm4b:s3+s2], $0x80, v4, vm0, $0xb8;
	[tilespmem:$0xC400] =	vst v63  }
0x28a: {  	s20 =	simm.s32 $0x6C00;
	v3 =	vadd.s32 v1, v3  }
0x28b: {  	[tilespmem:s20], [sflag:$0x1] =	stream.indirect_vreg.gather [hbm4b:s4+s2], $0x80, v4, vm0, $0xb8;
	[tilespmem:$0xC400] =	vst v63  }
0x28c: {  	s21 =	simm.s32 $0x7400  }
0x28d: {  	[tilespmem:s21], [sflag:$0x1] =	stream.indirect_vreg.gather [hbm4b:s5+s2], $0x80, v4, vm0, $0xb8;
	[tilespmem:$0xC400] =	vst v63  }
0x28e: {  	s22 =	simm.s32 $0x7C00  }
0x28f: {  	[tilespmem:s22], [sflag:$0x1] =	stream.indirect_vreg.gather [hbm4b:s3+s2], $0x80, v3, vm0, $0xb8;
	[tilespmem:$0xC400] =	vst v63  }
0x290: {  	s23 =	simm.s32 $0x8400  }
0x291: {  	[tilespmem:s23], [sflag:$0x1] =	stream.indirect_vreg.gather [hbm4b:s4+s2], $0x80, v3, vm0, $0xb8;
	[tilespmem:$0xC400] =	vst v63  }
0x292: {  	s24 =	simm.s32 $0x8C00  }
0x293: {  	[tilespmem:s24], [sflag:$0x1] =	stream.indirect_vreg.gather [hbm4b:s5+s2], $0x80, v3, vm0, $0xb8;
	[tilespmem:$0xC400] =	vst v63  }
0x294: {  	v3 =	vld [tilespmem:$0x3B0];
	_ =	sdelay $0x4  }
0x295: {  	v63 =	vshrl.u32 v3, $0x3  }
0x296: {  	v4 =	vmul.u32 $0x30, v63  }
0x297: {  	v3 =	vand.u32 $0x7, v3  }
0x298: {  	v3 =	vor.u32 v3, v4  }
0x299: {  	v4 =	vperm.xlane v3, v0;
	_ =	sdelay $0x1  }
0x29a: {  	v4 =	vadd.s32 v1, v4;
	_ =	sdelay $0x3  }
0x29b: {  	s25 =	simm.s32 $0x9400;
	v3 =	vperm.xlane v3, v2  }
0x29c: {  	[tilespmem:s25], [sflag:$0x1] =	stream.indirect_vreg.gather [hbm4b:s3+s2], $0x80, v4, vm0, $0xb8;
	[tilespmem:$0xC400] =	vst v63  }
0x29d: {  	s26 =	simm.s32 $0x9C00;
	v3 =	vadd.s32 v1, v3  }
0x29e: {  	[tilespmem:s26], [sflag:$0x1] =	stream.indirect_vreg.gather [hbm4b:s4+s2], $0x80, v4, vm0, $0xb8;
	[tilespmem:$0xC400] =	vst v63  }
0x29f: {  	s28 =	simm.s32 $0xA400  }
0x2a0: {  	[tilespmem:s28], [sflag:$0x1] =	stream.indirect_vreg.gather [hbm4b:s5+s2], $0x80, v4, vm0, $0xb8;
	[tilespmem:$0xC400] =	vst v63  }
0x2a1: {  	s29 =	simm.s32 $0xAC00  }
0x2a2: {  	[tilespmem:s29], [sflag:$0x1] =	stream.indirect_vreg.gather [hbm4b:s3+s2], $0x80, v3, vm0, $0xb8;
	[tilespmem:$0xC400] =	vst v63  }
0x2a3: {  	s29 =	simm.s32 $0xB400  }
0x2a4: {  	[tilespmem:s29], [sflag:$0x1] =	stream.indirect_vreg.gather [hbm4b:s4+s2], $0x80, v3, vm0, $0xb8;
	[tilespmem:$0xC400] =	vst v63  }
0x2a5: {  	s30 =	simm.s32 $0xBC00  }
0x2a6: {  	[tilespmem:s30], [sflag:$0x1] =	stream.indirect_vreg.gather [hbm4b:s5+s2], $0x80, v3, vm0, $0xb8;
	[tilespmem:$0xC400] =	vst v63  }
0x2a7: {  	_ =	swait.ge [sflag:s0], $0xC000  }
0x2a8: {  	p0 =	sne.s32 s11, $0x1;
	[sflag:s0] =	ssyncset.done $0x0  }
.Ltmp0:
0x2a9: {  	s31 =	rddreg [dreg:$0xa];
	[sflag:s0] =	ssyncadd.s32 $0xFFFF4000;
	(pc) =	sbr.rel @p0 .LBB2_1-.Ltmp0, $4  }
0x2aa: {  	[hbm4b:s31+s2] =	stream.linear.scatter [tilespmem:s8], [sflag:$0x2], $0xC000, $0x38;
	[tilespmem:$0xC400] =	vst v63  }
0x2ab: {  	_ =	swait.ge [sflag:s7], $0xC000  }
0x2ac: {  	[sflag:s7] =	ssyncset.done $0x0  }
0x2ad: {  	s11 =	sadd.s32 $0xFFFFFFFF, s11;
	[sflag:s7] =	ssyncadd.s32 $0xFFFF4000  }
0x2ae: {  	_ =	sfence.sel $0x180000  }
0x2af: {  	[bflag:$0x0] =	sbarrier.arrive $0xFFFF  }
0x2b0: {  	_ =	strace $0x9000004A  }
0x2b1: {  	s0 =	stileid.u32;
	[bflag:$0x2] =	sbarrier.arrive $0xFFFF  }
0x2b2: {  	p0 =	sne.s32 s0, $0x0;
	s0 =	rddreg [dreg:$0x1]  }
0x2b3: {  	s0 =	sadd.s32 @!p0 $0x100000, s0  }
0x2b4: {  	[sflag:s0] =	ssyncadd.tile.s32 @!p0 $0x1;
	_ =	shalt  }
.Lfunc_end2:
_tile_overlayer_lowered:
.L_overlay_start_2:
0x2b5: {  	(tag) =	ssettag $0x2  }
0x2b6: {  	s0 =	rddreg [dreg:$0x0];
	s2 =	stileid.u32  }
0x2b7: {  	s1 =	rddreg [dreg:$0x1];
	p0 =	sne.s32 s2, $0x0  }
0x2b8: {  	s3 =	rddreg [dreg:$0x2];
	[bflag:$0x3] =	sbarrier.arrive $0xFFFF;
	s2 =	simm.s32 @!p0 $0x1C02  }
0x2b9: {  	[timem:s3], [sflag:s2] =	dma.local @!p0 [hbm:s0], s1  }
0x2ba: {  	s0 =	simm.s32 @!p0 $0x2  }
0x2bb: {  	_ =	swait.ge @!p0 [sflag:s0], s1  }
0x2bc: {  	s1 =	ssub.s32 @!p0 $0x0, s1;
	[sflag:s0] =	ssyncset.done @!p0 $0x0  }
0x2bd: {  	[sflag:s0] =	ssyncadd.s32 @!p0 s1  }
0x2be: {  	[bflag:$0x3] =	sbarrier.arrive $0xFFFF  }
0x2bf: {  	_ =	shalt  }

// kernel: kernel.7.cloned.1.call-start
scs
__scs_entry_jumppad:
0x0: {  	(pc) =	sbr.rel $0x88, $3  }
0x1: {  	(tag) =	ssettag $0x0;
	lr =	simm.s32 $0x1  }
0x2: {  	[smem:$0x3F91] =	sst lr;
	_ =	strace $0xD0000000  }
0x3: {  	_ = 	snop  }
0x4: {  	_ = 	snop  }
0x5: {  	_ = 	snop  }
0x6: {  	_ = 	snop  }
0x7: {  	_ = 	snop  }
__scs_overlays_trampoline_lowered:
0x8: {  	[smem:$0x3FA0] =	sst s0  }
0x9: {  	[smem:$0x3FA1] =	sst s1  }
0xa: {  	[smem:$0x3FA2] =	sst s2  }
0xb: {  	[smem:$0x3FA3] =	sst s3  }
0xc: {  	[smem:$0x3FA4] =	sst s4  }
0xd: {  	[smem:$0x3FA5] =	sst s5  }
0xe: {  	[smem:$0x3FA6] =	sst s6  }
0xf: {  	[smem:$0x3FA7] =	sst s7  }
0x10: {  	[smem:$0x3FA8] =	sst s8  }
0x11: {  	[smem:$0x3FA9] =	sst s9;
	s0 =	simm.s32 @!p0 $0x0  }
0x12: {  	s1 =	sld [smem:$0x3F8F];
	s0 =	simm.s32 @p0 $0x1  }
0x13: {  	[smem:$0x3FAA] =	sst s0;
	s0 =	simm.s32 @!p1 $0x0  }
0x14: {  	s2 =	sld [smem:$0x3F8E];
	s0 =	simm.s32 @p1 $0x1  }
0x15: {  	[smem:$0x3FAB] =	sst s0;
	s0 =	simm.s32 @!p2 $0x0  }
0x16: {  	s3 =	sld [smem:$0x3FDB];
	s0 =	simm.s32 @p2 $0x1  }
0x17: {  	s4 =	simm.s32 $0x1BF5;
	[smem:$0x3FAD] =	sst s0  }
0x18: {  	s0 =	sld [smem:$0x3F90];
	_ =	swait.ge [sflag:s4], $0x0  }
0x19: {  	s7 =	sld [smem:$0x3F91]  }
0x1a: {  	s8 =	sadd.s32 $0xFFFFE003, lr  }
0x1b: {  	s9 =	sadd.s32 $0xFFFFFEF7, lr;
	s5 =	simm.s32 $0xFFFFFFFF;
	p2 =	slt.u32 s8, $0xFFFFF086  }
0x1c: {  	p1 =	slt.u32 s9, $0xF7A;
	s5 =	simm.s32 @!p2 $0x0  }
0x1d: {  	s5 =	simm.s32 @p1 $0x1;
	p0 =	seq.s32 s7, s2  }
0x1e: {  	s7 =	smul.u32 @!p0 $0xF7A, s2;
	p2 =	seq.s32 @!p0 s5, $0x0  }
0x1f: {  	s9 =	smul.u32 $0xF7A, s1;
	s8 =	simm.s32 @!p0 $0x1BF5;
	p2 =	por !p2, p0  }
0x20: {  	[sflag:s8] =	ssyncset.s32 @!p0 $0xFFFFF086;
	s6 =	sadd.s32 @!p0 s3, s7;
	s7 =	simm.s32 @!p0 $0x108  }
0x21: {  	s3 =	sadd.s32 s3, s9;
	s6 =	sadd.s32 @!p0 $0x88, s6;
	s7 =	simm.s32 @p2 $0x1082  }
0x22: {  	[simem:s7], [sflag:s8] =	dma.local @!p0 [hbm:s6], $0xF7A  }
0x23: {  	s9 =	sor.u32 $0xD0000000, s2;
	s6 =	simm.s32 $0x108;
	_ =	swait.ge @!p0 [sflag:s8], $0x0  }
0x24: {  	s3 =	sadd.s32 $0x88, s3;
	s6 =	simm.s32 @!p1 $0x1082;
	[sflag:s4] =	ssyncset.s32 $0xFFFFF086  }
0x25: {  	[simem:s6], [sflag:s4] =	dma.local [hbm:s3], $0xF7A  }
0x26: {  	[smem:$0x3F91] =	sst s1;
	(tag) =	ssettag s2;
	_ =	strace s9  }
0x27: {  	s1 =	sld [smem:$0x3FA1]  }
0x28: {  	s2 =	sld [smem:$0x3FA2]  }
0x29: {  	s4 =	sld [smem:$0x3FA4]  }
0x2a: {  	p0 =	seq.s32 s5, $0x0;
	s5 =	sld [smem:$0x3FA5]  }
0x2b: {  	s6 =	sld [smem:$0x3FA6]  }
0x2c: {  	s7 =	sld [smem:$0x3FA7]  }
0x2d: {  	s3 =	simm.s32 $0x108;
	s8 =	sld [smem:$0x3FA8]  }
0x2e: {  	s3 =	simm.s32 @!p0 $0x1082;
	s9 =	sld [smem:$0x3FA9]  }
0x2f: {  	lr =	sadd.s32 s0, s3;
	s0 =	sld [smem:$0x3FA0]  }
0x30: {  	s3 =	sld [smem:$0x3FA3]  }
0x31: {  	[smem:$0x3FAC] =	sst s10  }
0x32: {  	s10 =	sld [smem:$0x3FAA];
	_ =	sdelay $0x3  }
0x33: {  	p0 =	seq.s32 s10, $0x1;
	s10 =	sld [smem:$0x3FAC];
	_ =	sdelay $0x3  }
0x34: {  	[smem:$0x3FAC] =	sst s10  }
0x35: {  	s10 =	sld [smem:$0x3FAB];
	_ =	sdelay $0x3  }
0x36: {  	p1 =	seq.s32 s10, $0x1;
	s10 =	sld [smem:$0x3FAC];
	_ =	sdelay $0x3  }
0x37: {  	[smem:$0x3FAC] =	sst s10  }
0x38: {  	s10 =	sld [smem:$0x3FAD]  }
0x39: {  	_ = 	snop;
	(pc) =	sbr.ind lr, $3  }
0x3a: {  	_ = 	snop  }
0x3b: {  	_ = 	snop  }
0x3c: {  	p2 =	seq.s32 s10, $0x1;
	s10 =	sld [smem:$0x3FAC]  }
0x3d: {  	_ =	shalt  }
0x3e: {  	_ =	shalt  }
0x3f: {  	_ =	shalt  }
0x40: {  	_ =	shalt  }
0x41: {  	_ =	shalt  }
0x42: {  	_ =	shalt  }
0x43: {  	_ =	shalt  }
0x44: {  	_ =	shalt  }
0x45: {  	_ =	shalt  }
0x46: {  	_ =	shalt  }
0x47: {  	_ =	shalt  }
0x48: {  	_ =	shalt  }
0x49: {  	_ =	shalt  }
0x4a: {  	_ =	shalt  }
0x4b: {  	_ =	shalt  }
0x4c: {  	_ =	shalt  }
0x4d: {  	_ =	shalt  }
0x4e: {  	_ =	shalt  }
0x4f: {  	_ =	shalt  }
0x50: {  	_ =	shalt  }
0x51: {  	_ =	shalt  }
0x52: {  	_ =	shalt  }
0x53: {  	_ =	shalt  }
0x54: {  	_ =	shalt  }
0x55: {  	_ =	shalt  }
0x56: {  	_ =	shalt  }
0x57: {  	_ =	shalt  }
0x58: {  	_ =	shalt  }
0x59: {  	_ =	shalt  }
0x5a: {  	_ =	shalt  }
0x5b: {  	_ =	shalt  }
0x5c: {  	_ =	shalt  }
0x5d: {  	_ =	shalt  }
0x5e: {  	_ =	shalt  }
0x5f: {  	_ =	shalt  }
0x60: {  	_ =	shalt  }
0x61: {  	_ =	shalt  }
0x62: {  	_ =	shalt  }
0x63: {  	_ =	shalt  }
0x64: {  	_ =	shalt  }
0x65: {  	_ =	shalt  }
0x66: {  	_ =	shalt  }
0x67: {  	_ =	shalt  }
0x68: {  	_ =	shalt  }
0x69: {  	_ =	shalt  }
0x6a: {  	_ =	shalt  }
0x6b: {  	_ =	shalt  }
0x6c: {  	_ =	shalt  }
0x6d: {  	_ =	shalt  }
0x6e: {  	_ =	shalt  }
0x6f: {  	_ =	shalt  }
0x70: {  	_ =	shalt  }
0x71: {  	_ =	shalt  }
0x72: {  	_ =	shalt  }
0x73: {  	_ =	shalt  }
0x74: {  	_ =	shalt  }
0x75: {  	_ =	shalt  }
0x76: {  	_ =	shalt  }
0x77: {  	_ =	shalt  }
0x78: {  	_ =	shalt  }
0x79: {  	_ =	shalt  }
0x7a: {  	_ =	shalt  }
0x7b: {  	_ =	shalt  }
0x7c: {  	_ =	shalt  }
0x7d: {  	_ =	shalt  }
0x7e: {  	_ =	shalt  }
0x7f: {  	_ =	shalt  }
0x80: {  	_ =	shalt  }
0x81: {  	_ =	shalt  }
0x82: {  	_ =	shalt  }
0x83: {  	_ =	shalt  }
0x84: {  	_ =	shalt  }
0x85: {  	_ =	shalt  }
0x86: {  	_ =	shalt  }
0x87: {  	_ =	shalt  }
.Lfunc_end0:
.L_simem_size_0:
called_computation_lowered:
.L_overlay_start_0:
0x88: {  	s2 =	sld [smem:$0x3FD9]  }
0x89: {  	s3 =	sld [smem:$0x3FFE];
	_ =	sdelay $0x1  }
0x8a: {  	s1 =	srdreg.scid  }
0x8b: {  	s0 =	sand.u32 $0x1, s1  }
0x8c: {  	s17 =	sshll.u32 s0, $0xA;
	s2 =	sadd.s32 s3, s2  }
0x8d: {  	s2 =	sadd.s32 s2, s17  }
0x8e: {  	[smem:$0x3FB8] =	sst s2  }
0x8f: {  	_ = 	snop  }
0x90: {  	s2 =	sld [smem:$0x3FC9];
	(tm) =	ssettm $0x1  }
0x91: {  	s18 =	sld [smem:$0x3FFB];
	_ =	sdelay $0x3  }
0x92: {  	_ =	strace s18  }
0x93: {  	s3 =	sld [smem:$0x3FFC];
	_ =	sdelay $0x3  }
0x94: {  	_ =	strace s3  }
0x95: {  	s3 =	sld [smem:$0x3FFD];
	_ =	sdelay $0x3  }
0x96: {  	_ =	strace s3  }
0x97: {  	_ =	strace $0x8FFFFFFF  }
0x98: {  	s19 =	sld [smem:$0x3FDB];
	_ =	sdelay $0x1  }
0x99: {  	s4 =	simm.s32 $_scs_section_size  }
0x9a: {  	s5 =	simm.s32 $_size__tile_overlayer_lowered;
	s6 =	simm.s32 $_tile_overlayer_lowered  }
0x9b: {  	s22 =	simm.s32 $0x1BFF;
	s21 =	sshll.u32 s6, $0x1;
	s3 =	sadd.s32 s4, s19  }
0x9c: {  	s7 =	simm.s32 $0x0;
	s20 =	sshll.u32 s5, $0x1;
	s5 =	sadd.s32 s21, s3  }
0x9d: {  	[timem:s7], [sflag:s22] =	dma.local [hbm:s5], s20  }
0x9e: {  	_ =	swait.ge [sflag:s22], s20  }
0x9f: {  	s4 =	ssub.s32 $0x0, s20;
	[sflag:s22] =	ssyncset.done $0x0  }
0xa0: {  	[sflag:s22] =	ssyncadd.s32 s4;
	_ =	sdelay $0x1  }
0xa1: {  	s23 =	simm.s32 $0x1B8B  }
0xa2: {  	_ =	swait.ge [sflag:s23], $0x1  }
0xa3: {  	[sflag:s23] =	ssyncset.done $0x0  }
0xa4: {  	s25 =	simm.s32 $0x1B8E;
	s24 =	sld [smem:$0x3FFE];
	[sflag:s23] =	ssyncadd.s32 $0xFFFFFFFF  }
0xa5: {  	s26 =	simm.s32 $execute0_lowered;
	[smem:$0x3FD2] =	sst s25  }
0xa6: {  	s5 =	sshll.u32 s26, $0x1;
	_ =	strace $0x80000046;
	[dreg:$0x1] =	wrdreg $0xFFFFFFFF  }
0xa7: {  	s28 =	simm.s32 $_size_execute0_lowered;
	s3 =	sadd.s32 s3, s5;
	[dreg:$0x0] =	wrdreg $0x0  }
0xa8: {  	s5 =	sshll.u32 s28, $0x1;
	[dreg:$0x2] =	wrdreg s3  }
0xa9: {  	[dreg:$0x3] =	wrdreg s5  }
0xaa: {  	[dreg:$0x4] =	wrdreg $0xC0  }
0xab: {  	_ =	task [dreg:s7], $0x5FFFF  }
0xac: {  	[dreg:$0x1] =	wrdreg $0xFFFFFFFF  }
0xad: {  	[dreg:$0x0] =	wrdreg $0x60  }
0xae: {  	[dreg:$0x2] =	wrdreg s2  }
0xaf: {  	[dreg:$0x3] =	wrdreg s24  }
0xb0: {  	[dreg:$0x4] =	wrdreg $0x9  }
0xb1: {  	_ =	task.clear_ibuf [dreg:s7], $0x5FFFF;
	_ =	strace $0x90000046  }
0xb2: {  	s29 =	simm.s32 $0x9;
	_ =	strace $0x80000048  }
0xb3: {  	_ =	swait.ge [sflag:s29], $0x1  }
0xb4: {  	[sflag:s29] =	ssyncadd.s32 $0xFFFFFFFF  }
0xb5: {  	_ =	strace $0x90000048  }
0xb6: {  	_ =	sfence  }
0xb7: {  	s30 =	sld [smem:$0x0];
	_ =	sdelay $0x2  }
0xb8: {  	s31 =	sshll.u32 s1, $0xD;
	s1 =	sshrl.u32 s1, $0x2  }
0xb9: {  	s3 =	sand.u32 $0x4000, s31;
	s1 =	sadd.s32 s1, s30  }
0xba: {  	s0 =	sor.u32 s3, s0;
	s1 =	sshll.u32 s1, $0x11  }
0xbb: {  	s0 =	sor.u32 s1, s0  }
0xbc: {  	s0 =	sadd.s32 $0x8F2B, s0  }
0xbd: {  	[sflag:s0] =	ssyncadd.remote.s32 $0x1  }
0xbe: {  	_ =	sfence.sel $0xFFFF  }
0xbf: {  	[dreg:$0x0] =	wrdreg $0xFFFFFFFF;
	(pc) =	sbr.abs _section_cstart, $3  }
0xc0: {  	[dreg:$0x1] =	wrdreg $0xFFFFFFFF  }
0xc1: {  	_ =	task.clear_ibuf [dreg:s7], $0x2FFFF;
	_ =	strace $0x9FFFFFFF  }
0xc2: {  	(tm) =	ssettm $0x7FFFFFFF  }
0xc3: {  	_ =	shalt  }
tec
execute0_lowered:
.L_overlay_start_1:
0x0: {  	(tag) =	ssettag $0x1  }
0x1: {  	s0 =	rddreg [dreg:$0x0]  }
0x2: {  	s1 =	rddreg [dreg:$0x1]  }
0x3: {  	s3 =	srdreg.scid;
	s4 =	stileid.u32  }
0x4: {  	s2 =	simm.s32 $0x0;
	s8 =	simm.s32 $0x400;
	s10 =	simm.s32 $0x1400  }
0x5: {  	s11 =	simm.s32 $0x1C00;
	s12 =	simm.s32 $0x2400;
	s13 =	simm.s32 $0x2C00  }
0x6: {  	s14 =	simm.s32 $0x3400;
	s15 =	simm.s32 $0x3C00;
	s16 =	simm.s32 $0x4400  }
0x7: {  	s17 =	simm.s32 $0x4C00;
	s18 =	simm.s32 $0x5400;
	s19 =	simm.s32 $0x5C00  }
0x8: {  	s20 =	simm.s32 $0x6400;
	s21 =	simm.s32 $0x6C00;
	s22 =	simm.s32 $0x7400  }
0x9: {  	s23 =	simm.s32 $0x7C00;
	s24 =	simm.s32 $0x8400;
	s25 =	simm.s32 $0x8C00  }
0xa: {  	s26 =	simm.s32 $0x9400;
	s28 =	simm.s32 $0x9C00;
	s29 =	simm.s32 $0xA400  }
0xb: {  	s30 =	simm.s32 $0xAC00;
	s3 =	sand.u32 $0x1, s3;
	s4 =	sshll.u32 s4, $0x1  }
0xc: {  	s31 =	simm.s32 $0xB400;
	[smem:$0x7FF] =	sst s2;
	s4 =	sor.u32 s3, s4  }
0xd: {  	s9 =	simm.s32 $0x2;
	_ =	strace $0x80000047;
	s5 =	sshll.u32 s4, $0x7  }
0xe: {  	s6 =	ssub.s32 $0x2, s3;
	s4 =	smul.u32 $0x1800, s4;
	s5 =	sadd.s32 s5, s1  }
0xf: {  	s3 =	sadd.s32 $0x2000, s1;
	s7 =	sshrl.u32 s6, $0x1;
	s5 =	sadd.s32 $0x1000, s5  }
0x10: {  	v2 =	vlaneseq.u32;
	s6 =	ssub.s32 s6, s7;
	s0 =	sadd.s32 s0, s4;
	[dreg:$0x3] =	wrdreg s5  }
0x11: {  	vm0 =	vmmov $0xffff;
	v1 =	vshrl.u32 v2, $0x3;
	s4 =	sadd.s32 $0x2100, s1;
	s6 =	smax.u32 s6, $0x1;
	[dreg:$0x4] =	wrdreg s0  }
0x12: {  	v0 =	vand.u32 $0x7, v2;
	v2 =	vor.u32 $0x8, v2;
	v1 =	vmul.u32 $0x8, v1;
	s5 =	sadd.s32 $0x2200, s1;
	s0 =	simm.s32 $0xBC00;
	s1 =	simm.s32 $0x1  }
.LBB2_1:
0x13: {  	s7 =	rddreg [dreg:$0x3]  }
0x14: {  	[tilespmem:s2], [sflag:$0x2] =	stream.linear.gather [hbm4b:s7+s2], $0x400, $0x38;
	[tilespmem:$0xC400] =	vst v63  }
0x15: {  	_ =	swait.ge [sflag:s9], $0x400  }
0x16: {  	[sflag:s9] =	ssyncset.done $0x0  }
0x17: {  	s7 =	rddreg [dreg:$0x4];
	[sflag:s9] =	ssyncadd.s32 $0xFFFFFC00  }
0x18: {  	[tilespmem:s8], [sflag:$0x2] =	stream.linear.gather [hbm4b:s7+s2], $0xC000, $0x38;
	[tilespmem:$0xC400] =	vst v63  }
0x19: {  	_ =	swait.ge [sflag:s9], $0xC000  }
0x1a: {  	[sflag:s9] =	ssyncset.done $0x0  }
0x1b: {  	[sflag:s9] =	ssyncadd.s32 $0xFFFF4000  }
0x1c: {  	v3 =	vld [tilespmem:$0x0];
	_ =	sdelay $0x4  }
0x1d: {  	v4 =	vshrl.u32 v3, $0x3  }
0x1e: {  	v4 =	vmul.u32 $0x30, v4  }
0x1f: {  	v3 =	vand.u32 $0x7, v3  }
0x20: {  	v3 =	vor.u32 v3, v4  }
0x21: {  	v4 =	vperm.xlane v3, v0;
	_ =	sdelay $0x1  }
0x22: {  	v4 =	vadd.s32 v1, v4;
	_ =	sdelay $0x3  }
0x23: {  	v3 =	vperm.xlane v3, v2  }
0x24: {  	[hbm4b:s3+s2] =	stream.indirect_vreg.scatter [tilespmem:s8], [sflag:$0x1], $0x80, v4, vm0, $0xb8;
	[tilespmem:$0xC400] =	vst v63  }
0x25: {  	s7 =	simm.s32 $0xC00;
	v3 =	vadd.s32 v1, v3  }
0x26: {  	[hbm4b:s4+s2] =	stream.indirect_vreg.scatter [tilespmem:s7], [sflag:$0x1], $0x80, v4, vm0, $0xb8;
	[tilespmem:$0xC400] =	vst v63  }
0x27: {  	_ = 	snop  }
0x28: {  	[hbm4b:s5+s2] =	stream.indirect_vreg.scatter [tilespmem:s10], [sflag:$0x1], $0x80, v4, vm0, $0xb8;
	[tilespmem:$0xC400] =	vst v63  }
0x29: {  	_ = 	snop  }
0x2a: {  	[hbm4b:s3+s2] =	stream.indirect_vreg.scatter [tilespmem:s11], [sflag:$0x1], $0x80, v3, vm0, $0xb8;
	[tilespmem:$0xC400] =	vst v63  }
0x2b: {  	_ = 	snop  }
0x2c: {  	[hbm4b:s4+s2] =	stream.indirect_vreg.scatter [tilespmem:s12], [sflag:$0x1], $0x80, v3, vm0, $0xb8;
	[tilespmem:$0xC400] =	vst v63  }
0x2d: {  	_ = 	snop  }
0x2e: {  	[hbm4b:s5+s2] =	stream.indirect_vreg.scatter [tilespmem:s13], [sflag:$0x1], $0x80, v3, vm0, $0xb8;
	[tilespmem:$0xC400] =	vst v63  }
0x2f: {  	v3 =	vld [tilespmem:$0x10];
	_ =	sdelay $0x4  }
0x30: {  	v33 =	vshrl.u32 v3, $0x3  }
0x31: {  	v4 =	vmul.u32 $0x30, v33  }
0x32: {  	v3 =	vand.u32 $0x7, v3  }
0x33: {  	v3 =	vor.u32 v3, v4  }
0x34: {  	v4 =	vperm.xlane v3, v0;
	_ =	sdelay $0x1  }
0x35: {  	v4 =	vadd.s32 v1, v4;
	_ =	sdelay $0x3  }
0x36: {  	v3 =	vperm.xlane v3, v2  }
0x37: {  	[hbm4b:s3+s2] =	stream.indirect_vreg.scatter [tilespmem:s14], [sflag:$0x1], $0x80, v4, vm0, $0xb8;
	[tilespmem:$0xC400] =	vst v63  }
0x38: {  	v3 =	vadd.s32 v1, v3  }
0x39: {  	[hbm4b:s4+s2] =	stream.indirect_vreg.scatter [tilespmem:s15], [sflag:$0x1], $0x80, v4, vm0, $0xb8;
	[tilespmem:$0xC400] =	vst v63  }
0x3a: {  	_ = 	snop  }
0x3b: {  	[hbm4b:s5+s2] =	stream.indirect_vreg.scatter [tilespmem:s16], [sflag:$0x1], $0x80, v4, vm0, $0xb8;
	[tilespmem:$0xC400] =	vst v63  }
0x3c: {  	_ = 	snop  }
0x3d: {  	[hbm4b:s3+s2] =	stream.indirect_vreg.scatter [tilespmem:s17], [sflag:$0x1], $0x80, v3, vm0, $0xb8;
	[tilespmem:$0xC400] =	vst v63  }
0x3e: {  	_ = 	snop  }
0x3f: {  	[hbm4b:s4+s2] =	stream.indirect_vreg.scatter [tilespmem:s18], [sflag:$0x1], $0x80, v3, vm0, $0xb8;
	[tilespmem:$0xC400] =	vst v63  }
0x40: {  	_ = 	snop  }
0x41: {  	[hbm4b:s5+s2] =	stream.indirect_vreg.scatter [tilespmem:s19], [sflag:$0x1], $0x80, v3, vm0, $0xb8;
	[tilespmem:$0xC400] =	vst v63  }
0x42: {  	v3 =	vld [tilespmem:$0x20];
	_ =	sdelay $0x4  }
0x43: {  	v34 =	vshrl.u32 v3, $0x3  }
0x44: {  	v4 =	vmul.u32 $0x30, v34  }
0x45: {  	v3 =	vand.u32 $0x7, v3  }
0x46: {  	v3 =	vor.u32 v3, v4  }
0x47: {  	v4 =	vperm.xlane v3, v0;
	_ =	sdelay $0x1  }
0x48: {  	v4 =	vadd.s32 v1, v4;
	_ =	sdelay $0x3  }
0x49: {  	v3 =	vperm.xlane v3, v2  }
0x4a: {  	[hbm4b:s3+s2] =	stream.indirect_vreg.scatter [tilespmem:s20], [sflag:$0x1], $0x80, v4, vm0, $0xb8;
	[tilespmem:$0xC400] =	vst v63  }
0x4b: {  	v3 =	vadd.s32 v1, v3  }
0x4c: {  	[hbm4b:s4+s2] =	stream.indirect_vreg.scatter [tilespmem:s21], [sflag:$0x1], $0x80, v4, vm0, $0xb8;
	[tilespmem:$0xC400] =	vst v63  }
0x4d: {  	_ = 	snop  }
0x4e: {  	[hbm4b:s5+s2] =	stream.indirect_vreg.scatter [tilespmem:s22], [sflag:$0x1], $0x80, v4, vm0, $0xb8;
	[tilespmem:$0xC400] =	vst v63  }
0x4f: {  	_ = 	snop  }
0x50: {  	[hbm4b:s3+s2] =	stream.indirect_vreg.scatter [tilespmem:s23], [sflag:$0x1], $0x80, v3, vm0, $0xb8;
	[tilespmem:$0xC400] =	vst v63  }
0x51: {  	_ = 	snop  }
0x52: {  	[hbm4b:s4+s2] =	stream.indirect_vreg.scatter [tilespmem:s24], [sflag:$0x1], $0x80, v3, vm0, $0xb8;
	[tilespmem:$0xC400] =	vst v63  }
0x53: {  	_ = 	snop  }
0x54: {  	[hbm4b:s5+s2] =	stream.indirect_vreg.scatter [tilespmem:s25], [sflag:$0x1], $0x80, v3, vm0, $0xb8;
	[tilespmem:$0xC400] =	vst v63  }
0x55: {  	v3 =	vld [tilespmem:$0x30];
	_ =	sdelay $0x4  }
0x56: {  	v35 =	vshrl.u32 v3, $0x3  }
0x57: {  	v4 =	vmul.u32 $0x30, v35  }
0x58: {  	v3 =	vand.u32 $0x7, v3  }
0x59: {  	v3 =	vor.u32 v3, v4  }
0x5a: {  	v4 =	vperm.xlane v3, v0;
	_ =	sdelay $0x1  }
0x5b: {  	v4 =	vadd.s32 v1, v4;
	_ =	sdelay $0x3  }
0x5c: {  	v3 =	vperm.xlane v3, v2  }
0x5d: {  	[hbm4b:s3+s2] =	stream.indirect_vreg.scatter [tilespmem:s26], [sflag:$0x1], $0x80, v4, vm0, $0xb8;
	[tilespmem:$0xC400] =	vst v63  }
0x5e: {  	v3 =	vadd.s32 v1, v3  }
0x5f: {  	[hbm4b:s4+s2] =	stream.indirect_vreg.scatter [tilespmem:s28], [sflag:$0x1], $0x80, v4, vm0, $0xb8;
	[tilespmem:$0xC400] =	vst v63  }
0x60: {  	_ = 	snop  }
0x61: {  	[hbm4b:s5+s2] =	stream.indirect_vreg.scatter [tilespmem:s29], [sflag:$0x1], $0x80, v4, vm0, $0xb8;
	[tilespmem:$0xC400] =	vst v63  }
0x62: {  	_ = 	snop  }
0x63: {  	[hbm4b:s3+s2] =	stream.indirect_vreg.scatter [tilespmem:s30], [sflag:$0x1], $0x80, v3, vm0, $0xb8;
	[tilespmem:$0xC400] =	vst v63  }
0x64: {  	_ = 	snop  }
0x65: {  	[hbm4b:s4+s2] =	stream.indirect_vreg.scatter [tilespmem:s31], [sflag:$0x1], $0x80, v3, vm0, $0xb8;
	[tilespmem:$0xC400] =	vst v63  }
0x66: {  	_ = 	snop  }
0x67: {  	[hbm4b:s5+s2] =	stream.indirect_vreg.scatter [tilespmem:s0], [sflag:$0x1], $0x80, v3, vm0, $0xb8;
	[tilespmem:$0xC400] =	vst v63  }
0x68: {  	v3 =	vld [tilespmem:$0x80];
	_ =	sdelay $0x4  }
0x69: {  	v36 =	vshrl.u32 v3, $0x3  }
0x6a: {  	v4 =	vmul.u32 $0x30, v36  }
0x6b: {  	v3 =	vand.u32 $0x7, v3  }
0x6c: {  	v3 =	vor.u32 v3, v4  }
0x6d: {  	v4 =	vperm.xlane v3, v0;
	_ =	sdelay $0x1  }
0x6e: {  	v4 =	vadd.s32 v1, v4;
	_ =	sdelay $0x3  }
0x6f: {  	v3 =	vperm.xlane v3, v2  }
0x70: {  	[hbm4b:s3+s2] =	stream.indirect_vreg.scatter [tilespmem:s8], [sflag:$0x1], $0x80, v4, vm0, $0xb8;
	[tilespmem:$0xC400] =	vst v63  }
0x71: {  	v3 =	vadd.s32 v1, v3  }
0x72: {  	[hbm4b:s4+s2] =	stream.indirect_vreg.scatter [tilespmem:s7], [sflag:$0x1], $0x80, v4, vm0, $0xb8;
	[tilespmem:$0xC400] =	vst v63  }
0x73: {  	_ = 	snop  }
0x74: {  	[hbm4b:s5+s2] =	stream.indirect_vreg.scatter [tilespmem:s10], [sflag:$0x1], $0x80, v4, vm0, $0xb8;
	[tilespmem:$0xC400] =	vst v63  }
0x75: {  	_ = 	snop  }
0x76: {  	[hbm4b:s3+s2] =	stream.indirect_vreg.scatter [tilespmem:s11], [sflag:$0x1], $0x80, v3, vm0, $0xb8;
	[tilespmem:$0xC400] =	vst v63  }
0x77: {  	_ = 	snop  }
0x78: {  	[hbm4b:s4+s2] =	stream.indirect_vreg.scatter [tilespmem:s12], [sflag:$0x1], $0x80, v3, vm0, $0xb8;
	[tilespmem:$0xC400] =	vst v63  }
0x79: {  	_ = 	snop  }
0x7a: {  	[hbm4b:s5+s2] =	stream.indirect_vreg.scatter [tilespmem:s13], [sflag:$0x1], $0x80, v3, vm0, $0xb8;
	[tilespmem:$0xC400] =	vst v63  }
0x7b: {  	v3 =	vld [tilespmem:$0x90];
	_ =	sdelay $0x4  }
0x7c: {  	v37 =	vshrl.u32 v3, $0x3  }
0x7d: {  	v4 =	vmul.u32 $0x30, v37  }
0x7e: {  	v3 =	vand.u32 $0x7, v3  }
0x7f: {  	v3 =	vor.u32 v3, v4  }
0x80: {  	v4 =	vperm.xlane v3, v0;
	_ =	sdelay $0x1  }
0x81: {  	v4 =	vadd.s32 v1, v4;
	_ =	sdelay $0x3  }
0x82: {  	v3 =	vperm.xlane v3, v2  }
0x83: {  	[hbm4b:s3+s2] =	stream.indirect_vreg.scatter [tilespmem:s14], [sflag:$0x1], $0x80, v4, vm0, $0xb8;
	[tilespmem:$0xC400] =	vst v63  }
0x84: {  	v3 =	vadd.s32 v1, v3  }
0x85: {  	[hbm4b:s4+s2] =	stream.indirect_vreg.scatter [tilespmem:s15], [sflag:$0x1], $0x80, v4, vm0, $0xb8;
	[tilespmem:$0xC400] =	vst v63  }
0x86: {  	_ = 	snop  }
0x87: {  	[hbm4b:s5+s2] =	stream.indirect_vreg.scatter [tilespmem:s16], [sflag:$0x1], $0x80, v4, vm0, $0xb8;
	[tilespmem:$0xC400] =	vst v63  }
0x88: {  	_ = 	snop  }
0x89: {  	[hbm4b:s3+s2] =	stream.indirect_vreg.scatter [tilespmem:s17], [sflag:$0x1], $0x80, v3, vm0, $0xb8;
	[tilespmem:$0xC400] =	vst v63  }
0x8a: {  	_ = 	snop  }
0x8b: {  	[hbm4b:s4+s2] =	stream.indirect_vreg.scatter [tilespmem:s18], [sflag:$0x1], $0x80, v3, vm0, $0xb8;
	[tilespmem:$0xC400] =	vst v63  }
0x8c: {  	_ = 	snop  }
0x8d: {  	[hbm4b:s5+s2] =	stream.indirect_vreg.scatter [tilespmem:s19], [sflag:$0x1], $0x80, v3, vm0, $0xb8;
	[tilespmem:$0xC400] =	vst v63  }
0x8e: {  	v3 =	vld [tilespmem:$0xA0];
	_ =	sdelay $0x4  }
0x8f: {  	v38 =	vshrl.u32 v3, $0x3  }
0x90: {  	v4 =	vmul.u32 $0x30, v38  }
0x91: {  	v3 =	vand.u32 $0x7, v3  }
0x92: {  	v3 =	vor.u32 v3, v4  }
0x93: {  	v4 =	vperm.xlane v3, v0;
	_ =	sdelay $0x1  }
0x94: {  	v4 =	vadd.s32 v1, v4;
	_ =	sdelay $0x3  }
0x95: {  	v3 =	vperm.xlane v3, v2  }
0x96: {  	[hbm4b:s3+s2] =	stream.indirect_vreg.scatter [tilespmem:s20], [sflag:$0x1], $0x80, v4, vm0, $0xb8;
	[tilespmem:$0xC400] =	vst v63  }
0x97: {  	v3 =	vadd.s32 v1, v3  }
0x98: {  	[hbm4b:s4+s2] =	stream.indirect_vreg.scatter [tilespmem:s21], [sflag:$0x1], $0x80, v4, vm0, $0xb8;
	[tilespmem:$0xC400] =	vst v63  }
0x99: {  	_ = 	snop  }
0x9a: {  	[hbm4b:s5+s2] =	stream.indirect_vreg.scatter [tilespmem:s22], [sflag:$0x1], $0x80, v4, vm0, $0xb8;
	[tilespmem:$0xC400] =	vst v63  }
0x9b: {  	_ = 	snop  }
0x9c: {  	[hbm4b:s3+s2] =	stream.indirect_vreg.scatter [tilespmem:s23], [sflag:$0x1], $0x80, v3, vm0, $0xb8;
	[tilespmem:$0xC400] =	vst v63  }
0x9d: {  	_ = 	snop  }
0x9e: {  	[hbm4b:s4+s2] =	stream.indirect_vreg.scatter [tilespmem:s24], [sflag:$0x1], $0x80, v3, vm0, $0xb8;
	[tilespmem:$0xC400] =	vst v63  }
0x9f: {  	_ = 	snop  }
0xa0: {  	[hbm4b:s5+s2] =	stream.indirect_vreg.scatter [tilespmem:s25], [sflag:$0x1], $0x80, v3, vm0, $0xb8;
	[tilespmem:$0xC400] =	vst v63  }
0xa1: {  	v3 =	vld [tilespmem:$0xB0];
	_ =	sdelay $0x4  }
0xa2: {  	v39 =	vshrl.u32 v3, $0x3  }
0xa3: {  	v4 =	vmul.u32 $0x30, v39  }
0xa4: {  	v3 =	vand.u32 $0x7, v3  }
0xa5: {  	v3 =	vor.u32 v3, v4  }
0xa6: {  	v4 =	vperm.xlane v3, v0;
	_ =	sdelay $0x1  }
0xa7: {  	v4 =	vadd.s32 v1, v4;
	_ =	sdelay $0x3  }
0xa8: {  	v3 =	vperm.xlane v3, v2  }
0xa9: {  	[hbm4b:s3+s2] =	stream.indirect_vreg.scatter [tilespmem:s26], [sflag:$0x1], $0x80, v4, vm0, $0xb8;
	[tilespmem:$0xC400] =	vst v63  }
0xaa: {  	v3 =	vadd.s32 v1, v3  }
0xab: {  	[hbm4b:s4+s2] =	stream.indirect_vreg.scatter [tilespmem:s28], [sflag:$0x1], $0x80, v4, vm0, $0xb8;
	[tilespmem:$0xC400] =	vst v63  }
0xac: {  	_ = 	snop  }
0xad: {  	[hbm4b:s5+s2] =	stream.indirect_vreg.scatter [tilespmem:s29], [sflag:$0x1], $0x80, v4, vm0, $0xb8;
	[tilespmem:$0xC400] =	vst v63  }
0xae: {  	_ = 	snop  }
0xaf: {  	[hbm4b:s3+s2] =	stream.indirect_vreg.scatter [tilespmem:s30], [sflag:$0x1], $0x80, v3, vm0, $0xb8;
	[tilespmem:$0xC400] =	vst v63  }
0xb0: {  	_ = 	snop  }
0xb1: {  	[hbm4b:s4+s2] =	stream.indirect_vreg.scatter [tilespmem:s31], [sflag:$0x1], $0x80, v3, vm0, $0xb8;
	[tilespmem:$0xC400] =	vst v63  }
0xb2: {  	_ = 	snop  }
0xb3: {  	[hbm4b:s5+s2] =	stream.indirect_vreg.scatter [tilespmem:s0], [sflag:$0x1], $0x80, v3, vm0, $0xb8;
	[tilespmem:$0xC400] =	vst v63  }
0xb4: {  	v3 =	vld [tilespmem:$0x100];
	_ =	sdelay $0x4  }
0xb5: {  	v40 =	vshrl.u32 v3, $0x3  }
0xb6: {  	v4 =	vmul.u32 $0x30, v40  }
0xb7: {  	v3 =	vand.u32 $0x7, v3  }
0xb8: {  	v3 =	vor.u32 v3, v4  }
0xb9: {  	v4 =	vperm.xlane v3, v0;
	_ =	sdelay $0x1  }
0xba: {  	v4 =	vadd.s32 v1, v4;
	_ =	sdelay $0x3  }
0xbb: {  	v3 =	vperm.xlane v3, v2  }
0xbc: {  	[hbm4b:s3+s2] =	stream.indirect_vreg.scatter [tilespmem:s8], [sflag:$0x1], $0x80, v4, vm0, $0xb8;
	[tilespmem:$0xC400] =	vst v63  }
0xbd: {  	v3 =	vadd.s32 v1, v3  }
0xbe: {  	[hbm4b:s4+s2] =	stream.indirect_vreg.scatter [tilespmem:s7], [sflag:$0x1], $0x80, v4, vm0, $0xb8;
	[tilespmem:$0xC400] =	vst v63  }
0xbf: {  	_ = 	snop  }
0xc0: {  	[hbm4b:s5+s2] =	stream.indirect_vreg.scatter [tilespmem:s10], [sflag:$0x1], $0x80, v4, vm0, $0xb8;
	[tilespmem:$0xC400] =	vst v63  }
0xc1: {  	_ = 	snop  }
0xc2: {  	[hbm4b:s3+s2] =	stream.indirect_vreg.scatter [tilespmem:s11], [sflag:$0x1], $0x80, v3, vm0, $0xb8;
	[tilespmem:$0xC400] =	vst v63  }
0xc3: {  	_ = 	snop  }
0xc4: {  	[hbm4b:s4+s2] =	stream.indirect_vreg.scatter [tilespmem:s12], [sflag:$0x1], $0x80, v3, vm0, $0xb8;
	[tilespmem:$0xC400] =	vst v63  }
0xc5: {  	_ = 	snop  }
0xc6: {  	[hbm4b:s5+s2] =	stream.indirect_vreg.scatter [tilespmem:s13], [sflag:$0x1], $0x80, v3, vm0, $0xb8;
	[tilespmem:$0xC400] =	vst v63  }
0xc7: {  	v3 =	vld [tilespmem:$0x110];
	_ =	sdelay $0x4  }
0xc8: {  	v41 =	vshrl.u32 v3, $0x3  }
0xc9: {  	v4 =	vmul.u32 $0x30, v41  }
0xca: {  	v3 =	vand.u32 $0x7, v3  }
0xcb: {  	v3 =	vor.u32 v3, v4  }
0xcc: {  	v4 =	vperm.xlane v3, v0;
	_ =	sdelay $0x1  }
0xcd: {  	v4 =	vadd.s32 v1, v4;
	_ =	sdelay $0x3  }
0xce: {  	v3 =	vperm.xlane v3, v2  }
0xcf: {  	[hbm4b:s3+s2] =	stream.indirect_vreg.scatter [tilespmem:s14], [sflag:$0x1], $0x80, v4, vm0, $0xb8;
	[tilespmem:$0xC400] =	vst v63  }
0xd0: {  	v3 =	vadd.s32 v1, v3  }
0xd1: {  	[hbm4b:s4+s2] =	stream.indirect_vreg.scatter [tilespmem:s15], [sflag:$0x1], $0x80, v4, vm0, $0xb8;
	[tilespmem:$0xC400] =	vst v63  }
0xd2: {  	_ = 	snop  }
0xd3: {  	[hbm4b:s5+s2] =	stream.indirect_vreg.scatter [tilespmem:s16], [sflag:$0x1], $0x80, v4, vm0, $0xb8;
	[tilespmem:$0xC400] =	vst v63  }
0xd4: {  	_ = 	snop  }
0xd5: {  	[hbm4b:s3+s2] =	stream.indirect_vreg.scatter [tilespmem:s17], [sflag:$0x1], $0x80, v3, vm0, $0xb8;
	[tilespmem:$0xC400] =	vst v63  }
0xd6: {  	_ = 	snop  }
0xd7: {  	[hbm4b:s4+s2] =	stream.indirect_vreg.scatter [tilespmem:s18], [sflag:$0x1], $0x80, v3, vm0, $0xb8;
	[tilespmem:$0xC400] =	vst v63  }
0xd8: {  	_ = 	snop  }
0xd9: {  	[hbm4b:s5+s2] =	stream.indirect_vreg.scatter [tilespmem:s19], [sflag:$0x1], $0x80, v3, vm0, $0xb8;
	[tilespmem:$0xC400] =	vst v63  }
0xda: {  	v3 =	vld [tilespmem:$0x120];
	_ =	sdelay $0x4  }
0xdb: {  	v42 =	vshrl.u32 v3, $0x3  }
0xdc: {  	v4 =	vmul.u32 $0x30, v42  }
0xdd: {  	v3 =	vand.u32 $0x7, v3  }
0xde: {  	v3 =	vor.u32 v3, v4  }
0xdf: {  	v4 =	vperm.xlane v3, v0;
	_ =	sdelay $0x1  }
0xe0: {  	v4 =	vadd.s32 v1, v4;
	_ =	sdelay $0x3  }
0xe1: {  	v3 =	vperm.xlane v3, v2  }
0xe2: {  	[hbm4b:s3+s2] =	stream.indirect_vreg.scatter [tilespmem:s20], [sflag:$0x1], $0x80, v4, vm0, $0xb8;
	[tilespmem:$0xC400] =	vst v63  }
0xe3: {  	v3 =	vadd.s32 v1, v3  }
0xe4: {  	[hbm4b:s4+s2] =	stream.indirect_vreg.scatter [tilespmem:s21], [sflag:$0x1], $0x80, v4, vm0, $0xb8;
	[tilespmem:$0xC400] =	vst v63  }
0xe5: {  	_ = 	snop  }
0xe6: {  	[hbm4b:s5+s2] =	stream.indirect_vreg.scatter [tilespmem:s22], [sflag:$0x1], $0x80, v4, vm0, $0xb8;
	[tilespmem:$0xC400] =	vst v63  }
0xe7: {  	_ = 	snop  }
0xe8: {  	[hbm4b:s3+s2] =	stream.indirect_vreg.scatter [tilespmem:s23], [sflag:$0x1], $0x80, v3, vm0, $0xb8;
	[tilespmem:$0xC400] =	vst v63  }
0xe9: {  	_ = 	snop  }
0xea: {  	[hbm4b:s4+s2] =	stream.indirect_vreg.scatter [tilespmem:s24], [sflag:$0x1], $0x80, v3, vm0, $0xb8;
	[tilespmem:$0xC400] =	vst v63  }
0xeb: {  	_ = 	snop  }
0xec: {  	[hbm4b:s5+s2] =	stream.indirect_vreg.scatter [tilespmem:s25], [sflag:$0x1], $0x80, v3, vm0, $0xb8;
	[tilespmem:$0xC400] =	vst v63  }
0xed: {  	v3 =	vld [tilespmem:$0x130];
	_ =	sdelay $0x4  }
0xee: {  	v43 =	vshrl.u32 v3, $0x3  }
0xef: {  	v4 =	vmul.u32 $0x30, v43  }
0xf0: {  	v3 =	vand.u32 $0x7, v3  }
0xf1: {  	v3 =	vor.u32 v3, v4  }
0xf2: {  	v4 =	vperm.xlane v3, v0;
	_ =	sdelay $0x1  }
0xf3: {  	v4 =	vadd.s32 v1, v4;
	_ =	sdelay $0x3  }
0xf4: {  	v3 =	vperm.xlane v3, v2  }
0xf5: {  	[hbm4b:s3+s2] =	stream.indirect_vreg.scatter [tilespmem:s26], [sflag:$0x1], $0x80, v4, vm0, $0xb8;
	[tilespmem:$0xC400] =	vst v63  }
0xf6: {  	v3 =	vadd.s32 v1, v3  }
0xf7: {  	[hbm4b:s4+s2] =	stream.indirect_vreg.scatter [tilespmem:s28], [sflag:$0x1], $0x80, v4, vm0, $0xb8;
	[tilespmem:$0xC400] =	vst v63  }
0xf8: {  	_ = 	snop  }
0xf9: {  	[hbm4b:s5+s2] =	stream.indirect_vreg.scatter [tilespmem:s29], [sflag:$0x1], $0x80, v4, vm0, $0xb8;
	[tilespmem:$0xC400] =	vst v63  }
0xfa: {  	_ = 	snop  }
0xfb: {  	[hbm4b:s3+s2] =	stream.indirect_vreg.scatter [tilespmem:s30], [sflag:$0x1], $0x80, v3, vm0, $0xb8;
	[tilespmem:$0xC400] =	vst v63  }
0xfc: {  	_ = 	snop  }
0xfd: {  	[hbm4b:s4+s2] =	stream.indirect_vreg.scatter [tilespmem:s31], [sflag:$0x1], $0x80, v3, vm0, $0xb8;
	[tilespmem:$0xC400] =	vst v63  }
0xfe: {  	_ = 	snop  }
0xff: {  	[hbm4b:s5+s2] =	stream.indirect_vreg.scatter [tilespmem:s0], [sflag:$0x1], $0x80, v3, vm0, $0xb8;
	[tilespmem:$0xC400] =	vst v63  }
0x100: {  	v3 =	vld [tilespmem:$0x180];
	_ =	sdelay $0x4  }
0x101: {  	v44 =	vshrl.u32 v3, $0x3  }
0x102: {  	v4 =	vmul.u32 $0x30, v44  }
0x103: {  	v3 =	vand.u32 $0x7, v3  }
0x104: {  	v3 =	vor.u32 v3, v4  }
0x105: {  	v4 =	vperm.xlane v3, v0;
	_ =	sdelay $0x1  }
0x106: {  	v4 =	vadd.s32 v1, v4;
	_ =	sdelay $0x3  }
0x107: {  	v3 =	vperm.xlane v3, v2  }
0x108: {  	[hbm4b:s3+s2] =	stream.indirect_vreg.scatter [tilespmem:s8], [sflag:$0x1], $0x80, v4, vm0, $0xb8;
	[tilespmem:$0xC400] =	vst v63  }
0x109: {  	v3 =	vadd.s32 v1, v3  }
0x10a: {  	[hbm4b:s4+s2] =	stream.indirect_vreg.scatter [tilespmem:s7], [sflag:$0x1], $0x80, v4, vm0, $0xb8;
	[tilespmem:$0xC400] =	vst v63  }
0x10b: {  	_ = 	snop  }
0x10c: {  	[hbm4b:s5+s2] =	stream.indirect_vreg.scatter [tilespmem:s10], [sflag:$0x1], $0x80, v4, vm0, $0xb8;
	[tilespmem:$0xC400] =	vst v63  }
0x10d: {  	_ = 	snop  }
0x10e: {  	[hbm4b:s3+s2] =	stream.indirect_vreg.scatter [tilespmem:s11], [sflag:$0x1], $0x80, v3, vm0, $0xb8;
	[tilespmem:$0xC400] =	vst v63  }
0x10f: {  	_ = 	snop  }
0x110: {  	[hbm4b:s4+s2] =	stream.indirect_vreg.scatter [tilespmem:s12], [sflag:$0x1], $0x80, v3, vm0, $0xb8;
	[tilespmem:$0xC400] =	vst v63  }
0x111: {  	_ = 	snop  }
0x112: {  	[hbm4b:s5+s2] =	stream.indirect_vreg.scatter [tilespmem:s13], [sflag:$0x1], $0x80, v3, vm0, $0xb8;
	[tilespmem:$0xC400] =	vst v63  }
0x113: {  	v3 =	vld [tilespmem:$0x190];
	_ =	sdelay $0x4  }
0x114: {  	v45 =	vshrl.u32 v3, $0x3  }
0x115: {  	v4 =	vmul.u32 $0x30, v45  }
0x116: {  	v3 =	vand.u32 $0x7, v3  }
0x117: {  	v3 =	vor.u32 v3, v4  }
0x118: {  	v4 =	vperm.xlane v3, v0;
	_ =	sdelay $0x1  }
0x119: {  	v4 =	vadd.s32 v1, v4;
	_ =	sdelay $0x3  }
0x11a: {  	v3 =	vperm.xlane v3, v2  }
0x11b: {  	[hbm4b:s3+s2] =	stream.indirect_vreg.scatter [tilespmem:s14], [sflag:$0x1], $0x80, v4, vm0, $0xb8;
	[tilespmem:$0xC400] =	vst v63  }
0x11c: {  	v3 =	vadd.s32 v1, v3  }
0x11d: {  	[hbm4b:s4+s2] =	stream.indirect_vreg.scatter [tilespmem:s15], [sflag:$0x1], $0x80, v4, vm0, $0xb8;
	[tilespmem:$0xC400] =	vst v63  }
0x11e: {  	_ = 	snop  }
0x11f: {  	[hbm4b:s5+s2] =	stream.indirect_vreg.scatter [tilespmem:s16], [sflag:$0x1], $0x80, v4, vm0, $0xb8;
	[tilespmem:$0xC400] =	vst v63  }
0x120: {  	_ = 	snop  }
0x121: {  	[hbm4b:s3+s2] =	stream.indirect_vreg.scatter [tilespmem:s17], [sflag:$0x1], $0x80, v3, vm0, $0xb8;
	[tilespmem:$0xC400] =	vst v63  }
0x122: {  	_ = 	snop  }
0x123: {  	[hbm4b:s4+s2] =	stream.indirect_vreg.scatter [tilespmem:s18], [sflag:$0x1], $0x80, v3, vm0, $0xb8;
	[tilespmem:$0xC400] =	vst v63  }
0x124: {  	_ = 	snop  }
0x125: {  	[hbm4b:s5+s2] =	stream.indirect_vreg.scatter [tilespmem:s19], [sflag:$0x1], $0x80, v3, vm0, $0xb8;
	[tilespmem:$0xC400] =	vst v63  }
0x126: {  	v3 =	vld [tilespmem:$0x1A0];
	_ =	sdelay $0x4  }
0x127: {  	v46 =	vshrl.u32 v3, $0x3  }
0x128: {  	v4 =	vmul.u32 $0x30, v46  }
0x129: {  	v3 =	vand.u32 $0x7, v3  }
0x12a: {  	v3 =	vor.u32 v3, v4  }
0x12b: {  	v4 =	vperm.xlane v3, v0;
	_ =	sdelay $0x1  }
0x12c: {  	v4 =	vadd.s32 v1, v4;
	_ =	sdelay $0x3  }
0x12d: {  	v3 =	vperm.xlane v3, v2  }
0x12e: {  	[hbm4b:s3+s2] =	stream.indirect_vreg.scatter [tilespmem:s20], [sflag:$0x1], $0x80, v4, vm0, $0xb8;
	[tilespmem:$0xC400] =	vst v63  }
0x12f: {  	v3 =	vadd.s32 v1, v3  }
0x130: {  	[hbm4b:s4+s2] =	stream.indirect_vreg.scatter [tilespmem:s21], [sflag:$0x1], $0x80, v4, vm0, $0xb8;
	[tilespmem:$0xC400] =	vst v63  }
0x131: {  	_ = 	snop  }
0x132: {  	[hbm4b:s5+s2] =	stream.indirect_vreg.scatter [tilespmem:s22], [sflag:$0x1], $0x80, v4, vm0, $0xb8;
	[tilespmem:$0xC400] =	vst v63  }
0x133: {  	_ = 	snop  }
0x134: {  	[hbm4b:s3+s2] =	stream.indirect_vreg.scatter [tilespmem:s23], [sflag:$0x1], $0x80, v3, vm0, $0xb8;
	[tilespmem:$0xC400] =	vst v63  }
0x135: {  	_ = 	snop  }
0x136: {  	[hbm4b:s4+s2] =	stream.indirect_vreg.scatter [tilespmem:s24], [sflag:$0x1], $0x80, v3, vm0, $0xb8;
	[tilespmem:$0xC400] =	vst v63  }
0x137: {  	_ = 	snop  }
0x138: {  	[hbm4b:s5+s2] =	stream.indirect_vreg.scatter [tilespmem:s25], [sflag:$0x1], $0x80, v3, vm0, $0xb8;
	[tilespmem:$0xC400] =	vst v63  }
0x139: {  	v3 =	vld [tilespmem:$0x1B0];
	_ =	sdelay $0x4  }
0x13a: {  	v47 =	vshrl.u32 v3, $0x3  }
0x13b: {  	v4 =	vmul.u32 $0x30, v47  }
0x13c: {  	v3 =	vand.u32 $0x7, v3  }
0x13d: {  	v3 =	vor.u32 v3, v4  }
0x13e: {  	v4 =	vperm.xlane v3, v0;
	_ =	sdelay $0x1  }
0x13f: {  	v4 =	vadd.s32 v1, v4;
	_ =	sdelay $0x3  }
0x140: {  	v3 =	vperm.xlane v3, v2  }
0x141: {  	[hbm4b:s3+s2] =	stream.indirect_vreg.scatter [tilespmem:s26], [sflag:$0x1], $0x80, v4, vm0, $0xb8;
	[tilespmem:$0xC400] =	vst v63  }
0x142: {  	v3 =	vadd.s32 v1, v3  }
0x143: {  	[hbm4b:s4+s2] =	stream.indirect_vreg.scatter [tilespmem:s28], [sflag:$0x1], $0x80, v4, vm0, $0xb8;
	[tilespmem:$0xC400] =	vst v63  }
0x144: {  	_ = 	snop  }
0x145: {  	[hbm4b:s5+s2] =	stream.indirect_vreg.scatter [tilespmem:s29], [sflag:$0x1], $0x80, v4, vm0, $0xb8;
	[tilespmem:$0xC400] =	vst v63  }
0x146: {  	_ = 	snop  }
0x147: {  	[hbm4b:s3+s2] =	stream.indirect_vreg.scatter [tilespmem:s30], [sflag:$0x1], $0x80, v3, vm0, $0xb8;
	[tilespmem:$0xC400] =	vst v63  }
0x148: {  	_ = 	snop  }
0x149: {  	[hbm4b:s4+s2] =	stream.indirect_vreg.scatter [tilespmem:s31], [sflag:$0x1], $0x80, v3, vm0, $0xb8;
	[tilespmem:$0xC400] =	vst v63  }
0x14a: {  	_ = 	snop  }
0x14b: {  	[hbm4b:s5+s2] =	stream.indirect_vreg.scatter [tilespmem:s0], [sflag:$0x1], $0x80, v3, vm0, $0xb8;
	[tilespmem:$0xC400] =	vst v63  }
0x14c: {  	v3 =	vld [tilespmem:$0x200];
	_ =	sdelay $0x4  }
0x14d: {  	v48 =	vshrl.u32 v3, $0x3  }
0x14e: {  	v4 =	vmul.u32 $0x30, v48  }
0x14f: {  	v3 =	vand.u32 $0x7, v3  }
0x150: {  	v3 =	vor.u32 v3, v4  }
0x151: {  	v4 =	vperm.xlane v3, v0;
	_ =	sdelay $0x1  }
0x152: {  	v4 =	vadd.s32 v1, v4;
	_ =	sdelay $0x3  }
0x153: {  	v3 =	vperm.xlane v3, v2  }
0x154: {  	[hbm4b:s3+s2] =	stream.indirect_vreg.scatter [tilespmem:s8], [sflag:$0x1], $0x80, v4, vm0, $0xb8;
	[tilespmem:$0xC400] =	vst v63  }
0x155: {  	v3 =	vadd.s32 v1, v3  }
0x156: {  	[hbm4b:s4+s2] =	stream.indirect_vreg.scatter [tilespmem:s7], [sflag:$0x1], $0x80, v4, vm0, $0xb8;
	[tilespmem:$0xC400] =	vst v63  }
0x157: {  	_ = 	snop  }
0x158: {  	[hbm4b:s5+s2] =	stream.indirect_vreg.scatter [tilespmem:s10], [sflag:$0x1], $0x80, v4, vm0, $0xb8;
	[tilespmem:$0xC400] =	vst v63  }
0x159: {  	_ = 	snop  }
0x15a: {  	[hbm4b:s3+s2] =	stream.indirect_vreg.scatter [tilespmem:s11], [sflag:$0x1], $0x80, v3, vm0, $0xb8;
	[tilespmem:$0xC400] =	vst v63  }
0x15b: {  	_ = 	snop  }
0x15c: {  	[hbm4b:s4+s2] =	stream.indirect_vreg.scatter [tilespmem:s12], [sflag:$0x1], $0x80, v3, vm0, $0xb8;
	[tilespmem:$0xC400] =	vst v63  }
0x15d: {  	_ = 	snop  }
0x15e: {  	[hbm4b:s5+s2] =	stream.indirect_vreg.scatter [tilespmem:s13], [sflag:$0x1], $0x80, v3, vm0, $0xb8;
	[tilespmem:$0xC400] =	vst v63  }
0x15f: {  	v3 =	vld [tilespmem:$0x210];
	_ =	sdelay $0x4  }
0x160: {  	v49 =	vshrl.u32 v3, $0x3  }
0x161: {  	v4 =	vmul.u32 $0x30, v49  }
0x162: {  	v3 =	vand.u32 $0x7, v3  }
0x163: {  	v3 =	vor.u32 v3, v4  }
0x164: {  	v4 =	vperm.xlane v3, v0;
	_ =	sdelay $0x1  }
0x165: {  	v4 =	vadd.s32 v1, v4;
	_ =	sdelay $0x3  }
0x166: {  	v3 =	vperm.xlane v3, v2  }
0x167: {  	[hbm4b:s3+s2] =	stream.indirect_vreg.scatter [tilespmem:s14], [sflag:$0x1], $0x80, v4, vm0, $0xb8;
	[tilespmem:$0xC400] =	vst v63  }
0x168: {  	v3 =	vadd.s32 v1, v3  }
0x169: {  	[hbm4b:s4+s2] =	stream.indirect_vreg.scatter [tilespmem:s15], [sflag:$0x1], $0x80, v4, vm0, $0xb8;
	[tilespmem:$0xC400] =	vst v63  }
0x16a: {  	_ = 	snop  }
0x16b: {  	[hbm4b:s5+s2] =	stream.indirect_vreg.scatter [tilespmem:s16], [sflag:$0x1], $0x80, v4, vm0, $0xb8;
	[tilespmem:$0xC400] =	vst v63  }
0x16c: {  	_ = 	snop  }
0x16d: {  	[hbm4b:s3+s2] =	stream.indirect_vreg.scatter [tilespmem:s17], [sflag:$0x1], $0x80, v3, vm0, $0xb8;
	[tilespmem:$0xC400] =	vst v63  }
0x16e: {  	_ = 	snop  }
0x16f: {  	[hbm4b:s4+s2] =	stream.indirect_vreg.scatter [tilespmem:s18], [sflag:$0x1], $0x80, v3, vm0, $0xb8;
	[tilespmem:$0xC400] =	vst v63  }
0x170: {  	_ = 	snop  }
0x171: {  	[hbm4b:s5+s2] =	stream.indirect_vreg.scatter [tilespmem:s19], [sflag:$0x1], $0x80, v3, vm0, $0xb8;
	[tilespmem:$0xC400] =	vst v63  }
0x172: {  	v3 =	vld [tilespmem:$0x220];
	_ =	sdelay $0x4  }
0x173: {  	v50 =	vshrl.u32 v3, $0x3  }
0x174: {  	v4 =	vmul.u32 $0x30, v50  }
0x175: {  	v3 =	vand.u32 $0x7, v3  }
0x176: {  	v3 =	vor.u32 v3, v4  }
0x177: {  	v4 =	vperm.xlane v3, v0;
	_ =	sdelay $0x1  }
0x178: {  	v4 =	vadd.s32 v1, v4;
	_ =	sdelay $0x3  }
0x179: {  	v3 =	vperm.xlane v3, v2  }
0x17a: {  	[hbm4b:s3+s2] =	stream.indirect_vreg.scatter [tilespmem:s20], [sflag:$0x1], $0x80, v4, vm0, $0xb8;
	[tilespmem:$0xC400] =	vst v63  }
0x17b: {  	v3 =	vadd.s32 v1, v3  }
0x17c: {  	[hbm4b:s4+s2] =	stream.indirect_vreg.scatter [tilespmem:s21], [sflag:$0x1], $0x80, v4, vm0, $0xb8;
	[tilespmem:$0xC400] =	vst v63  }
0x17d: {  	_ = 	snop  }
0x17e: {  	[hbm4b:s5+s2] =	stream.indirect_vreg.scatter [tilespmem:s22], [sflag:$0x1], $0x80, v4, vm0, $0xb8;
	[tilespmem:$0xC400] =	vst v63  }
0x17f: {  	_ = 	snop  }
0x180: {  	[hbm4b:s3+s2] =	stream.indirect_vreg.scatter [tilespmem:s23], [sflag:$0x1], $0x80, v3, vm0, $0xb8;
	[tilespmem:$0xC400] =	vst v63  }
0x181: {  	_ = 	snop  }
0x182: {  	[hbm4b:s4+s2] =	stream.indirect_vreg.scatter [tilespmem:s24], [sflag:$0x1], $0x80, v3, vm0, $0xb8;
	[tilespmem:$0xC400] =	vst v63  }
0x183: {  	_ = 	snop  }
0x184: {  	[hbm4b:s5+s2] =	stream.indirect_vreg.scatter [tilespmem:s25], [sflag:$0x1], $0x80, v3, vm0, $0xb8;
	[tilespmem:$0xC400] =	vst v63  }
0x185: {  	v3 =	vld [tilespmem:$0x230];
	_ =	sdelay $0x4  }
0x186: {  	v51 =	vshrl.u32 v3, $0x3  }
0x187: {  	v4 =	vmul.u32 $0x30, v51  }
0x188: {  	v3 =	vand.u32 $0x7, v3  }
0x189: {  	v3 =	vor.u32 v3, v4  }
0x18a: {  	v4 =	vperm.xlane v3, v0;
	_ =	sdelay $0x1  }
0x18b: {  	v4 =	vadd.s32 v1, v4;
	_ =	sdelay $0x3  }
0x18c: {  	v3 =	vperm.xlane v3, v2  }
0x18d: {  	[hbm4b:s3+s2] =	stream.indirect_vreg.scatter [tilespmem:s26], [sflag:$0x1], $0x80, v4, vm0, $0xb8;
	[tilespmem:$0xC400] =	vst v63  }
0x18e: {  	v3 =	vadd.s32 v1, v3  }
0x18f: {  	[hbm4b:s4+s2] =	stream.indirect_vreg.scatter [tilespmem:s28], [sflag:$0x1], $0x80, v4, vm0, $0xb8;
	[tilespmem:$0xC400] =	vst v63  }
0x190: {  	_ = 	snop  }
0x191: {  	[hbm4b:s5+s2] =	stream.indirect_vreg.scatter [tilespmem:s29], [sflag:$0x1], $0x80, v4, vm0, $0xb8;
	[tilespmem:$0xC400] =	vst v63  }
0x192: {  	_ = 	snop  }
0x193: {  	[hbm4b:s3+s2] =	stream.indirect_vreg.scatter [tilespmem:s30], [sflag:$0x1], $0x80, v3, vm0, $0xb8;
	[tilespmem:$0xC400] =	vst v63  }
0x194: {  	_ = 	snop  }
0x195: {  	[hbm4b:s4+s2] =	stream.indirect_vreg.scatter [tilespmem:s31], [sflag:$0x1], $0x80, v3, vm0, $0xb8;
	[tilespmem:$0xC400] =	vst v63  }
0x196: {  	_ = 	snop  }
0x197: {  	[hbm4b:s5+s2] =	stream.indirect_vreg.scatter [tilespmem:s0], [sflag:$0x1], $0x80, v3, vm0, $0xb8;
	[tilespmem:$0xC400] =	vst v63  }
0x198: {  	v3 =	vld [tilespmem:$0x280];
	_ =	sdelay $0x4  }
0x199: {  	v52 =	vshrl.u32 v3, $0x3  }
0x19a: {  	v4 =	vmul.u32 $0x30, v52  }
0x19b: {  	v3 =	vand.u32 $0x7, v3  }
0x19c: {  	v3 =	vor.u32 v3, v4  }
0x19d: {  	v4 =	vperm.xlane v3, v0;
	_ =	sdelay $0x1  }
0x19e: {  	v4 =	vadd.s32 v1, v4;
	_ =	sdelay $0x3  }
0x19f: {  	v3 =	vperm.xlane v3, v2  }
0x1a0: {  	[hbm4b:s3+s2] =	stream.indirect_vreg.scatter [tilespmem:s8], [sflag:$0x1], $0x80, v4, vm0, $0xb8;
	[tilespmem:$0xC400] =	vst v63  }
0x1a1: {  	v3 =	vadd.s32 v1, v3  }
0x1a2: {  	[hbm4b:s4+s2] =	stream.indirect_vreg.scatter [tilespmem:s7], [sflag:$0x1], $0x80, v4, vm0, $0xb8;
	[tilespmem:$0xC400] =	vst v63  }
0x1a3: {  	_ = 	snop  }
0x1a4: {  	[hbm4b:s5+s2] =	stream.indirect_vreg.scatter [tilespmem:s10], [sflag:$0x1], $0x80, v4, vm0, $0xb8;
	[tilespmem:$0xC400] =	vst v63  }
0x1a5: {  	_ = 	snop  }
0x1a6: {  	[hbm4b:s3+s2] =	stream.indirect_vreg.scatter [tilespmem:s11], [sflag:$0x1], $0x80, v3, vm0, $0xb8;
	[tilespmem:$0xC400] =	vst v63  }
0x1a7: {  	_ = 	snop  }
0x1a8: {  	[hbm4b:s4+s2] =	stream.indirect_vreg.scatter [tilespmem:s12], [sflag:$0x1], $0x80, v3, vm0, $0xb8;
	[tilespmem:$0xC400] =	vst v63  }
0x1a9: {  	_ = 	snop  }
0x1aa: {  	[hbm4b:s5+s2] =	stream.indirect_vreg.scatter [tilespmem:s13], [sflag:$0x1], $0x80, v3, vm0, $0xb8;
	[tilespmem:$0xC400] =	vst v63  }
0x1ab: {  	v3 =	vld [tilespmem:$0x290];
	_ =	sdelay $0x4  }
0x1ac: {  	v53 =	vshrl.u32 v3, $0x3  }
0x1ad: {  	v4 =	vmul.u32 $0x30, v53  }
0x1ae: {  	v3 =	vand.u32 $0x7, v3  }
0x1af: {  	v3 =	vor.u32 v3, v4  }
0x1b0: {  	v4 =	vperm.xlane v3, v0;
	_ =	sdelay $0x1  }
0x1b1: {  	v4 =	vadd.s32 v1, v4;
	_ =	sdelay $0x3  }
0x1b2: {  	v3 =	vperm.xlane v3, v2  }
0x1b3: {  	[hbm4b:s3+s2] =	stream.indirect_vreg.scatter [tilespmem:s14], [sflag:$0x1], $0x80, v4, vm0, $0xb8;
	[tilespmem:$0xC400] =	vst v63  }
0x1b4: {  	v3 =	vadd.s32 v1, v3  }
0x1b5: {  	[hbm4b:s4+s2] =	stream.indirect_vreg.scatter [tilespmem:s15], [sflag:$0x1], $0x80, v4, vm0, $0xb8;
	[tilespmem:$0xC400] =	vst v63  }
0x1b6: {  	_ = 	snop  }
0x1b7: {  	[hbm4b:s5+s2] =	stream.indirect_vreg.scatter [tilespmem:s16], [sflag:$0x1], $0x80, v4, vm0, $0xb8;
	[tilespmem:$0xC400] =	vst v63  }
0x1b8: {  	_ = 	snop  }
0x1b9: {  	[hbm4b:s3+s2] =	stream.indirect_vreg.scatter [tilespmem:s17], [sflag:$0x1], $0x80, v3, vm0, $0xb8;
	[tilespmem:$0xC400] =	vst v63  }
0x1ba: {  	_ = 	snop  }
0x1bb: {  	[hbm4b:s4+s2] =	stream.indirect_vreg.scatter [tilespmem:s18], [sflag:$0x1], $0x80, v3, vm0, $0xb8;
	[tilespmem:$0xC400] =	vst v63  }
0x1bc: {  	_ = 	snop  }
0x1bd: {  	[hbm4b:s5+s2] =	stream.indirect_vreg.scatter [tilespmem:s19], [sflag:$0x1], $0x80, v3, vm0, $0xb8;
	[tilespmem:$0xC400] =	vst v63  }
0x1be: {  	v3 =	vld [tilespmem:$0x2A0];
	_ =	sdelay $0x4  }
0x1bf: {  	v54 =	vshrl.u32 v3, $0x3  }
0x1c0: {  	v4 =	vmul.u32 $0x30, v54  }
0x1c1: {  	v3 =	vand.u32 $0x7, v3  }
0x1c2: {  	v3 =	vor.u32 v3, v4  }
0x1c3: {  	v4 =	vperm.xlane v3, v0;
	_ =	sdelay $0x1  }
0x1c4: {  	v4 =	vadd.s32 v1, v4;
	_ =	sdelay $0x3  }
0x1c5: {  	v3 =	vperm.xlane v3, v2  }
0x1c6: {  	[hbm4b:s3+s2] =	stream.indirect_vreg.scatter [tilespmem:s20], [sflag:$0x1], $0x80, v4, vm0, $0xb8;
	[tilespmem:$0xC400] =	vst v63  }
0x1c7: {  	v3 =	vadd.s32 v1, v3  }
0x1c8: {  	[hbm4b:s4+s2] =	stream.indirect_vreg.scatter [tilespmem:s21], [sflag:$0x1], $0x80, v4, vm0, $0xb8;
	[tilespmem:$0xC400] =	vst v63  }
0x1c9: {  	_ = 	snop  }
0x1ca: {  	[hbm4b:s5+s2] =	stream.indirect_vreg.scatter [tilespmem:s22], [sflag:$0x1], $0x80, v4, vm0, $0xb8;
	[tilespmem:$0xC400] =	vst v63  }
0x1cb: {  	_ = 	snop  }
0x1cc: {  	[hbm4b:s3+s2] =	stream.indirect_vreg.scatter [tilespmem:s23], [sflag:$0x1], $0x80, v3, vm0, $0xb8;
	[tilespmem:$0xC400] =	vst v63  }
0x1cd: {  	_ = 	snop  }
0x1ce: {  	[hbm4b:s4+s2] =	stream.indirect_vreg.scatter [tilespmem:s24], [sflag:$0x1], $0x80, v3, vm0, $0xb8;
	[tilespmem:$0xC400] =	vst v63  }
0x1cf: {  	_ = 	snop  }
0x1d0: {  	[hbm4b:s5+s2] =	stream.indirect_vreg.scatter [tilespmem:s25], [sflag:$0x1], $0x80, v3, vm0, $0xb8;
	[tilespmem:$0xC400] =	vst v63  }
0x1d1: {  	v3 =	vld [tilespmem:$0x2B0];
	_ =	sdelay $0x4  }
0x1d2: {  	v55 =	vshrl.u32 v3, $0x3  }
0x1d3: {  	v4 =	vmul.u32 $0x30, v55  }
0x1d4: {  	v3 =	vand.u32 $0x7, v3  }
0x1d5: {  	v3 =	vor.u32 v3, v4  }
0x1d6: {  	v4 =	vperm.xlane v3, v0;
	_ =	sdelay $0x1  }
0x1d7: {  	v4 =	vadd.s32 v1, v4;
	_ =	sdelay $0x3  }
0x1d8: {  	v3 =	vperm.xlane v3, v2  }
0x1d9: {  	[hbm4b:s3+s2] =	stream.indirect_vreg.scatter [tilespmem:s26], [sflag:$0x1], $0x80, v4, vm0, $0xb8;
	[tilespmem:$0xC400] =	vst v63  }
0x1da: {  	v3 =	vadd.s32 v1, v3  }
0x1db: {  	[hbm4b:s4+s2] =	stream.indirect_vreg.scatter [tilespmem:s28], [sflag:$0x1], $0x80, v4, vm0, $0xb8;
	[tilespmem:$0xC400] =	vst v63  }
0x1dc: {  	_ = 	snop  }
0x1dd: {  	[hbm4b:s5+s2] =	stream.indirect_vreg.scatter [tilespmem:s29], [sflag:$0x1], $0x80, v4, vm0, $0xb8;
	[tilespmem:$0xC400] =	vst v63  }
0x1de: {  	_ = 	snop  }
0x1df: {  	[hbm4b:s3+s2] =	stream.indirect_vreg.scatter [tilespmem:s30], [sflag:$0x1], $0x80, v3, vm0, $0xb8;
	[tilespmem:$0xC400] =	vst v63  }
0x1e0: {  	_ = 	snop  }
0x1e1: {  	[hbm4b:s4+s2] =	stream.indirect_vreg.scatter [tilespmem:s31], [sflag:$0x1], $0x80, v3, vm0, $0xb8;
	[tilespmem:$0xC400] =	vst v63  }
0x1e2: {  	_ = 	snop  }
0x1e3: {  	[hbm4b:s5+s2] =	stream.indirect_vreg.scatter [tilespmem:s0], [sflag:$0x1], $0x80, v3, vm0, $0xb8;
	[tilespmem:$0xC400] =	vst v63  }
0x1e4: {  	v3 =	vld [tilespmem:$0x300];
	_ =	sdelay $0x4  }
0x1e5: {  	v56 =	vshrl.u32 v3, $0x3  }
0x1e6: {  	v4 =	vmul.u32 $0x30, v56  }
0x1e7: {  	v3 =	vand.u32 $0x7, v3  }
0x1e8: {  	v3 =	vor.u32 v3, v4  }
0x1e9: {  	v4 =	vperm.xlane v3, v0;
	_ =	sdelay $0x1  }
0x1ea: {  	v4 =	vadd.s32 v1, v4;
	_ =	sdelay $0x3  }
0x1eb: {  	v3 =	vperm.xlane v3, v2  }
0x1ec: {  	[hbm4b:s3+s2] =	stream.indirect_vreg.scatter [tilespmem:s8], [sflag:$0x1], $0x80, v4, vm0, $0xb8;
	[tilespmem:$0xC400] =	vst v63  }
0x1ed: {  	v3 =	vadd.s32 v1, v3  }
0x1ee: {  	[hbm4b:s4+s2] =	stream.indirect_vreg.scatter [tilespmem:s7], [sflag:$0x1], $0x80, v4, vm0, $0xb8;
	[tilespmem:$0xC400] =	vst v63  }
0x1ef: {  	_ = 	snop  }
0x1f0: {  	[hbm4b:s5+s2] =	stream.indirect_vreg.scatter [tilespmem:s10], [sflag:$0x1], $0x80, v4, vm0, $0xb8;
	[tilespmem:$0xC400] =	vst v63  }
0x1f1: {  	_ = 	snop  }
0x1f2: {  	[hbm4b:s3+s2] =	stream.indirect_vreg.scatter [tilespmem:s11], [sflag:$0x1], $0x80, v3, vm0, $0xb8;
	[tilespmem:$0xC400] =	vst v63  }
0x1f3: {  	_ = 	snop  }
0x1f4: {  	[hbm4b:s4+s2] =	stream.indirect_vreg.scatter [tilespmem:s12], [sflag:$0x1], $0x80, v3, vm0, $0xb8;
	[tilespmem:$0xC400] =	vst v63  }
0x1f5: {  	_ = 	snop  }
0x1f6: {  	[hbm4b:s5+s2] =	stream.indirect_vreg.scatter [tilespmem:s13], [sflag:$0x1], $0x80, v3, vm0, $0xb8;
	[tilespmem:$0xC400] =	vst v63  }
0x1f7: {  	v3 =	vld [tilespmem:$0x310];
	_ =	sdelay $0x4  }
0x1f8: {  	v57 =	vshrl.u32 v3, $0x3  }
0x1f9: {  	v4 =	vmul.u32 $0x30, v57  }
0x1fa: {  	v3 =	vand.u32 $0x7, v3  }
0x1fb: {  	v3 =	vor.u32 v3, v4  }
0x1fc: {  	v4 =	vperm.xlane v3, v0;
	_ =	sdelay $0x1  }
0x1fd: {  	v4 =	vadd.s32 v1, v4;
	_ =	sdelay $0x3  }
0x1fe: {  	v3 =	vperm.xlane v3, v2  }
0x1ff: {  	[hbm4b:s3+s2] =	stream.indirect_vreg.scatter [tilespmem:s14], [sflag:$0x1], $0x80, v4, vm0, $0xb8;
	[tilespmem:$0xC400] =	vst v63  }
0x200: {  	v3 =	vadd.s32 v1, v3  }
0x201: {  	[hbm4b:s4+s2] =	stream.indirect_vreg.scatter [tilespmem:s15], [sflag:$0x1], $0x80, v4, vm0, $0xb8;
	[tilespmem:$0xC400] =	vst v63  }
0x202: {  	_ = 	snop  }
0x203: {  	[hbm4b:s5+s2] =	stream.indirect_vreg.scatter [tilespmem:s16], [sflag:$0x1], $0x80, v4, vm0, $0xb8;
	[tilespmem:$0xC400] =	vst v63  }
0x204: {  	_ = 	snop  }
0x205: {  	[hbm4b:s3+s2] =	stream.indirect_vreg.scatter [tilespmem:s17], [sflag:$0x1], $0x80, v3, vm0, $0xb8;
	[tilespmem:$0xC400] =	vst v63  }
0x206: {  	_ = 	snop  }
0x207: {  	[hbm4b:s4+s2] =	stream.indirect_vreg.scatter [tilespmem:s18], [sflag:$0x1], $0x80, v3, vm0, $0xb8;
	[tilespmem:$0xC400] =	vst v63  }
0x208: {  	_ = 	snop  }
0x209: {  	[hbm4b:s5+s2] =	stream.indirect_vreg.scatter [tilespmem:s19], [sflag:$0x1], $0x80, v3, vm0, $0xb8;
	[tilespmem:$0xC400] =	vst v63  }
0x20a: {  	v3 =	vld [tilespmem:$0x320];
	_ =	sdelay $0x4  }
0x20b: {  	v58 =	vshrl.u32 v3, $0x3  }
0x20c: {  	v4 =	vmul.u32 $0x30, v58  }
0x20d: {  	v3 =	vand.u32 $0x7, v3  }
0x20e: {  	v3 =	vor.u32 v3, v4  }
0x20f: {  	v4 =	vperm.xlane v3, v0;
	_ =	sdelay $0x1  }
0x210: {  	v4 =	vadd.s32 v1, v4;
	_ =	sdelay $0x3  }
0x211: {  	v3 =	vperm.xlane v3, v2  }
0x212: {  	[hbm4b:s3+s2] =	stream.indirect_vreg.scatter [tilespmem:s20], [sflag:$0x1], $0x80, v4, vm0, $0xb8;
	[tilespmem:$0xC400] =	vst v63  }
0x213: {  	v3 =	vadd.s32 v1, v3  }
0x214: {  	[hbm4b:s4+s2] =	stream.indirect_vreg.scatter [tilespmem:s21], [sflag:$0x1], $0x80, v4, vm0, $0xb8;
	[tilespmem:$0xC400] =	vst v63  }
0x215: {  	_ = 	snop  }
0x216: {  	[hbm4b:s5+s2] =	stream.indirect_vreg.scatter [tilespmem:s22], [sflag:$0x1], $0x80, v4, vm0, $0xb8;
	[tilespmem:$0xC400] =	vst v63  }
0x217: {  	_ = 	snop  }
0x218: {  	[hbm4b:s3+s2] =	stream.indirect_vreg.scatter [tilespmem:s23], [sflag:$0x1], $0x80, v3, vm0, $0xb8;
	[tilespmem:$0xC400] =	vst v63  }
0x219: {  	_ = 	snop  }
0x21a: {  	[hbm4b:s4+s2] =	stream.indirect_vreg.scatter [tilespmem:s24], [sflag:$0x1], $0x80, v3, vm0, $0xb8;
	[tilespmem:$0xC400] =	vst v63  }
0x21b: {  	_ = 	snop  }
0x21c: {  	[hbm4b:s5+s2] =	stream.indirect_vreg.scatter [tilespmem:s25], [sflag:$0x1], $0x80, v3, vm0, $0xb8;
	[tilespmem:$0xC400] =	vst v63  }
0x21d: {  	v3 =	vld [tilespmem:$0x330];
	_ =	sdelay $0x4  }
0x21e: {  	v59 =	vshrl.u32 v3, $0x3  }
0x21f: {  	v4 =	vmul.u32 $0x30, v59  }
0x220: {  	v3 =	vand.u32 $0x7, v3  }
0x221: {  	v3 =	vor.u32 v3, v4  }
0x222: {  	v4 =	vperm.xlane v3, v0;
	_ =	sdelay $0x1  }
0x223: {  	v4 =	vadd.s32 v1, v4;
	_ =	sdelay $0x3  }
0x224: {  	v3 =	vperm.xlane v3, v2  }
0x225: {  	[hbm4b:s3+s2] =	stream.indirect_vreg.scatter [tilespmem:s26], [sflag:$0x1], $0x80, v4, vm0, $0xb8;
	[tilespmem:$0xC400] =	vst v63  }
0x226: {  	v3 =	vadd.s32 v1, v3  }
0x227: {  	[hbm4b:s4+s2] =	stream.indirect_vreg.scatter [tilespmem:s28], [sflag:$0x1], $0x80, v4, vm0, $0xb8;
	[tilespmem:$0xC400] =	vst v63  }
0x228: {  	_ = 	snop  }
0x229: {  	[hbm4b:s5+s2] =	stream.indirect_vreg.scatter [tilespmem:s29], [sflag:$0x1], $0x80, v4, vm0, $0xb8;
	[tilespmem:$0xC400] =	vst v63  }
0x22a: {  	_ = 	snop  }
0x22b: {  	[hbm4b:s3+s2] =	stream.indirect_vreg.scatter [tilespmem:s30], [sflag:$0x1], $0x80, v3, vm0, $0xb8;
	[tilespmem:$0xC400] =	vst v63  }
0x22c: {  	_ = 	snop  }
0x22d: {  	[hbm4b:s4+s2] =	stream.indirect_vreg.scatter [tilespmem:s31], [sflag:$0x1], $0x80, v3, vm0, $0xb8;
	[tilespmem:$0xC400] =	vst v63  }
0x22e: {  	_ = 	snop  }
0x22f: {  	[hbm4b:s5+s2] =	stream.indirect_vreg.scatter [tilespmem:s0], [sflag:$0x1], $0x80, v3, vm0, $0xb8;
	[tilespmem:$0xC400] =	vst v63  }
0x230: {  	v3 =	vld [tilespmem:$0x380];
	_ =	sdelay $0x4  }
0x231: {  	v60 =	vshrl.u32 v3, $0x3  }
0x232: {  	v4 =	vmul.u32 $0x30, v60  }
0x233: {  	v3 =	vand.u32 $0x7, v3  }
0x234: {  	v3 =	vor.u32 v3, v4  }
0x235: {  	v4 =	vperm.xlane v3, v0;
	_ =	sdelay $0x1  }
0x236: {  	v4 =	vadd.s32 v1, v4;
	_ =	sdelay $0x3  }
0x237: {  	v3 =	vperm.xlane v3, v2  }
0x238: {  	[hbm4b:s3+s2] =	stream.indirect_vreg.scatter [tilespmem:s8], [sflag:$0x1], $0x80, v4, vm0, $0xb8;
	[tilespmem:$0xC400] =	vst v63  }
0x239: {  	v3 =	vadd.s32 v1, v3  }
0x23a: {  	[hbm4b:s4+s2] =	stream.indirect_vreg.scatter [tilespmem:s7], [sflag:$0x1], $0x80, v4, vm0, $0xb8;
	[tilespmem:$0xC400] =	vst v63  }
0x23b: {  	_ = 	snop  }
0x23c: {  	[hbm4b:s5+s2] =	stream.indirect_vreg.scatter [tilespmem:s10], [sflag:$0x1], $0x80, v4, vm0, $0xb8;
	[tilespmem:$0xC400] =	vst v63  }
0x23d: {  	_ = 	snop  }
0x23e: {  	[hbm4b:s3+s2] =	stream.indirect_vreg.scatter [tilespmem:s11], [sflag:$0x1], $0x80, v3, vm0, $0xb8;
	[tilespmem:$0xC400] =	vst v63  }
0x23f: {  	_ = 	snop  }
0x240: {  	[hbm4b:s4+s2] =	stream.indirect_vreg.scatter [tilespmem:s12], [sflag:$0x1], $0x80, v3, vm0, $0xb8;
	[tilespmem:$0xC400] =	vst v63  }
0x241: {  	_ = 	snop  }
0x242: {  	[hbm4b:s5+s2] =	stream.indirect_vreg.scatter [tilespmem:s13], [sflag:$0x1], $0x80, v3, vm0, $0xb8;
	[tilespmem:$0xC400] =	vst v63  }
0x243: {  	v3 =	vld [tilespmem:$0x390];
	_ =	sdelay $0x4  }
0x244: {  	v61 =	vshrl.u32 v3, $0x3  }
0x245: {  	v4 =	vmul.u32 $0x30, v61  }
0x246: {  	v3 =	vand.u32 $0x7, v3  }
0x247: {  	v3 =	vor.u32 v3, v4  }
0x248: {  	v4 =	vperm.xlane v3, v0;
	_ =	sdelay $0x1  }
0x249: {  	v4 =	vadd.s32 v1, v4;
	_ =	sdelay $0x3  }
0x24a: {  	v3 =	vperm.xlane v3, v2  }
0x24b: {  	[hbm4b:s3+s2] =	stream.indirect_vreg.scatter [tilespmem:s14], [sflag:$0x1], $0x80, v4, vm0, $0xb8;
	[tilespmem:$0xC400] =	vst v63  }
0x24c: {  	v3 =	vadd.s32 v1, v3  }
0x24d: {  	[hbm4b:s4+s2] =	stream.indirect_vreg.scatter [tilespmem:s15], [sflag:$0x1], $0x80, v4, vm0, $0xb8;
	[tilespmem:$0xC400] =	vst v63  }
0x24e: {  	_ = 	snop  }
0x24f: {  	[hbm4b:s5+s2] =	stream.indirect_vreg.scatter [tilespmem:s16], [sflag:$0x1], $0x80, v4, vm0, $0xb8;
	[tilespmem:$0xC400] =	vst v63  }
0x250: {  	_ = 	snop  }
0x251: {  	[hbm4b:s3+s2] =	stream.indirect_vreg.scatter [tilespmem:s17], [sflag:$0x1], $0x80, v3, vm0, $0xb8;
	[tilespmem:$0xC400] =	vst v63  }
0x252: {  	_ = 	snop  }
0x253: {  	[hbm4b:s4+s2] =	stream.indirect_vreg.scatter [tilespmem:s18], [sflag:$0x1], $0x80, v3, vm0, $0xb8;
	[tilespmem:$0xC400] =	vst v63  }
0x254: {  	_ = 	snop  }
0x255: {  	[hbm4b:s5+s2] =	stream.indirect_vreg.scatter [tilespmem:s19], [sflag:$0x1], $0x80, v3, vm0, $0xb8;
	[tilespmem:$0xC400] =	vst v63  }
0x256: {  	v3 =	vld [tilespmem:$0x3A0];
	_ =	sdelay $0x4  }
0x257: {  	v62 =	vshrl.u32 v3, $0x3  }
0x258: {  	v4 =	vmul.u32 $0x30, v62  }
0x259: {  	v3 =	vand.u32 $0x7, v3  }
0x25a: {  	v3 =	vor.u32 v3, v4  }
0x25b: {  	v4 =	vperm.xlane v3, v0;
	_ =	sdelay $0x1  }
0x25c: {  	v4 =	vadd.s32 v1, v4;
	_ =	sdelay $0x3  }
0x25d: {  	v3 =	vperm.xlane v3, v2  }
0x25e: {  	[hbm4b:s3+s2] =	stream.indirect_vreg.scatter [tilespmem:s20], [sflag:$0x1], $0x80, v4, vm0, $0xb8;
	[tilespmem:$0xC400] =	vst v63  }
0x25f: {  	v3 =	vadd.s32 v1, v3  }
0x260: {  	[hbm4b:s4+s2] =	stream.indirect_vreg.scatter [tilespmem:s21], [sflag:$0x1], $0x80, v4, vm0, $0xb8;
	[tilespmem:$0xC400] =	vst v63  }
0x261: {  	_ = 	snop  }
0x262: {  	[hbm4b:s5+s2] =	stream.indirect_vreg.scatter [tilespmem:s22], [sflag:$0x1], $0x80, v4, vm0, $0xb8;
	[tilespmem:$0xC400] =	vst v63  }
0x263: {  	_ = 	snop  }
0x264: {  	[hbm4b:s3+s2] =	stream.indirect_vreg.scatter [tilespmem:s23], [sflag:$0x1], $0x80, v3, vm0, $0xb8;
	[tilespmem:$0xC400] =	vst v63  }
0x265: {  	_ = 	snop  }
0x266: {  	[hbm4b:s4+s2] =	stream.indirect_vreg.scatter [tilespmem:s24], [sflag:$0x1], $0x80, v3, vm0, $0xb8;
	[tilespmem:$0xC400] =	vst v63  }
0x267: {  	_ = 	snop  }
0x268: {  	[hbm4b:s5+s2] =	stream.indirect_vreg.scatter [tilespmem:s25], [sflag:$0x1], $0x80, v3, vm0, $0xb8;
	[tilespmem:$0xC400] =	vst v63  }
0x269: {  	v3 =	vld [tilespmem:$0x3B0];
	_ =	sdelay $0x4  }
0x26a: {  	v63 =	vshrl.u32 v3, $0x3  }
0x26b: {  	v4 =	vmul.u32 $0x30, v63  }
0x26c: {  	v3 =	vand.u32 $0x7, v3  }
0x26d: {  	v3 =	vor.u32 v3, v4  }
0x26e: {  	v4 =	vperm.xlane v3, v0;
	_ =	sdelay $0x1  }
0x26f: {  	v4 =	vadd.s32 v1, v4;
	_ =	sdelay $0x3  }
0x270: {  	v3 =	vperm.xlane v3, v2  }
0x271: {  	[hbm4b:s3+s2] =	stream.indirect_vreg.scatter [tilespmem:s26], [sflag:$0x1], $0x80, v4, vm0, $0xb8;
	[tilespmem:$0xC400] =	vst v63  }
0x272: {  	v3 =	vadd.s32 v1, v3  }
0x273: {  	[hbm4b:s4+s2] =	stream.indirect_vreg.scatter [tilespmem:s28], [sflag:$0x1], $0x80, v4, vm0, $0xb8;
	[tilespmem:$0xC400] =	vst v63  }
0x274: {  	_ = 	snop  }
0x275: {  	[hbm4b:s5+s2] =	stream.indirect_vreg.scatter [tilespmem:s29], [sflag:$0x1], $0x80, v4, vm0, $0xb8;
	[tilespmem:$0xC400] =	vst v63  }
0x276: {  	_ = 	snop  }
0x277: {  	[hbm4b:s3+s2] =	stream.indirect_vreg.scatter [tilespmem:s30], [sflag:$0x1], $0x80, v3, vm0, $0xb8;
	[tilespmem:$0xC400] =	vst v63  }
0x278: {  	_ = 	snop  }
0x279: {  	[hbm4b:s4+s2] =	stream.indirect_vreg.scatter [tilespmem:s31], [sflag:$0x1], $0x80, v3, vm0, $0xb8;
	[tilespmem:$0xC400] =	vst v63  }
0x27a: {  	_ = 	snop  }
0x27b: {  	[hbm4b:s5+s2] =	stream.indirect_vreg.scatter [tilespmem:s0], [sflag:$0x1], $0x80, v3, vm0, $0xb8;
	[tilespmem:$0xC400] =	vst v63  }
0x27c: {  	_ =	swait.ge [sflag:s1], $0xC000  }
0x27d: {  	[sflag:s1] =	ssyncset.done $0x0  }
0x27e: {  	[sflag:s1] =	ssyncadd.s32 $0xFFFF4000  }
0x27f: {  	_ =	swait.ge [sflag:s1], $0xC000  }
0x280: {  	[sflag:s1] =	ssyncset.done $0x0  }
0x281: {  	[sflag:s1] =	ssyncadd.s32 $0xFFFF4000  }
0x282: {  	_ =	swait.ge [sflag:s1], $0xC000  }
0x283: {  	[sflag:s1] =	ssyncset.done $0x0  }
0x284: {  	[sflag:s1] =	ssyncadd.s32 $0xFFFF4000  }
0x285: {  	_ =	swait.ge [sflag:s1], $0xC000  }
0x286: {  	[sflag:s1] =	ssyncset.done $0x0  }
0x287: {  	[sflag:s1] =	ssyncadd.s32 $0xFFFF4000  }
0x288: {  	_ =	swait.ge [sflag:s1], $0xC000  }
0x289: {  	[sflag:s1] =	ssyncset.done $0x0  }
0x28a: {  	[sflag:s1] =	ssyncadd.s32 $0xFFFF4000  }
0x28b: {  	_ =	swait.ge [sflag:s1], $0xC000  }
0x28c: {  	[sflag:s1] =	ssyncset.done $0x0  }
0x28d: {  	[sflag:s1] =	ssyncadd.s32 $0xFFFF4000  }
0x28e: {  	p0 =	sne.s32 s6, $0x1;
	_ =	swait.ge [sflag:s1], $0xC000  }
.Ltmp0:
0x28f: {  	[sflag:s1] =	ssyncset.done $0x0;
	(pc) =	sbr.rel @p0 .LBB2_1-.Ltmp0, $4  }
0x290: {  	[sflag:s1] =	ssyncadd.s32 $0xFFFF4000  }
0x291: {  	_ =	swait.ge [sflag:s1], $0xC000  }
0x292: {  	[sflag:s1] =	ssyncset.done $0x0  }
0x293: {  	s6 =	sadd.s32 $0xFFFFFFFF, s6;
	[sflag:s1] =	ssyncadd.s32 $0xFFFF4000  }
0x294: {  	_ =	sfence.sel $0x180000  }
0x295: {  	[bflag:$0x0] =	sbarrier.arrive $0xFFFF  }
0x296: {  	_ =	strace $0x90000047  }
0x297: {  	s0 =	stileid.u32;
	[bflag:$0x2] =	sbarrier.arrive $0xFFFF  }
0x298: {  	p0 =	sne.s32 s0, $0x0;
	s0 =	rddreg [dreg:$0x2]  }
0x299: {  	s0 =	sadd.s32 @!p0 $0x100000, s0  }
0x29a: {  	[sflag:s0] =	ssyncadd.tile.s32 @!p0 $0x1;
	_ =	shalt  }
.Lfunc_end2:
_tile_overlayer_lowered:
.L_overlay_start_2:
0x29b: {  	(tag) =	ssettag $0x2  }
0x29c: {  	s0 =	rddreg [dreg:$0x0];
	s2 =	stileid.u32  }
0x29d: {  	s1 =	rddreg [dreg:$0x1];
	p0 =	sne.s32 s2, $0x0  }
0x29e: {  	s3 =	rddreg [dreg:$0x2];
	[bflag:$0x3] =	sbarrier.arrive $0xFFFF;
	s2 =	simm.s32 @!p0 $0x1C02  }
0x29f: {  	[timem:s3], [sflag:s2] =	dma.local @!p0 [hbm:s0], s1  }
0x2a0: {  	s0 =	simm.s32 @!p0 $0x2  }
0x2a1: {  	_ =	swait.ge @!p0 [sflag:s0], s1  }
0x2a2: {  	s1 =	ssub.s32 @!p0 $0x0, s1;
	[sflag:s0] =	ssyncset.done @!p0 $0x0  }
0x2a3: {  	[sflag:s0] =	ssyncadd.s32 @!p0 s1  }
0x2a4: {  	[bflag:$0x3] =	sbarrier.arrive $0xFFFF  }
0x2a5: {  	_ =	shalt  }

</sc_bundles>
